<compile_context>
chip_gen: v7x
topology: tpu7x:2x2x1
jax: 0.10.2.dev20260603
libtpu: 0.0.44.dev20260713+nightly
codegen_flags: <defaults>
</compile_context>

<pallas_src>
import functools

import jax
import jax.numpy as jnp
from jax import lax
from jax.experimental import pallas as pl
from jax.experimental.pallas import tpu as pltpu
from jax.experimental.pallas import tpu_sc as plsc

B = 16384
L = 200
D = 32
NC = 2
NS = 16
NW = NC * NS
ROWS_PER_W = B // NW
C = 8
CHUNKS = ROWS_PER_W // C
CL = C * L
UN = 8


def _sc_lookup_mean(x_flat, table):
    mesh = plsc.VectorSubcoreMesh(core_axis_name="c", subcore_axis_name="s")

    @functools.partial(
        pl.kernel,
        out_type=jax.ShapeDtypeStruct((B, D), jnp.float32),
        mesh=mesh,
        scratch_types=[
            pltpu.VMEM((CL,), jnp.int32),
            pltpu.VMEM((CL,), jnp.int32),
            pltpu.VMEM((CL, D), jnp.float32),
            pltpu.VMEM((CL, D), jnp.float32),
            pltpu.VMEM((C, D), jnp.float32),
            pltpu.VMEM((C, D), jnp.float32),
            pltpu.SemaphoreType.DMA,
            pltpu.SemaphoreType.DMA,
            pltpu.SemaphoreType.DMA,
            pltpu.SemaphoreType.DMA,
            pltpu.SemaphoreType.DMA,
            pltpu.SemaphoreType.DMA,
        ],
        compiler_params=pltpu.CompilerParams(use_tc_tiling_on_sc=False),
    )
    def body(x_hbm, tbl_hbm, out_hbm, idx0, idx1, gbuf0, gbuf1, obuf0, obuf1,
             gsem0, gsem1, isem0, isem1, osem0, osem1):
        wid = lax.axis_index("s") * NC + lax.axis_index("c")
        base = wid * ROWS_PER_W
        scale = jnp.float32(1.0 / L)
        idx = (idx0, idx1)
        gbuf = (gbuf0, gbuf1)
        obuf = (obuf0, obuf1)
        gsem = (gsem0, gsem1)
        isem = (isem0, isem1)
        osem = (osem0, osem1)

        def prefetch_idx(gq, b):
            row0 = base + gq * C
            pltpu.async_copy(x_hbm.at[pl.ds(row0 * L, CL)], idx[b], isem[b])

        def fire(b):
            pltpu.make_async_copy(x_hbm.at[pl.ds(0, CL)], idx[b],
                                  isem[b]).wait()
            pltpu.async_copy(tbl_hbm.at[idx[b]], gbuf[b], gsem[b])

        def drain(b):
            pltpu.make_async_copy(tbl_hbm.at[idx[b]], gbuf[b], gsem[b]).wait()

        def reduce_store(gq, b):
            row0 = base + gq * C
            pltpu.make_async_copy(obuf[b], out_hbm.at[pl.ds(0, C), :],
                                  osem[b]).wait()
            for c in range(C):
                def step(jj, acc, c=c):
                    a0, a1, b0, b1 = acc
                    r = c * L + jj * UN
                    for u in range(0, UN, 2):
                        a0 = a0 + gbuf[b][r + u, pl.ds(0, 16)]
                        a1 = a1 + gbuf[b][r + u, pl.ds(16, 16)]
                        b0 = b0 + gbuf[b][r + u + 1, pl.ds(0, 16)]
                        b1 = b1 + gbuf[b][r + u + 1, pl.ds(16, 16)]
                    return (a0, a1, b0, b1)
                z = jnp.zeros((16,), jnp.float32)
                a0, a1, b0, b1 = lax.fori_loop(0, L // UN, step, (z, z, z, z))
                obuf[b][c, pl.ds(0, 16)] = (a0 + b0) * scale
                obuf[b][c, pl.ds(16, 16)] = (a1 + b1) * scale
            pltpu.async_copy(obuf[b], out_hbm.at[pl.ds(row0, C), :], osem[b])

        prefetch_idx(0, 0)
        fire(0)
        prefetch_idx(1, 1)
        pltpu.async_copy(obuf0, out_hbm.at[pl.ds(base, C), :], osem0)
        pltpu.async_copy(obuf1, out_hbm.at[pl.ds(base + C, C), :], osem1)

        def pair(k, carry):
            c0 = 2 * k
            c1 = 2 * k + 1
            fire(1)
            drain(0)

            @pl.when(c1 + 1 < CHUNKS)
            def _():
                prefetch_idx(c0 + 2, 0)

            reduce_store(c0, 0)

            @pl.when(c1 + 1 < CHUNKS)
            def _():
                fire(0)

            drain(1)

            @pl.when(c1 + 2 < CHUNKS)
            def _():
                prefetch_idx(c1 + 2, 1)

            reduce_store(c1, 1)
            return carry

        lax.fori_loop(0, CHUNKS // 2, pair, 0)
        pltpu.make_async_copy(obuf0, out_hbm.at[pl.ds(0, C), :], osem0).wait()
        pltpu.make_async_copy(obuf1, out_hbm.at[pl.ds(0, C), :], osem1).wait()

    return body(x_flat, table)


def kernel(x, table):
    x_flat = x.reshape(B * L)
    return _sc_lookup_mean(x_flat, table)

# --- scband reference (transcript-rebuilt; emitter-appended) ---
"""Pipeline reference for scband-count-morgan-atom-embedding-61907658604846 (READ-ONLY COPY).

The authoritative reference and input builder live on the scoring server;
editing this copy changes nothing except your own understanding.
"""

import jax, jax.numpy as jnp
import numpy as np

EMBED_DIM = 32
ATOM_COUNT = 956088  # 13279 * 72
BATCH = 16384
HIST_LEN = 200


def setup_inputs(seed: int = 0) -> dict:
    key = jax.random.key(seed)
    k1, k2 = jax.random.split(key)
    x = jax.random.randint(k1, (BATCH, HIST_LEN), 0, ATOM_COUNT + 1, dtype=jnp.int32)
    table = jax.random.normal(k2, (ATOM_COUNT + 1, EMBED_DIM), dtype=jnp.float32)
    # padding_idx=0 -> row 0 is zeros
    table = table.at[0].set(0.0)
    return {"x": x, "table": table}


def reference(x, table):
    # nn.Embedding lookup with padding_idx=0 (row 0 zeroed in setup),
    # then mean over the sequence dimension (dim=1)
    emb = jnp.take(table, x, axis=0)  # [B, L, D]
    return jnp.mean(emb, axis=1)      # [B, D]

if __name__ == "__main__":
    import jax
    _d = setup_inputs()
    print(jax.jit(kernel)(*tuple(_d.values())))

</pallas_src>

<mosaic_0001>
#map = affine_map<(d0, d1) -> (0)>
#map1 = affine_map<(d0, d1) -> (0, 0)>
module attributes {stable_mosaic.version = 14 : i64} {
  func.func @body(%arg0: i32, %arg1: i32, %arg2: memref<3276800xi32, #tpu.memory_space<hbm>>, %arg3: memref<956089x32xf32, #tpu.memory_space<hbm>>, %arg4: memref<16384x32xf32, #tpu.memory_space<hbm>>, %arg5: memref<1600xi32, #tpu.memory_space<vmem>>, %arg6: memref<1600xi32, #tpu.memory_space<vmem>>, %arg7: memref<1600x32xf32, #tpu.memory_space<vmem>>, %arg8: memref<1600x32xf32, #tpu.memory_space<vmem>>, %arg9: memref<8x32xf32, #tpu.memory_space<vmem>>, %arg10: memref<8x32xf32, #tpu.memory_space<vmem>>, %arg11: memref<!tpu.dma_semaphore, #tpu.memory_space<semaphore_mem>>, %arg12: memref<!tpu.dma_semaphore, #tpu.memory_space<semaphore_mem>>, %arg13: memref<!tpu.dma_semaphore, #tpu.memory_space<semaphore_mem>>, %arg14: memref<!tpu.dma_semaphore, #tpu.memory_space<semaphore_mem>>, %arg15: memref<!tpu.dma_semaphore, #tpu.memory_space<semaphore_mem>>, %arg16: memref<!tpu.dma_semaphore, #tpu.memory_space<semaphore_mem>>) attributes {dimension_semantics = [#tpu.dimension_semantics<core_parallel>, #tpu.dimension_semantics<subcore_parallel>], iteration_bounds = array<i64: 2, 16>, scalar_prefetch = 0 : i64, scratch_operands = 12 : i64, tpu.core_type = #tpu.core_type<sc_vector_subcore>, window_params = [{transform_indices = #map}, {transform_indices = #map1}, {transform_indices = #map1}]} {
    %mul3A = arith.constant 2 : i32
    %mul3A_0 = arith.muli %arg1, %mul3A : i32
    %add3A = arith.addi %mul3A_0, %arg0 : i32
    %mul3A_1 = arith.constant 512 : i32
    %mul3A_2 = arith.muli %add3A, %mul3A_1 : i32
    %add3A_3 = arith.constant 0 : i32
    %add3A_4 = arith.addi %mul3A_2, %add3A_3 : i32
    %mul3A_5 = arith.constant 200 : i32
    %mul3A_6 = arith.muli %add3A_4, %mul3A_5 : i32
    %dma_start3A = tpu.memref_slice %arg2[%mul3A_6] : memref<3276800xi32, #tpu.memory_space<hbm>> -> memref<1600xi32, #tpu.memory_space<hbm>>
    %dma_start3A_7 = tpu.memref_slice %arg2[%mul3A_6] : memref<3276800xi32, #tpu.memory_space<hbm>> -> memref<1600xi32, #tpu.memory_space<hbm>>
    tpu.enqueue_dma source(%dma_start3A_7 : memref<1600xi32, #tpu.memory_space<hbm>>) target(%arg5 : memref<1600xi32, #tpu.memory_space<vmem>>) target_semaphore(%arg13 : memref<!tpu.dma_semaphore, #tpu.memory_space<semaphore_mem>>)
    %dma_wait3A = arith.constant 0 : i32
    %dma_wait3A_8 = tpu.memref_slice %arg2[%dma_wait3A] : memref<3276800xi32, #tpu.memory_space<hbm>> -> memref<1600xi32, #tpu.memory_space<hbm>>
    %dma_wait3A_9 = arith.constant 0 : i32
    %dma_wait3A_10 = tpu.memref_slice %arg2[%dma_wait3A_9] : memref<3276800xi32, #tpu.memory_space<hbm>> -> memref<1600xi32, #tpu.memory_space<hbm>>
    tpu.wait_dma2 semaphore(%arg13 : memref<!tpu.dma_semaphore, #tpu.memory_space<semaphore_mem>>) src(%dma_wait3A_10 : memref<1600xi32, #tpu.memory_space<hbm>>) dst(%arg5 : memref<1600xi32, #tpu.memory_space<vmem>>)
    %dma_start3A_11 = arith.constant 0 : i32
    %dma_start3A_12 = arith.constant 0 : i32
    %dma_start3A_13 = tpu.memref_slice %arg3[%dma_start3A_11, %dma_start3A_12] : memref<956089x32xf32, #tpu.memory_space<hbm>> -> memref<956089x32xf32, #tpu.memory_space<hbm>>
    tpu.enqueue_indirect_dma source(%dma_start3A_13 : memref<956089x32xf32, #tpu.memory_space<hbm>>) target(%arg7 : memref<1600x32xf32, #tpu.memory_space<vmem>>) offsets(%arg5 : memref<1600xi32, #tpu.memory_space<vmem>>) semaphore(%arg11 : memref<!tpu.dma_semaphore, #tpu.memory_space<semaphore_mem>>)
    %add3A_14 = arith.constant 8 : i32
    %add3A_15 = arith.addi %mul3A_2, %add3A_14 : i32
    %mul3A_16 = arith.constant 200 : i32
    %mul3A_17 = arith.muli %add3A_15, %mul3A_16 : i32
    %dma_start3A_18 = tpu.memref_slice %arg2[%mul3A_17] : memref<3276800xi32, #tpu.memory_space<hbm>> -> memref<1600xi32, #tpu.memory_space<hbm>>
    %dma_start3A_19 = tpu.memref_slice %arg2[%mul3A_17] : memref<3276800xi32, #tpu.memory_space<hbm>> -> memref<1600xi32, #tpu.memory_space<hbm>>
    tpu.enqueue_dma source(%dma_start3A_19 : memref<1600xi32, #tpu.memory_space<hbm>>) target(%arg6 : memref<1600xi32, #tpu.memory_space<vmem>>) target_semaphore(%arg14 : memref<!tpu.dma_semaphore, #tpu.memory_space<semaphore_mem>>)
    %dma_start3A_20 = arith.constant 0 : i32
    %dma_start3A_21 = tpu.memref_slice %arg4[%mul3A_2, %dma_start3A_20] : memref<16384x32xf32, #tpu.memory_space<hbm>> -> memref<8x32xf32, #tpu.memory_space<hbm>>
    %dma_start3A_22 = arith.constant 0 : i32
    %dma_start3A_23 = tpu.memref_slice %arg4[%mul3A_2, %dma_start3A_22] : memref<16384x32xf32, #tpu.memory_space<hbm>> -> memref<8x32xf32, #tpu.memory_space<hbm>>
    tpu.enqueue_dma source(%arg9 : memref<8x32xf32, #tpu.memory_space<vmem>>) target(%dma_start3A_23 : memref<8x32xf32, #tpu.memory_space<hbm>>) target_semaphore(%arg15 : memref<!tpu.dma_semaphore, #tpu.memory_space<semaphore_mem>>)
    %add3A_24 = arith.constant 8 : i32
    %add3A_25 = arith.addi %mul3A_2, %add3A_24 : i32
    %dma_start3A_26 = arith.constant 0 : i32
    %dma_start3A_27 = tpu.memref_slice %arg4[%add3A_25, %dma_start3A_26] : memref<16384x32xf32, #tpu.memory_space<hbm>> -> memref<8x32xf32, #tpu.memory_space<hbm>>
    %dma_start3A_28 = arith.constant 0 : i32
    %dma_start3A_29 = tpu.memref_slice %arg4[%add3A_25, %dma_start3A_28] : memref<16384x32xf32, #tpu.memory_space<hbm>> -> memref<8x32xf32, #tpu.memory_space<hbm>>
    tpu.enqueue_dma source(%arg10 : memref<8x32xf32, #tpu.memory_space<vmem>>) target(%dma_start3A_29 : memref<8x32xf32, #tpu.memory_space<hbm>>) target_semaphore(%arg16 : memref<!tpu.dma_semaphore, #tpu.memory_space<semaphore_mem>>)
    %scan3A = arith.constant 0 : i32
    %scan3A_30 = arith.constant 5.000000e-03 : f32
    %scan3A_31 = arith.constant 0 : i32
    %scan3A_32 = arith.constant 32 : i32
    %scan3A_33 = arith.addi %scan3A_31, %scan3A_32 : i32
    %scan3A_34 = arith.constant 1 : i32
    scf.for %scan3A_48 = %scan3A_31 to %scan3A_33 step %scan3A_34  : i32 {
      %mul3A_49 = arith.constant 2 : i32
      %mul3A_50 = arith.muli %mul3A_49, %scan3A_48 : i32
      %mul3A_51 = arith.constant 2 : i32
      %mul3A_52 = arith.muli %mul3A_51, %scan3A_48 : i32
      %add3A_53 = arith.constant 1 : i32
      %add3A_54 = arith.addi %mul3A_52, %add3A_53 : i32
      %dma_wait3A_55 = arith.constant 0 : i32
      %dma_wait3A_56 = tpu.memref_slice %arg2[%dma_wait3A_55] : memref<3276800xi32, #tpu.memory_space<hbm>> -> memref<1600xi32, #tpu.memory_space<hbm>>
      %dma_wait3A_57 = arith.constant 0 : i32
      %dma_wait3A_58 = tpu.memref_slice %arg2[%dma_wait3A_57] : memref<3276800xi32, #tpu.memory_space<hbm>> -> memref<1600xi32, #tpu.memory_space<hbm>>
      tpu.wait_dma2 semaphore(%arg14 : memref<!tpu.dma_semaphore, #tpu.memory_space<semaphore_mem>>) src(%dma_wait3A_58 : memref<1600xi32, #tpu.memory_space<hbm>>) dst(%arg6 : memref<1600xi32, #tpu.memory_space<vmem>>)
      %dma_start3A_59 = arith.constant 0 : i32
      %dma_start3A_60 = arith.constant 0 : i32
      %dma_start3A_61 = tpu.memref_slice %arg3[%dma_start3A_59, %dma_start3A_60] : memref<956089x32xf32, #tpu.memory_space<hbm>> -> memref<956089x32xf32, #tpu.memory_space<hbm>>
      tpu.enqueue_indirect_dma source(%dma_start3A_61 : memref<956089x32xf32, #tpu.memory_space<hbm>>) target(%arg8 : memref<1600x32xf32, #tpu.memory_space<vmem>>) offsets(%arg6 : memref<1600xi32, #tpu.memory_space<vmem>>) semaphore(%arg12 : memref<!tpu.dma_semaphore, #tpu.memory_space<semaphore_mem>>)
      %dma_wait3A_62 = arith.constant 0 : i32
      %dma_wait3A_63 = arith.constant 0 : i32
      %dma_wait3A_64 = tpu.memref_slice %arg3[%dma_wait3A_62, %dma_wait3A_63] : memref<956089x32xf32, #tpu.memory_space<hbm>> -> memref<956089x32xf32, #tpu.memory_space<hbm>>
      tpu.wait_indirect_dma semaphore(%arg11 : memref<!tpu.dma_semaphore, #tpu.memory_space<semaphore_mem>>) src(%dma_wait3A_64 : memref<956089x32xf32, #tpu.memory_space<hbm>>) dst(%arg7 : memref<1600x32xf32, #tpu.memory_space<vmem>>)
      %add3A_65 = arith.constant 1 : i32
      %add3A_66 = arith.addi %add3A_54, %add3A_65 : i32
      %lt3A = arith.constant 64 : i32
      %lt3A_67 = arith.cmpi slt, %add3A_66, %lt3A : i32
      %convert_element_type3A = arith.extui %lt3A_67 : i1 to i32
      %cond3A = arith.constant 0 : i32
      %cond3A_68 = arith.cmpi ne, %convert_element_type3A, %cond3A : i32
      scf.if %cond3A_68 {
        %add3A_526 = arith.constant 2 : i32
        %add3A_527 = arith.addi %mul3A_50, %add3A_526 : i32
        %mul3A_528 = arith.constant 8 : i32
        %mul3A_529 = arith.muli %add3A_527, %mul3A_528 : i32
        %add3A_530 = arith.addi %mul3A_2, %mul3A_529 : i32
        %mul3A_531 = arith.constant 200 : i32
        %mul3A_532 = arith.muli %add3A_530, %mul3A_531 : i32
        %dma_start3A_533 = tpu.memref_slice %arg2[%mul3A_532] : memref<3276800xi32, #tpu.memory_space<hbm>> -> memref<1600xi32, #tpu.memory_space<hbm>>
        %dma_start3A_534 = tpu.memref_slice %arg2[%mul3A_532] : memref<3276800xi32, #tpu.memory_space<hbm>> -> memref<1600xi32, #tpu.memory_space<hbm>>
        tpu.enqueue_dma source(%dma_start3A_534 : memref<1600xi32, #tpu.memory_space<hbm>>) target(%arg5 : memref<1600xi32, #tpu.memory_space<vmem>>) target_semaphore(%arg13 : memref<!tpu.dma_semaphore, #tpu.memory_space<semaphore_mem>>)
      } else {
      }
      %mul3A_69 = arith.constant 8 : i32
      %mul3A_70 = arith.muli %mul3A_50, %mul3A_69 : i32
      %add3A_71 = arith.addi %mul3A_2, %mul3A_70 : i32
      %dma_wait3A_72 = arith.constant 0 : i32
      %dma_wait3A_73 = arith.constant 0 : i32
      %dma_wait3A_74 = tpu.memref_slice %arg4[%dma_wait3A_72, %dma_wait3A_73] : memref<16384x32xf32, #tpu.memory_space<hbm>> -> memref<8x32xf32, #tpu.memory_space<hbm>>
      %dma_wait3A_75 = arith.constant 0 : i32
      %dma_wait3A_76 = arith.constant 0 : i32
      %dma_wait3A_77 = tpu.memref_slice %arg4[%dma_wait3A_75, %dma_wait3A_76] : memref<16384x32xf32, #tpu.memory_space<hbm>> -> memref<8x32xf32, #tpu.memory_space<hbm>>
      tpu.wait_dma2 semaphore(%arg15 : memref<!tpu.dma_semaphore, #tpu.memory_space<semaphore_mem>>) src(%arg9 : memref<8x32xf32, #tpu.memory_space<vmem>>) dst(%dma_wait3A_77 : memref<8x32xf32, #tpu.memory_space<hbm>>)
      %broadcast_in_dim3A = arith.constant 0.000000e+00 : f32
      %broadcast_in_dim3A_78 = vector.broadcast %broadcast_in_dim3A : f32 to vector<16xf32>
      %scan3A_79 = arith.constant 0 : i32
      %scan3A_80 = arith.constant 25 : i32
      %scan3A_81 = arith.addi %scan3A_79, %scan3A_80 : i32
      %scan3A_82 = arith.constant 1 : i32
      %scan3A_83:4 = scf.for %scan3A_526 = %scan3A_79 to %scan3A_81 step %scan3A_82 iter_args(%scan3A_527 = %broadcast_in_dim3A_78, %scan3A_528 = %broadcast_in_dim3A_78, %scan3A_529 = %broadcast_in_dim3A_78, %scan3A_530 = %broadcast_in_dim3A_78) -> (vector<16xf32>, vector<16xf32>, vector<16xf32>, vector<16xf32>)  : i32 {
        %mul3A_531 = arith.constant 8 : i32
        %mul3A_532 = arith.muli %scan3A_526, %mul3A_531 : i32
        %add3A_533 = arith.constant 0 : i32
        %add3A_534 = arith.addi %add3A_533, %mul3A_532 : i32
        %add3A_535 = arith.constant 0 : i32
        %add3A_536 = arith.addi %add3A_534, %add3A_535 : i32
        %get3A = arith.index_cast %add3A_536 : i32 to index
        %get3A_537 = arith.constant 0 : index
        %get3A_538 = tpu.vector_load %arg7[%get3A, %get3A_537] {strides = array<i32>} : memref<1600x32xf32, #tpu.memory_space<vmem>>, vector<1x16xf32>,
        %get3A_539 = vector.shape_cast %get3A_538 : vector<1x16xf32> to vector<16xf32>
        %add3A_540 = arith.addf %scan3A_527, %get3A_539 : vector<16xf32>
        %add3A_541 = arith.constant 0 : i32
        %add3A_542 = arith.addi %add3A_534, %add3A_541 : i32
        %get3A_543 = arith.index_cast %add3A_542 : i32 to index
        %get3A_544 = arith.constant 16 : index
        %get3A_545 = tpu.vector_load %arg7[%get3A_543, %get3A_544] {strides = array<i32>} : memref<1600x32xf32, #tpu.memory_space<vmem>>, vector<1x16xf32>,
        %get3A_546 = vector.shape_cast %get3A_545 : vector<1x16xf32> to vector<16xf32>
        %add3A_547 = arith.addf %scan3A_528, %get3A_546 : vector<16xf32>
        %add3A_548 = arith.constant 0 : i32
        %add3A_549 = arith.addi %add3A_534, %add3A_548 : i32
        %add3A_550 = arith.constant 1 : i32
        %add3A_551 = arith.addi %add3A_549, %add3A_550 : i32
        %get3A_552 = arith.index_cast %add3A_551 : i32 to index
        %get3A_553 = arith.constant 0 : index
        %get3A_554 = tpu.vector_load %arg7[%get3A_552, %get3A_553] {strides = array<i32>} : memref<1600x32xf32, #tpu.memory_space<vmem>>, vector<1x16xf32>,
        %get3A_555 = vector.shape_cast %get3A_554 : vector<1x16xf32> to vector<16xf32>
        %add3A_556 = arith.addf %scan3A_529, %get3A_555 : vector<16xf32>
        %add3A_557 = arith.constant 0 : i32
        %add3A_558 = arith.addi %add3A_534, %add3A_557 : i32
        %add3A_559 = arith.constant 1 : i32
        %add3A_560 = arith.addi %add3A_558, %add3A_559 : i32
        %get3A_561 = arith.index_cast %add3A_560 : i32 to index
        %get3A_562 = arith.constant 16 : index
        %get3A_563 = tpu.vector_load %arg7[%get3A_561, %get3A_562] {strides = array<i32>} : memref<1600x32xf32, #tpu.memory_space<vmem>>, vector<1x16xf32>,
        %get3A_564 = vector.shape_cast %get3A_563 : vector<1x16xf32> to vector<16xf32>
        %add3A_565 = arith.addf %scan3A_530, %get3A_564 : vector<16xf32>
        %add3A_566 = arith.constant 2 : i32
        %add3A_567 = arith.addi %add3A_534, %add3A_566 : i32
        %get3A_568 = arith.index_cast %add3A_567 : i32 to index
        %get3A_569 = arith.constant 0 : index
        %get3A_570 = tpu.vector_load %arg7[%get3A_568, %get3A_569] {strides = array<i32>} : memref<1600x32xf32, #tpu.memory_space<vmem>>, vector<1x16xf32>,
        %get3A_571 = vector.shape_cast %get3A_570 : vector<1x16xf32> to vector<16xf32>
        %add3A_572 = arith.addf %add3A_540, %get3A_571 : vector<16xf32>
        %add3A_573 = arith.constant 2 : i32
        %add3A_574 = arith.addi %add3A_534, %add3A_573 : i32
        %get3A_575 = arith.index_cast %add3A_574 : i32 to index
        %get3A_576 = arith.constant 16 : index
        %get3A_577 = tpu.vector_load %arg7[%get3A_575, %get3A_576] {strides = array<i32>} : memref<1600x32xf32, #tpu.memory_space<vmem>>, vector<1x16xf32>,
        %get3A_578 = vector.shape_cast %get3A_577 : vector<1x16xf32> to vector<16xf32>
        %add3A_579 = arith.addf %add3A_547, %get3A_578 : vector<16xf32>
        %add3A_580 = arith.constant 2 : i32
        %add3A_581 = arith.addi %add3A_534, %add3A_580 : i32
        %add3A_582 = arith.constant 1 : i32
        %add3A_583 = arith.addi %add3A_581, %add3A_582 : i32
        %get3A_584 = arith.index_cast %add3A_583 : i32 to index
        %get3A_585 = arith.constant 0 : index
        %get3A_586 = tpu.vector_load %arg7[%get3A_584, %get3A_585] {strides = array<i32>} : memref<1600x32xf32, #tpu.memory_space<vmem>>, vector<1x16xf32>,
        %get3A_587 = vector.shape_cast %get3A_586 : vector<1x16xf32> to vector<16xf32>
        %add3A_588 = arith.addf %add3A_556, %get3A_587 : vector<16xf32>
        %add3A_589 = arith.constant 2 : i32
        %add3A_590 = arith.addi %add3A_534, %add3A_589 : i32
        %add3A_591 = arith.constant 1 : i32
        %add3A_592 = arith.addi %add3A_590, %add3A_591 : i32
        %get3A_593 = arith.index_cast %add3A_592 : i32 to index
        %get3A_594 = arith.constant 16 : index
        %get3A_595 = tpu.vector_load %arg7[%get3A_593, %get3A_594] {strides = array<i32>} : memref<1600x32xf32, #tpu.memory_space<vmem>>, vector<1x16xf32>,
        %get3A_596 = vector.shape_cast %get3A_595 : vector<1x16xf32> to vector<16xf32>
        %add3A_597 = arith.addf %add3A_565, %get3A_596 : vector<16xf32>
        %add3A_598 = arith.constant 4 : i32
        %add3A_599 = arith.addi %add3A_534, %add3A_598 : i32
        %get3A_600 = arith.index_cast %add3A_599 : i32 to index
        %get3A_601 = arith.constant 0 : index
        %get3A_602 = tpu.vector_load %arg7[%get3A_600, %get3A_601] {strides = array<i32>} : memref<1600x32xf32, #tpu.memory_space<vmem>>, vector<1x16xf32>,
        %get3A_603 = vector.shape_cast %get3A_602 : vector<1x16xf32> to vector<16xf32>
        %add3A_604 = arith.addf %add3A_572, %get3A_603 : vector<16xf32>
        %add3A_605 = arith.constant 4 : i32
        %add3A_606 = arith.addi %add3A_534, %add3A_605 : i32
        %get3A_607 = arith.index_cast %add3A_606 : i32 to index
        %get3A_608 = arith.constant 16 : index
        %get3A_609 = tpu.vector_load %arg7[%get3A_607, %get3A_608] {strides = array<i32>} : memref<1600x32xf32, #tpu.memory_space<vmem>>, vector<1x16xf32>,
        %get3A_610 = vector.shape_cast %get3A_609 : vector<1x16xf32> to vector<16xf32>
        %add3A_611 = arith.addf %add3A_579, %get3A_610 : vector<16xf32>
        %add3A_612 = arith.constant 4 : i32
        %add3A_613 = arith.addi %add3A_534, %add3A_612 : i32
        %add3A_614 = arith.constant 1 : i32
        %add3A_615 = arith.addi %add3A_613, %add3A_614 : i32
        %get3A_616 = arith.index_cast %add3A_615 : i32 to index
        %get3A_617 = arith.constant 0 : index
        %get3A_618 = tpu.vector_load %arg7[%get3A_616, %get3A_617] {strides = array<i32>} : memref<1600x32xf32, #tpu.memory_space<vmem>>, vector<1x16xf32>,
        %get3A_619 = vector.shape_cast %get3A_618 : vector<1x16xf32> to vector<16xf32>
        %add3A_620 = arith.addf %add3A_588, %get3A_619 : vector<16xf32>
        %add3A_621 = arith.constant 4 : i32
        %add3A_622 = arith.addi %add3A_534, %add3A_621 : i32
        %add3A_623 = arith.constant 1 : i32
        %add3A_624 = arith.addi %add3A_622, %add3A_623 : i32
        %get3A_625 = arith.index_cast %add3A_624 : i32 to index
        %get3A_626 = arith.constant 16 : index
        %get3A_627 = tpu.vector_load %arg7[%get3A_625, %get3A_626] {strides = array<i32>} : memref<1600x32xf32, #tpu.memory_space<vmem>>, vector<1x16xf32>,
        %get3A_628 = vector.shape_cast %get3A_627 : vector<1x16xf32> to vector<16xf32>
        %add3A_629 = arith.addf %add3A_597, %get3A_628 : vector<16xf32>
        %add3A_630 = arith.constant 6 : i32
        %add3A_631 = arith.addi %add3A_534, %add3A_630 : i32
        %get3A_632 = arith.index_cast %add3A_631 : i32 to index
        %get3A_633 = arith.constant 0 : index
        %get3A_634 = tpu.vector_load %arg7[%get3A_632, %get3A_633] {strides = array<i32>} : memref<1600x32xf32, #tpu.memory_space<vmem>>, vector<1x16xf32>,
        %get3A_635 = vector.shape_cast %get3A_634 : vector<1x16xf32> to vector<16xf32>
        %add3A_636 = arith.addf %add3A_604, %get3A_635 : vector<16xf32>
        %add3A_637 = arith.constant 6 : i32
        %add3A_638 = arith.addi %add3A_534, %add3A_637 : i32
        %get3A_639 = arith.index_cast %add3A_638 : i32 to index
        %get3A_640 = arith.constant 16 : index
        %get3A_641 = tpu.vector_load %arg7[%get3A_639, %get3A_640] {strides = array<i32>} : memref<1600x32xf32, #tpu.memory_space<vmem>>, vector<1x16xf32>,
        %get3A_642 = vector.shape_cast %get3A_641 : vector<1x16xf32> to vector<16xf32>
        %add3A_643 = arith.addf %add3A_611, %get3A_642 : vector<16xf32>
        %add3A_644 = arith.constant 6 : i32
        %add3A_645 = arith.addi %add3A_534, %add3A_644 : i32
        %add3A_646 = arith.constant 1 : i32
        %add3A_647 = arith.addi %add3A_645, %add3A_646 : i32
        %get3A_648 = arith.index_cast %add3A_647 : i32 to index
        %get3A_649 = arith.constant 0 : index
        %get3A_650 = tpu.vector_load %arg7[%get3A_648, %get3A_649] {strides = array<i32>} : memref<1600x32xf32, #tpu.memory_space<vmem>>, vector<1x16xf32>,
        %get3A_651 = vector.shape_cast %get3A_650 : vector<1x16xf32> to vector<16xf32>
        %add3A_652 = arith.addf %add3A_620, %get3A_651 : vector<16xf32>
        %add3A_653 = arith.constant 6 : i32
        %add3A_654 = arith.addi %add3A_534, %add3A_653 : i32
        %add3A_655 = arith.constant 1 : i32
        %add3A_656 = arith.addi %add3A_654, %add3A_655 : i32
        %get3A_657 = arith.index_cast %add3A_656 : i32 to index
        %get3A_658 = arith.constant 16 : index
        %get3A_659 = tpu.vector_load %arg7[%get3A_657, %get3A_658] {strides = array<i32>} : memref<1600x32xf32, #tpu.memory_space<vmem>>, vector<1x16xf32>,
        %get3A_660 = vector.shape_cast %get3A_659 : vector<1x16xf32> to vector<16xf32>
        %add3A_661 = arith.addf %add3A_629, %get3A_660 : vector<16xf32>
        scf.yield %add3A_636, %add3A_643, %add3A_652, %add3A_661 : vector<16xf32>, vector<16xf32>, vector<16xf32>, vector<16xf32>
      }
      %scan3A_84 = arith.constant 25 : i32
      %add3A_85 = arith.addf %scan3A_83#0, %scan3A_83#2 : vector<16xf32>
      %mul3A_86 = vector.broadcast %scan3A_30 : f32 to vector<16xf32>
      %mul3A_87 = arith.mulf %add3A_85, %mul3A_86 : vector<16xf32>
      %swap3A = arith.constant 0 : i32
      %swap3A_88 = arith.index_cast %swap3A : i32 to index
      %swap3A_89 = arith.constant 0 : index
      %swap3A_90 = tpu.vector_load %arg9[%swap3A_88, %swap3A_89] {strides = array<i32>} : memref<8x32xf32, #tpu.memory_space<vmem>>, vector<1x16xf32>,
      %swap3A_91 = vector.shape_cast %swap3A_90 : vector<1x16xf32> to vector<16xf32>
      %swap3A_92 = vector.shape_cast %mul3A_87 : vector<16xf32> to vector<1x16xf32>
      tpu.vector_store %arg9[%swap3A_88, %swap3A_89], %swap3A_92 {strides = array<i32>} : memref<8x32xf32, #tpu.memory_space<vmem>>, vector<1x16xf32>,
      %add3A_93 = arith.addf %scan3A_83#1, %scan3A_83#3 : vector<16xf32>
      %mul3A_94 = vector.broadcast %scan3A_30 : f32 to vector<16xf32>
      %mul3A_95 = arith.mulf %add3A_93, %mul3A_94 : vector<16xf32>
      %swap3A_96 = arith.constant 0 : i32
      %swap3A_97 = arith.index_cast %swap3A_96 : i32 to index
      %swap3A_98 = arith.constant 16 : index
      %swap3A_99 = tpu.vector_load %arg9[%swap3A_97, %swap3A_98] {strides = array<i32>} : memref<8x32xf32, #tpu.memory_space<vmem>>, vector<1x16xf32>,
      %swap3A_100 = vector.shape_cast %swap3A_99 : vector<1x16xf32> to vector<16xf32>
      %swap3A_101 = vector.shape_cast %mul3A_95 : vector<16xf32> to vector<1x16xf32>
      tpu.vector_store %arg9[%swap3A_97, %swap3A_98], %swap3A_101 {strides = array<i32>} : memref<8x32xf32, #tpu.memory_space<vmem>>, vector<1x16xf32>,
      %broadcast_in_dim3A_102 = arith.constant 0.000000e+00 : f32
      %broadcast_in_dim3A_103 = vector.broadcast %broadcast_in_dim3A_102 : f32 to vector<16xf32>
      %scan3A_104 = arith.constant 0 : i32
      %scan3A_105 = arith.constant 25 : i32
      %scan3A_106 = arith.addi %scan3A_104, %scan3A_105 : i32
      %scan3A_107 = arith.constant 1 : i32
      %scan3A_108:4 = scf.for %scan3A_526 = %scan3A_104 to %scan3A_106 step %scan3A_107 iter_args(%scan3A_527 = %broadcast_in_dim3A_103, %scan3A_528 = %broadcast_in_dim3A_103, %scan3A_529 = %broadcast_in_dim3A_103, %scan3A_530 = %broadcast_in_dim3A_103) -> (vector<16xf32>, vector<16xf32>, vector<16xf32>, vector<16xf32>)  : i32 {
        %mul3A_531 = arith.constant 8 : i32
        %mul3A_532 = arith.muli %scan3A_526, %mul3A_531 : i32
        %add3A_533 = arith.constant 200 : i32
        %add3A_534 = arith.addi %add3A_533, %mul3A_532 : i32
        %add3A_535 = arith.constant 0 : i32
        %add3A_536 = arith.addi %add3A_534, %add3A_535 : i32
        %get3A = arith.index_cast %add3A_536 : i32 to index
        %get3A_537 = arith.constant 0 : index
        %get3A_538 = tpu.vector_load %arg7[%get3A, %get3A_537] {strides = array<i32>} : memref<1600x32xf32, #tpu.memory_space<vmem>>, vector<1x16xf32>,
        %get3A_539 = vector.shape_cast %get3A_538 : vector<1x16xf32> to vector<16xf32>
        %add3A_540 = arith.addf %scan3A_527, %get3A_539 : vector<16xf32>
        %add3A_541 = arith.constant 0 : i32
        %add3A_542 = arith.addi %add3A_534, %add3A_541 : i32
        %get3A_543 = arith.index_cast %add3A_542 : i32 to index
        %get3A_544 = arith.constant 16 : index
        %get3A_545 = tpu.vector_load %arg7[%get3A_543, %get3A_544] {strides = array<i32>} : memref<1600x32xf32, #tpu.memory_space<vmem>>, vector<1x16xf32>,
        %get3A_546 = vector.shape_cast %get3A_545 : vector<1x16xf32> to vector<16xf32>
        %add3A_547 = arith.addf %scan3A_528, %get3A_546 : vector<16xf32>
        %add3A_548 = arith.constant 0 : i32
        %add3A_549 = arith.addi %add3A_534, %add3A_548 : i32
        %add3A_550 = arith.constant 1 : i32
        %add3A_551 = arith.addi %add3A_549, %add3A_550 : i32
        %get3A_552 = arith.index_cast %add3A_551 : i32 to index
        %get3A_553 = arith.constant 0 : index
        %get3A_554 = tpu.vector_load %arg7[%get3A_552, %get3A_553] {strides = array<i32>} : memref<1600x32xf32, #tpu.memory_space<vmem>>, vector<1x16xf32>,
        %get3A_555 = vector.shape_cast %get3A_554 : vector<1x16xf32> to vector<16xf32>
        %add3A_556 = arith.addf %scan3A_529, %get3A_555 : vector<16xf32>
        %add3A_557 = arith.constant 0 : i32
        %add3A_558 = arith.addi %add3A_534, %add3A_557 : i32
        %add3A_559 = arith.constant 1 : i32
        %add3A_560 = arith.addi %add3A_558, %add3A_559 : i32
        %get3A_561 = arith.index_cast %add3A_560 : i32 to index
        %get3A_562 = arith.constant 16 : index
        %get3A_563 = tpu.vector_load %arg7[%get3A_561, %get3A_562] {strides = array<i32>} : memref<1600x32xf32, #tpu.memory_space<vmem>>, vector<1x16xf32>,
        %get3A_564 = vector.shape_cast %get3A_563 : vector<1x16xf32> to vector<16xf32>
        %add3A_565 = arith.addf %scan3A_530, %get3A_564 : vector<16xf32>
        %add3A_566 = arith.constant 2 : i32
        %add3A_567 = arith.addi %add3A_534, %add3A_566 : i32
        %get3A_568 = arith.index_cast %add3A_567 : i32 to index
        %get3A_569 = arith.constant 0 : index
        %get3A_570 = tpu.vector_load %arg7[%get3A_568, %get3A_569] {strides = array<i32>} : memref<1600x32xf32, #tpu.memory_space<vmem>>, vector<1x16xf32>,
        %get3A_571 = vector.shape_cast %get3A_570 : vector<1x16xf32> to vector<16xf32>
        %add3A_572 = arith.addf %add3A_540, %get3A_571 : vector<16xf32>
        %add3A_573 = arith.constant 2 : i32
        %add3A_574 = arith.addi %add3A_534, %add3A_573 : i32
        %get3A_575 = arith.index_cast %add3A_574 : i32 to index
        %get3A_576 = arith.constant 16 : index
        %get3A_577 = tpu.vector_load %arg7[%get3A_575, %get3A_576] {strides = array<i32>} : memref<1600x32xf32, #tpu.memory_space<vmem>>, vector<1x16xf32>,
        %get3A_578 = vector.shape_cast %get3A_577 : vector<1x16xf32> to vector<16xf32>
        %add3A_579 = arith.addf %add3A_547, %get3A_578 : vector<16xf32>
        %add3A_580 = arith.constant 2 : i32
        %add3A_581 = arith.addi %add3A_534, %add3A_580 : i32
        %add3A_582 = arith.constant 1 : i32
        %add3A_583 = arith.addi %add3A_581, %add3A_582 : i32
        %get3A_584 = arith.index_cast %add3A_583 : i32 to index
        %get3A_585 = arith.constant 0 : index
        %get3A_586 = tpu.vector_load %arg7[%get3A_584, %get3A_585] {strides = array<i32>} : memref<1600x32xf32, #tpu.memory_space<vmem>>, vector<1x16xf32>,
        %get3A_587 = vector.shape_cast %get3A_586 : vector<1x16xf32> to vector<16xf32>
        %add3A_588 = arith.addf %add3A_556, %get3A_587 : vector<16xf32>
        %add3A_589 = arith.constant 2 : i32
        %add3A_590 = arith.addi %add3A_534, %add3A_589 : i32
        %add3A_591 = arith.constant 1 : i32
        %add3A_592 = arith.addi %add3A_590, %add3A_591 : i32
        %get3A_593 = arith.index_cast %add3A_592 : i32 to index
        %get3A_594 = arith.constant 16 : index
        %get3A_595 = tpu.vector_load %arg7[%get3A_593, %get3A_594] {strides = array<i32>} : memref<1600x32xf32, #tpu.memory_space<vmem>>, vector<1x16xf32>,
        %get3A_596 = vector.shape_cast %get3A_595 : vector<1x16xf32> to vector<16xf32>
        %add3A_597 = arith.addf %add3A_565, %get3A_596 : vector<16xf32>
        %add3A_598 = arith.constant 4 : i32
        %add3A_599 = arith.addi %add3A_534, %add3A_598 : i32
        %get3A_600 = arith.index_cast %add3A_599 : i32 to index
        %get3A_601 = arith.constant 0 : index
        %get3A_602 = tpu.vector_load %arg7[%get3A_600, %get3A_601] {strides = array<i32>} : memref<1600x32xf32, #tpu.memory_space<vmem>>, vector<1x16xf32>,
        %get3A_603 = vector.shape_cast %get3A_602 : vector<1x16xf32> to vector<16xf32>
        %add3A_604 = arith.addf %add3A_572, %get3A_603 : vector<16xf32>
        %add3A_605 = arith.constant 4 : i32
        %add3A_606 = arith.addi %add3A_534, %add3A_605 : i32
        %get3A_607 = arith.index_cast %add3A_606 : i32 to index
        %get3A_608 = arith.constant 16 : index
        %get3A_609 = tpu.vector_load %arg7[%get3A_607, %get3A_608] {strides = array<i32>} : memref<1600x32xf32, #tpu.memory_space<vmem>>, vector<1x16xf32>,
        %get3A_610 = vector.shape_cast %get3A_609 : vector<1x16xf32> to vector<16xf32>
        %add3A_611 = arith.addf %add3A_579, %get3A_610 : vector<16xf32>
        %add3A_612 = arith.constant 4 : i32
        %add3A_613 = arith.addi %add3A_534, %add3A_612 : i32
        %add3A_614 = arith.constant 1 : i32
        %add3A_615 = arith.addi %add3A_613, %add3A_614 : i32
        %get3A_616 = arith.index_cast %add3A_615 : i32 to index
        %get3A_617 = arith.constant 0 : index
        %get3A_618 = tpu.vector_load %arg7[%get3A_616, %get3A_617] {strides = array<i32>} : memref<1600x32xf32, #tpu.memory_space<vmem>>, vector<1x16xf32>,
        %get3A_619 = vector.shape_cast %get3A_618 : vector<1x16xf32> to vector<16xf32>
        %add3A_620 = arith.addf %add3A_588, %get3A_619 : vector<16xf32>
        %add3A_621 = arith.constant 4 : i32
        %add3A_622 = arith.addi %add3A_534, %add3A_621 : i32
        %add3A_623 = arith.constant 1 : i32
        %add3A_624 = arith.addi %add3A_622, %add3A_623 : i32
        %get3A_625 = arith.index_cast %add3A_624 : i32 to index
        %get3A_626 = arith.constant 16 : index
        %get3A_627 = tpu.vector_load %arg7[%get3A_625, %get3A_626] {strides = array<i32>} : memref<1600x32xf32, #tpu.memory_space<vmem>>, vector<1x16xf32>,
        %get3A_628 = vector.shape_cast %get3A_627 : vector<1x16xf32> to vector<16xf32>
        %add3A_629 = arith.addf %add3A_597, %get3A_628 : vector<16xf32>
        %add3A_630 = arith.constant 6 : i32
        %add3A_631 = arith.addi %add3A_534, %add3A_630 : i32
        %get3A_632 = arith.index_cast %add3A_631 : i32 to index
        %get3A_633 = arith.constant 0 : index
        %get3A_634 = tpu.vector_load %arg7[%get3A_632, %get3A_633] {strides = array<i32>} : memref<1600x32xf32, #tpu.memory_space<vmem>>, vector<1x16xf32>,
        %get3A_635 = vector.shape_cast %get3A_634 : vector<1x16xf32> to vector<16xf32>
        %add3A_636 = arith.addf %add3A_604, %get3A_635 : vector<16xf32>
        %add3A_637 = arith.constant 6 : i32
        %add3A_638 = arith.addi %add3A_534, %add3A_637 : i32
        %get3A_639 = arith.index_cast %add3A_638 : i32 to index
        %get3A_640 = arith.constant 16 : index
        %get3A_641 = tpu.vector_load %arg7[%get3A_639, %get3A_640] {strides = array<i32>} : memref<1600x32xf32, #tpu.memory_space<vmem>>, vector<1x16xf32>,
        %get3A_642 = vector.shape_cast %get3A_641 : vector<1x16xf32> to vector<16xf32>
        %add3A_643 = arith.addf %add3A_611, %get3A_642 : vector<16xf32>
        %add3A_644 = arith.constant 6 : i32
        %add3A_645 = arith.addi %add3A_534, %add3A_644 : i32
        %add3A_646 = arith.constant 1 : i32
        %add3A_647 = arith.addi %add3A_645, %add3A_646 : i32
        %get3A_648 = arith.index_cast %add3A_647 : i32 to index
        %get3A_649 = arith.constant 0 : index
        %get3A_650 = tpu.vector_load %arg7[%get3A_648, %get3A_649] {strides = array<i32>} : memref<1600x32xf32, #tpu.memory_space<vmem>>, vector<1x16xf32>,
        %get3A_651 = vector.shape_cast %get3A_650 : vector<1x16xf32> to vector<16xf32>
        %add3A_652 = arith.addf %add3A_620, %get3A_651 : vector<16xf32>
        %add3A_653 = arith.constant 6 : i32
        %add3A_654 = arith.addi %add3A_534, %add3A_653 : i32
        %add3A_655 = arith.constant 1 : i32
        %add3A_656 = arith.addi %add3A_654, %add3A_655 : i32
        %get3A_657 = arith.index_cast %add3A_656 : i32 to index
        %get3A_658 = arith.constant 16 : index
        %get3A_659 = tpu.vector_load %arg7[%get3A_657, %get3A_658] {strides = array<i32>} : memref<1600x32xf32, #tpu.memory_space<vmem>>, vector<1x16xf32>,
        %get3A_660 = vector.shape_cast %get3A_659 : vector<1x16xf32> to vector<16xf32>
        %add3A_661 = arith.addf %add3A_629, %get3A_660 : vector<16xf32>
        scf.yield %add3A_636, %add3A_643, %add3A_652, %add3A_661 : vector<16xf32>, vector<16xf32>, vector<16xf32>, vector<16xf32>
      }
      %scan3A_109 = arith.constant 25 : i32
      %add3A_110 = arith.addf %scan3A_108#0, %scan3A_108#2 : vector<16xf32>
      %mul3A_111 = vector.broadcast %scan3A_30 : f32 to vector<16xf32>
      %mul3A_112 = arith.mulf %add3A_110, %mul3A_111 : vector<16xf32>
      %swap3A_113 = arith.constant 1 : i32
      %swap3A_114 = arith.index_cast %swap3A_113 : i32 to index
      %swap3A_115 = arith.constant 0 : index
      %swap3A_116 = tpu.vector_load %arg9[%swap3A_114, %swap3A_115] {strides = array<i32>} : memref<8x32xf32, #tpu.memory_space<vmem>>, vector<1x16xf32>,
      %swap3A_117 = vector.shape_cast %swap3A_116 : vector<1x16xf32> to vector<16xf32>
      %swap3A_118 = vector.shape_cast %mul3A_112 : vector<16xf32> to vector<1x16xf32>
      tpu.vector_store %arg9[%swap3A_114, %swap3A_115], %swap3A_118 {strides = array<i32>} : memref<8x32xf32, #tpu.memory_space<vmem>>, vector<1x16xf32>,
      %add3A_119 = arith.addf %scan3A_108#1, %scan3A_108#3 : vector<16xf32>
      %mul3A_120 = vector.broadcast %scan3A_30 : f32 to vector<16xf32>
      %mul3A_121 = arith.mulf %add3A_119, %mul3A_120 : vector<16xf32>
      %swap3A_122 = arith.constant 1 : i32
      %swap3A_123 = arith.index_cast %swap3A_122 : i32 to index
      %swap3A_124 = arith.constant 16 : index
      %swap3A_125 = tpu.vector_load %arg9[%swap3A_123, %swap3A_124] {strides = array<i32>} : memref<8x32xf32, #tpu.memory_space<vmem>>, vector<1x16xf32>,
      %swap3A_126 = vector.shape_cast %swap3A_125 : vector<1x16xf32> to vector<16xf32>
      %swap3A_127 = vector.shape_cast %mul3A_121 : vector<16xf32> to vector<1x16xf32>
      tpu.vector_store %arg9[%swap3A_123, %swap3A_124], %swap3A_127 {strides = array<i32>} : memref<8x32xf32, #tpu.memory_space<vmem>>, vector<1x16xf32>,
      %broadcast_in_dim3A_128 = arith.constant 0.000000e+00 : f32
      %broadcast_in_dim3A_129 = vector.broadcast %broadcast_in_dim3A_128 : f32 to vector<16xf32>
      %scan3A_130 = arith.constant 0 : i32
      %scan3A_131 = arith.constant 25 : i32
      %scan3A_132 = arith.addi %scan3A_130, %scan3A_131 : i32
      %scan3A_133 = arith.constant 1 : i32
      %scan3A_134:4 = scf.for %scan3A_526 = %scan3A_130 to %scan3A_132 step %scan3A_133 iter_args(%scan3A_527 = %broadcast_in_dim3A_129, %scan3A_528 = %broadcast_in_dim3A_129, %scan3A_529 = %broadcast_in_dim3A_129, %scan3A_530 = %broadcast_in_dim3A_129) -> (vector<16xf32>, vector<16xf32>, vector<16xf32>, vector<16xf32>)  : i32 {
        %mul3A_531 = arith.constant 8 : i32
        %mul3A_532 = arith.muli %scan3A_526, %mul3A_531 : i32
        %add3A_533 = arith.constant 400 : i32
        %add3A_534 = arith.addi %add3A_533, %mul3A_532 : i32
        %add3A_535 = arith.constant 0 : i32
        %add3A_536 = arith.addi %add3A_534, %add3A_535 : i32
        %get3A = arith.index_cast %add3A_536 : i32 to index
        %get3A_537 = arith.constant 0 : index
        %get3A_538 = tpu.vector_load %arg7[%get3A, %get3A_537] {strides = array<i32>} : memref<1600x32xf32, #tpu.memory_space<vmem>>, vector<1x16xf32>,
        %get3A_539 = vector.shape_cast %get3A_538 : vector<1x16xf32> to vector<16xf32>
        %add3A_540 = arith.addf %scan3A_527, %get3A_539 : vector<16xf32>
        %add3A_541 = arith.constant 0 : i32
        %add3A_542 = arith.addi %add3A_534, %add3A_541 : i32
        %get3A_543 = arith.index_cast %add3A_542 : i32 to index
        %get3A_544 = arith.constant 16 : index
        %get3A_545 = tpu.vector_load %arg7[%get3A_543, %get3A_544] {strides = array<i32>} : memref<1600x32xf32, #tpu.memory_space<vmem>>, vector<1x16xf32>,
        %get3A_546 = vector.shape_cast %get3A_545 : vector<1x16xf32> to vector<16xf32>
        %add3A_547 = arith.addf %scan3A_528, %get3A_546 : vector<16xf32>
        %add3A_548 = arith.constant 0 : i32
        %add3A_549 = arith.addi %add3A_534, %add3A_548 : i32
        %add3A_550 = arith.constant 1 : i32
        %add3A_551 = arith.addi %add3A_549, %add3A_550 : i32
        %get3A_552 = arith.index_cast %add3A_551 : i32 to index
        %get3A_553 = arith.constant 0 : index
        %get3A_554 = tpu.vector_load %arg7[%get3A_552, %get3A_553] {strides = array<i32>} : memref<1600x32xf32, #tpu.memory_space<vmem>>, vector<1x16xf32>,
        %get3A_555 = vector.shape_cast %get3A_554 : vector<1x16xf32> to vector<16xf32>
        %add3A_556 = arith.addf %scan3A_529, %get3A_555 : vector<16xf32>
        %add3A_557 = arith.constant 0 : i32
        %add3A_558 = arith.addi %add3A_534, %add3A_557 : i32
        %add3A_559 = arith.constant 1 : i32
        %add3A_560 = arith.addi %add3A_558, %add3A_559 : i32
        %get3A_561 = arith.index_cast %add3A_560 : i32 to index
        %get3A_562 = arith.constant 16 : index
        %get3A_563 = tpu.vector_load %arg7[%get3A_561, %get3A_562] {strides = array<i32>} : memref<1600x32xf32, #tpu.memory_space<vmem>>, vector<1x16xf32>,
        %get3A_564 = vector.shape_cast %get3A_563 : vector<1x16xf32> to vector<16xf32>
        %add3A_565 = arith.addf %scan3A_530, %get3A_564 : vector<16xf32>
        %add3A_566 = arith.constant 2 : i32
        %add3A_567 = arith.addi %add3A_534, %add3A_566 : i32
        %get3A_568 = arith.index_cast %add3A_567 : i32 to index
        %get3A_569 = arith.constant 0 : index
        %get3A_570 = tpu.vector_load %arg7[%get3A_568, %get3A_569] {strides = array<i32>} : memref<1600x32xf32, #tpu.memory_space<vmem>>, vector<1x16xf32>,
        %get3A_571 = vector.shape_cast %get3A_570 : vector<1x16xf32> to vector<16xf32>
        %add3A_572 = arith.addf %add3A_540, %get3A_571 : vector<16xf32>
        %add3A_573 = arith.constant 2 : i32
        %add3A_574 = arith.addi %add3A_534, %add3A_573 : i32
        %get3A_575 = arith.index_cast %add3A_574 : i32 to index
        %get3A_576 = arith.constant 16 : index
        %get3A_577 = tpu.vector_load %arg7[%get3A_575, %get3A_576] {strides = array<i32>} : memref<1600x32xf32, #tpu.memory_space<vmem>>, vector<1x16xf32>,
        %get3A_578 = vector.shape_cast %get3A_577 : vector<1x16xf32> to vector<16xf32>
        %add3A_579 = arith.addf %add3A_547, %get3A_578 : vector<16xf32>
        %add3A_580 = arith.constant 2 : i32
        %add3A_581 = arith.addi %add3A_534, %add3A_580 : i32
        %add3A_582 = arith.constant 1 : i32
        %add3A_583 = arith.addi %add3A_581, %add3A_582 : i32
        %get3A_584 = arith.index_cast %add3A_583 : i32 to index
        %get3A_585 = arith.constant 0 : index
        %get3A_586 = tpu.vector_load %arg7[%get3A_584, %get3A_585] {strides = array<i32>} : memref<1600x32xf32, #tpu.memory_space<vmem>>, vector<1x16xf32>,
        %get3A_587 = vector.shape_cast %get3A_586 : vector<1x16xf32> to vector<16xf32>
        %add3A_588 = arith.addf %add3A_556, %get3A_587 : vector<16xf32>
        %add3A_589 = arith.constant 2 : i32
        %add3A_590 = arith.addi %add3A_534, %add3A_589 : i32
        %add3A_591 = arith.constant 1 : i32
        %add3A_592 = arith.addi %add3A_590, %add3A_591 : i32
        %get3A_593 = arith.index_cast %add3A_592 : i32 to index
        %get3A_594 = arith.constant 16 : index
        %get3A_595 = tpu.vector_load %arg7[%get3A_593, %get3A_594] {strides = array<i32>} : memref<1600x32xf32, #tpu.memory_space<vmem>>, vector<1x16xf32>,
        %get3A_596 = vector.shape_cast %get3A_595 : vector<1x16xf32> to vector<16xf32>
        %add3A_597 = arith.addf %add3A_565, %get3A_596 : vector<16xf32>
        %add3A_598 = arith.constant 4 : i32
        %add3A_599 = arith.addi %add3A_534, %add3A_598 : i32
        %get3A_600 = arith.index_cast %add3A_599 : i32 to index
        %get3A_601 = arith.constant 0 : index
        %get3A_602 = tpu.vector_load %arg7[%get3A_600, %get3A_601] {strides = array<i32>} : memref<1600x32xf32, #tpu.memory_space<vmem>>, vector<1x16xf32>,
        %get3A_603 = vector.shape_cast %get3A_602 : vector<1x16xf32> to vector<16xf32>
        %add3A_604 = arith.addf %add3A_572, %get3A_603 : vector<16xf32>
        %add3A_605 = arith.constant 4 : i32
        %add3A_606 = arith.addi %add3A_534, %add3A_605 : i32
        %get3A_607 = arith.index_cast %add3A_606 : i32 to index
        %get3A_608 = arith.constant 16 : index
        %get3A_609 = tpu.vector_load %arg7[%get3A_607, %get3A_608] {strides = array<i32>} : memref<1600x32xf32, #tpu.memory_space<vmem>>, vector<1x16xf32>,
        %get3A_610 = vector.shape_cast %get3A_609 : vector<1x16xf32> to vector<16xf32>
        %add3A_611 = arith.addf %add3A_579, %get3A_610 : vector<16xf32>
        %add3A_612 = arith.constant 4 : i32
        %add3A_613 = arith.addi %add3A_534, %add3A_612 : i32
        %add3A_614 = arith.constant 1 : i32
        %add3A_615 = arith.addi %add3A_613, %add3A_614 : i32
        %get3A_616 = arith.index_cast %add3A_615 : i32 to index
        %get3A_617 = arith.constant 0 : index
        %get3A_618 = tpu.vector_load %arg7[%get3A_616, %get3A_617] {strides = array<i32>} : memref<1600x32xf32, #tpu.memory_space<vmem>>, vector<1x16xf32>,
        %get3A_619 = vector.shape_cast %get3A_618 : vector<1x16xf32> to vector<16xf32>
        %add3A_620 = arith.addf %add3A_588, %get3A_619 : vector<16xf32>
        %add3A_621 = arith.constant 4 : i32
        %add3A_622 = arith.addi %add3A_534, %add3A_621 : i32
        %add3A_623 = arith.constant 1 : i32
        %add3A_624 = arith.addi %add3A_622, %add3A_623 : i32
        %get3A_625 = arith.index_cast %add3A_624 : i32 to index
        %get3A_626 = arith.constant 16 : index
        %get3A_627 = tpu.vector_load %arg7[%get3A_625, %get3A_626] {strides = array<i32>} : memref<1600x32xf32, #tpu.memory_space<vmem>>, vector<1x16xf32>,
        %get3A_628 = vector.shape_cast %get3A_627 : vector<1x16xf32> to vector<16xf32>
        %add3A_629 = arith.addf %add3A_597, %get3A_628 : vector<16xf32>
        %add3A_630 = arith.constant 6 : i32
        %add3A_631 = arith.addi %add3A_534, %add3A_630 : i32
        %get3A_632 = arith.index_cast %add3A_631 : i32 to index
        %get3A_633 = arith.constant 0 : index
        %get3A_634 = tpu.vector_load %arg7[%get3A_632, %get3A_633] {strides = array<i32>} : memref<1600x32xf32, #tpu.memory_space<vmem>>, vector<1x16xf32>,
        %get3A_635 = vector.shape_cast %get3A_634 : vector<1x16xf32> to vector<16xf32>
        %add3A_636 = arith.addf %add3A_604, %get3A_635 : vector<16xf32>
        %add3A_637 = arith.constant 6 : i32
        %add3A_638 = arith.addi %add3A_534, %add3A_637 : i32
        %get3A_639 = arith.index_cast %add3A_638 : i32 to index
        %get3A_640 = arith.constant 16 : index
        %get3A_641 = tpu.vector_load %arg7[%get3A_639, %get3A_640] {strides = array<i32>} : memref<1600x32xf32, #tpu.memory_space<vmem>>, vector<1x16xf32>,
        %get3A_642 = vector.shape_cast %get3A_641 : vector<1x16xf32> to vector<16xf32>
        %add3A_643 = arith.addf %add3A_611, %get3A_642 : vector<16xf32>
        %add3A_644 = arith.constant 6 : i32
        %add3A_645 = arith.addi %add3A_534, %add3A_644 : i32
        %add3A_646 = arith.constant 1 : i32
        %add3A_647 = arith.addi %add3A_645, %add3A_646 : i32
        %get3A_648 = arith.index_cast %add3A_647 : i32 to index
        %get3A_649 = arith.constant 0 : index
        %get3A_650 = tpu.vector_load %arg7[%get3A_648, %get3A_649] {strides = array<i32>} : memref<1600x32xf32, #tpu.memory_space<vmem>>, vector<1x16xf32>,
        %get3A_651 = vector.shape_cast %get3A_650 : vector<1x16xf32> to vector<16xf32>
        %add3A_652 = arith.addf %add3A_620, %get3A_651 : vector<16xf32>
        %add3A_653 = arith.constant 6 : i32
        %add3A_654 = arith.addi %add3A_534, %add3A_653 : i32
        %add3A_655 = arith.constant 1 : i32
        %add3A_656 = arith.addi %add3A_654, %add3A_655 : i32
        %get3A_657 = arith.index_cast %add3A_656 : i32 to index
        %get3A_658 = arith.constant 16 : index
        %get3A_659 = tpu.vector_load %arg7[%get3A_657, %get3A_658] {strides = array<i32>} : memref<1600x32xf32, #tpu.memory_space<vmem>>, vector<1x16xf32>,
        %get3A_660 = vector.shape_cast %get3A_659 : vector<1x16xf32> to vector<16xf32>
        %add3A_661 = arith.addf %add3A_629, %get3A_660 : vector<16xf32>
        scf.yield %add3A_636, %add3A_643, %add3A_652, %add3A_661 : vector<16xf32>, vector<16xf32>, vector<16xf32>, vector<16xf32>
      }
      %scan3A_135 = arith.constant 25 : i32
      %add3A_136 = arith.addf %scan3A_134#0, %scan3A_134#2 : vector<16xf32>
      %mul3A_137 = vector.broadcast %scan3A_30 : f32 to vector<16xf32>
      %mul3A_138 = arith.mulf %add3A_136, %mul3A_137 : vector<16xf32>
      %swap3A_139 = arith.constant 2 : i32
      %swap3A_140 = arith.index_cast %swap3A_139 : i32 to index
      %swap3A_141 = arith.constant 0 : index
      %swap3A_142 = tpu.vector_load %arg9[%swap3A_140, %swap3A_141] {strides = array<i32>} : memref<8x32xf32, #tpu.memory_space<vmem>>, vector<1x16xf32>,
      %swap3A_143 = vector.shape_cast %swap3A_142 : vector<1x16xf32> to vector<16xf32>
      %swap3A_144 = vector.shape_cast %mul3A_138 : vector<16xf32> to vector<1x16xf32>
      tpu.vector_store %arg9[%swap3A_140, %swap3A_141], %swap3A_144 {strides = array<i32>} : memref<8x32xf32, #tpu.memory_space<vmem>>, vector<1x16xf32>,
      %add3A_145 = arith.addf %scan3A_134#1, %scan3A_134#3 : vector<16xf32>
      %mul3A_146 = vector.broadcast %scan3A_30 : f32 to vector<16xf32>
      %mul3A_147 = arith.mulf %add3A_145, %mul3A_146 : vector<16xf32>
      %swap3A_148 = arith.constant 2 : i32
      %swap3A_149 = arith.index_cast %swap3A_148 : i32 to index
      %swap3A_150 = arith.constant 16 : index
      %swap3A_151 = tpu.vector_load %arg9[%swap3A_149, %swap3A_150] {strides = array<i32>} : memref<8x32xf32, #tpu.memory_space<vmem>>, vector<1x16xf32>,
      %swap3A_152 = vector.shape_cast %swap3A_151 : vector<1x16xf32> to vector<16xf32>
      %swap3A_153 = vector.shape_cast %mul3A_147 : vector<16xf32> to vector<1x16xf32>
      tpu.vector_store %arg9[%swap3A_149, %swap3A_150], %swap3A_153 {strides = array<i32>} : memref<8x32xf32, #tpu.memory_space<vmem>>, vector<1x16xf32>,
      %broadcast_in_dim3A_154 = arith.constant 0.000000e+00 : f32
      %broadcast_in_dim3A_155 = vector.broadcast %broadcast_in_dim3A_154 : f32 to vector<16xf32>
      %scan3A_156 = arith.constant 0 : i32
      %scan3A_157 = arith.constant 25 : i32
      %scan3A_158 = arith.addi %scan3A_156, %scan3A_157 : i32
      %scan3A_159 = arith.constant 1 : i32
      %scan3A_160:4 = scf.for %scan3A_526 = %scan3A_156 to %scan3A_158 step %scan3A_159 iter_args(%scan3A_527 = %broadcast_in_dim3A_155, %scan3A_528 = %broadcast_in_dim3A_155, %scan3A_529 = %broadcast_in_dim3A_155, %scan3A_530 = %broadcast_in_dim3A_155) -> (vector<16xf32>, vector<16xf32>, vector<16xf32>, vector<16xf32>)  : i32 {
        %mul3A_531 = arith.constant 8 : i32
        %mul3A_532 = arith.muli %scan3A_526, %mul3A_531 : i32
        %add3A_533 = arith.constant 600 : i32
        %add3A_534 = arith.addi %add3A_533, %mul3A_532 : i32
        %add3A_535 = arith.constant 0 : i32
        %add3A_536 = arith.addi %add3A_534, %add3A_535 : i32
        %get3A = arith.index_cast %add3A_536 : i32 to index
        %get3A_537 = arith.constant 0 : index
        %get3A_538 = tpu.vector_load %arg7[%get3A, %get3A_537] {strides = array<i32>} : memref<1600x32xf32, #tpu.memory_space<vmem>>, vector<1x16xf32>,
        %get3A_539 = vector.shape_cast %get3A_538 : vector<1x16xf32> to vector<16xf32>
        %add3A_540 = arith.addf %scan3A_527, %get3A_539 : vector<16xf32>
        %add3A_541 = arith.constant 0 : i32
        %add3A_542 = arith.addi %add3A_534, %add3A_541 : i32
        %get3A_543 = arith.index_cast %add3A_542 : i32 to index
        %get3A_544 = arith.constant 16 : index
        %get3A_545 = tpu.vector_load %arg7[%get3A_543, %get3A_544] {strides = array<i32>} : memref<1600x32xf32, #tpu.memory_space<vmem>>, vector<1x16xf32>,
        %get3A_546 = vector.shape_cast %get3A_545 : vector<1x16xf32> to vector<16xf32>
        %add3A_547 = arith.addf %scan3A_528, %get3A_546 : vector<16xf32>
        %add3A_548 = arith.constant 0 : i32
        %add3A_549 = arith.addi %add3A_534, %add3A_548 : i32
        %add3A_550 = arith.constant 1 : i32
        %add3A_551 = arith.addi %add3A_549, %add3A_550 : i32
        %get3A_552 = arith.index_cast %add3A_551 : i32 to index
        %get3A_553 = arith.constant 0 : index
        %get3A_554 = tpu.vector_load %arg7[%get3A_552, %get3A_553] {strides = array<i32>} : memref<1600x32xf32, #tpu.memory_space<vmem>>, vector<1x16xf32>,
        %get3A_555 = vector.shape_cast %get3A_554 : vector<1x16xf32> to vector<16xf32>
        %add3A_556 = arith.addf %scan3A_529, %get3A_555 : vector<16xf32>
        %add3A_557 = arith.constant 0 : i32
        %add3A_558 = arith.addi %add3A_534, %add3A_557 : i32
        %add3A_559 = arith.constant 1 : i32
        %add3A_560 = arith.addi %add3A_558, %add3A_559 : i32
        %get3A_561 = arith.index_cast %add3A_560 : i32 to index
        %get3A_562 = arith.constant 16 : index
        %get3A_563 = tpu.vector_load %arg7[%get3A_561, %get3A_562] {strides = array<i32>} : memref<1600x32xf32, #tpu.memory_space<vmem>>, vector<1x16xf32>,
        %get3A_564 = vector.shape_cast %get3A_563 : vector<1x16xf32> to vector<16xf32>
        %add3A_565 = arith.addf %scan3A_530, %get3A_564 : vector<16xf32>
        %add3A_566 = arith.constant 2 : i32
        %add3A_567 = arith.addi %add3A_534, %add3A_566 : i32
        %get3A_568 = arith.index_cast %add3A_567 : i32 to index
        %get3A_569 = arith.constant 0 : index
        %get3A_570 = tpu.vector_load %arg7[%get3A_568, %get3A_569] {strides = array<i32>} : memref<1600x32xf32, #tpu.memory_space<vmem>>, vector<1x16xf32>,
        %get3A_571 = vector.shape_cast %get3A_570 : vector<1x16xf32> to vector<16xf32>
        %add3A_572 = arith.addf %add3A_540, %get3A_571 : vector<16xf32>
        %add3A_573 = arith.constant 2 : i32
        %add3A_574 = arith.addi %add3A_534, %add3A_573 : i32
        %get3A_575 = arith.index_cast %add3A_574 : i32 to index
        %get3A_576 = arith.constant 16 : index
        %get3A_577 = tpu.vector_load %arg7[%get3A_575, %get3A_576] {strides = array<i32>} : memref<1600x32xf32, #tpu.memory_space<vmem>>, vector<1x16xf32>,
        %get3A_578 = vector.shape_cast %get3A_577 : vector<1x16xf32> to vector<16xf32>
        %add3A_579 = arith.addf %add3A_547, %get3A_578 : vector<16xf32>
        %add3A_580 = arith.constant 2 : i32
        %add3A_581 = arith.addi %add3A_534, %add3A_580 : i32
        %add3A_582 = arith.constant 1 : i32
        %add3A_583 = arith.addi %add3A_581, %add3A_582 : i32
        %get3A_584 = arith.index_cast %add3A_583 : i32 to index
        %get3A_585 = arith.constant 0 : index
        %get3A_586 = tpu.vector_load %arg7[%get3A_584, %get3A_585] {strides = array<i32>} : memref<1600x32xf32, #tpu.memory_space<vmem>>, vector<1x16xf32>,
        %get3A_587 = vector.shape_cast %get3A_586 : vector<1x16xf32> to vector<16xf32>
        %add3A_588 = arith.addf %add3A_556, %get3A_587 : vector<16xf32>
        %add3A_589 = arith.constant 2 : i32
        %add3A_590 = arith.addi %add3A_534, %add3A_589 : i32
        %add3A_591 = arith.constant 1 : i32
        %add3A_592 = arith.addi %add3A_590, %add3A_591 : i32
        %get3A_593 = arith.index_cast %add3A_592 : i32 to index
        %get3A_594 = arith.constant 16 : index
        %get3A_595 = tpu.vector_load %arg7[%get3A_593, %get3A_594] {strides = array<i32>} : memref<1600x32xf32, #tpu.memory_space<vmem>>, vector<1x16xf32>,
        %get3A_596 = vector.shape_cast %get3A_595 : vector<1x16xf32> to vector<16xf32>
        %add3A_597 = arith.addf %add3A_565, %get3A_596 : vector<16xf32>
        %add3A_598 = arith.constant 4 : i32
        %add3A_599 = arith.addi %add3A_534, %add3A_598 : i32
        %get3A_600 = arith.index_cast %add3A_599 : i32 to index
        %get3A_601 = arith.constant 0 : index
        %get3A_602 = tpu.vector_load %arg7[%get3A_600, %get3A_601] {strides = array<i32>} : memref<1600x32xf32, #tpu.memory_space<vmem>>, vector<1x16xf32>,
        %get3A_603 = vector.shape_cast %get3A_602 : vector<1x16xf32> to vector<16xf32>
        %add3A_604 = arith.addf %add3A_572, %get3A_603 : vector<16xf32>
        %add3A_605 = arith.constant 4 : i32
        %add3A_606 = arith.addi %add3A_534, %add3A_605 : i32
        %get3A_607 = arith.index_cast %add3A_606 : i32 to index
        %get3A_608 = arith.constant 16 : index
        %get3A_609 = tpu.vector_load %arg7[%get3A_607, %get3A_608] {strides = array<i32>} : memref<1600x32xf32, #tpu.memory_space<vmem>>, vector<1x16xf32>,
        %get3A_610 = vector.shape_cast %get3A_609 : vector<1x16xf32> to vector<16xf32>
        %add3A_611 = arith.addf %add3A_579, %get3A_610 : vector<16xf32>
        %add3A_612 = arith.constant 4 : i32
        %add3A_613 = arith.addi %add3A_534, %add3A_612 : i32
        %add3A_614 = arith.constant 1 : i32
        %add3A_615 = arith.addi %add3A_613, %add3A_614 : i32
        %get3A_616 = arith.index_cast %add3A_615 : i32 to index
        %get3A_617 = arith.constant 0 : index
        %get3A_618 = tpu.vector_load %arg7[%get3A_616, %get3A_617] {strides = array<i32>} : memref<1600x32xf32, #tpu.memory_space<vmem>>, vector<1x16xf32>,
        %get3A_619 = vector.shape_cast %get3A_618 : vector<1x16xf32> to vector<16xf32>
        %add3A_620 = arith.addf %add3A_588, %get3A_619 : vector<16xf32>
        %add3A_621 = arith.constant 4 : i32
        %add3A_622 = arith.addi %add3A_534, %add3A_621 : i32
        %add3A_623 = arith.constant 1 : i32
        %add3A_624 = arith.addi %add3A_622, %add3A_623 : i32
        %get3A_625 = arith.index_cast %add3A_624 : i32 to index
        %get3A_626 = arith.constant 16 : index
        %get3A_627 = tpu.vector_load %arg7[%get3A_625, %get3A_626] {strides = array<i32>} : memref<1600x32xf32, #tpu.memory_space<vmem>>, vector<1x16xf32>,
        %get3A_628 = vector.shape_cast %get3A_627 : vector<1x16xf32> to vector<16xf32>
        %add3A_629 = arith.addf %add3A_597, %get3A_628 : vector<16xf32>
        %add3A_630 = arith.constant 6 : i32
        %add3A_631 = arith.addi %add3A_534, %add3A_630 : i32
        %get3A_632 = arith.index_cast %add3A_631 : i32 to index
        %get3A_633 = arith.constant 0 : index
        %get3A_634 = tpu.vector_load %arg7[%get3A_632, %get3A_633] {strides = array<i32>} : memref<1600x32xf32, #tpu.memory_space<vmem>>, vector<1x16xf32>,
        %get3A_635 = vector.shape_cast %get3A_634 : vector<1x16xf32> to vector<16xf32>
        %add3A_636 = arith.addf %add3A_604, %get3A_635 : vector<16xf32>
        %add3A_637 = arith.constant 6 : i32
        %add3A_638 = arith.addi %add3A_534, %add3A_637 : i32
        %get3A_639 = arith.index_cast %add3A_638 : i32 to index
        %get3A_640 = arith.constant 16 : index
        %get3A_641 = tpu.vector_load %arg7[%get3A_639, %get3A_640] {strides = array<i32>} : memref<1600x32xf32, #tpu.memory_space<vmem>>, vector<1x16xf32>,
        %get3A_642 = vector.shape_cast %get3A_641 : vector<1x16xf32> to vector<16xf32>
        %add3A_643 = arith.addf %add3A_611, %get3A_642 : vector<16xf32>
        %add3A_644 = arith.constant 6 : i32
        %add3A_645 = arith.addi %add3A_534, %add3A_644 : i32
        %add3A_646 = arith.constant 1 : i32
        %add3A_647 = arith.addi %add3A_645, %add3A_646 : i32
        %get3A_648 = arith.index_cast %add3A_647 : i32 to index
        %get3A_649 = arith.constant 0 : index
        %get3A_650 = tpu.vector_load %arg7[%get3A_648, %get3A_649] {strides = array<i32>} : memref<1600x32xf32, #tpu.memory_space<vmem>>, vector<1x16xf32>,
        %get3A_651 = vector.shape_cast %get3A_650 : vector<1x16xf32> to vector<16xf32>
        %add3A_652 = arith.addf %add3A_620, %get3A_651 : vector<16xf32>
        %add3A_653 = arith.constant 6 : i32
        %add3A_654 = arith.addi %add3A_534, %add3A_653 : i32
        %add3A_655 = arith.constant 1 : i32
        %add3A_656 = arith.addi %add3A_654, %add3A_655 : i32
        %get3A_657 = arith.index_cast %add3A_656 : i32 to index
        %get3A_658 = arith.constant 16 : index
        %get3A_659 = tpu.vector_load %arg7[%get3A_657, %get3A_658] {strides = array<i32>} : memref<1600x32xf32, #tpu.memory_space<vmem>>, vector<1x16xf32>,
        %get3A_660 = vector.shape_cast %get3A_659 : vector<1x16xf32> to vector<16xf32>
        %add3A_661 = arith.addf %add3A_629, %get3A_660 : vector<16xf32>
        scf.yield %add3A_636, %add3A_643, %add3A_652, %add3A_661 : vector<16xf32>, vector<16xf32>, vector<16xf32>, vector<16xf32>
      }
      %scan3A_161 = arith.constant 25 : i32
      %add3A_162 = arith.addf %scan3A_160#0, %scan3A_160#2 : vector<16xf32>
      %mul3A_163 = vector.broadcast %scan3A_30 : f32 to vector<16xf32>
      %mul3A_164 = arith.mulf %add3A_162, %mul3A_163 : vector<16xf32>
      %swap3A_165 = arith.constant 3 : i32
      %swap3A_166 = arith.index_cast %swap3A_165 : i32 to index
      %swap3A_167 = arith.constant 0 : index
      %swap3A_168 = tpu.vector_load %arg9[%swap3A_166, %swap3A_167] {strides = array<i32>} : memref<8x32xf32, #tpu.memory_space<vmem>>, vector<1x16xf32>,
      %swap3A_169 = vector.shape_cast %swap3A_168 : vector<1x16xf32> to vector<16xf32>
      %swap3A_170 = vector.shape_cast %mul3A_164 : vector<16xf32> to vector<1x16xf32>
      tpu.vector_store %arg9[%swap3A_166, %swap3A_167], %swap3A_170 {strides = array<i32>} : memref<8x32xf32, #tpu.memory_space<vmem>>, vector<1x16xf32>,
      %add3A_171 = arith.addf %scan3A_160#1, %scan3A_160#3 : vector<16xf32>
      %mul3A_172 = vector.broadcast %scan3A_30 : f32 to vector<16xf32>
      %mul3A_173 = arith.mulf %add3A_171, %mul3A_172 : vector<16xf32>
      %swap3A_174 = arith.constant 3 : i32
      %swap3A_175 = arith.index_cast %swap3A_174 : i32 to index
      %swap3A_176 = arith.constant 16 : index
      %swap3A_177 = tpu.vector_load %arg9[%swap3A_175, %swap3A_176] {strides = array<i32>} : memref<8x32xf32, #tpu.memory_space<vmem>>, vector<1x16xf32>,
      %swap3A_178 = vector.shape_cast %swap3A_177 : vector<1x16xf32> to vector<16xf32>
      %swap3A_179 = vector.shape_cast %mul3A_173 : vector<16xf32> to vector<1x16xf32>
      tpu.vector_store %arg9[%swap3A_175, %swap3A_176], %swap3A_179 {strides = array<i32>} : memref<8x32xf32, #tpu.memory_space<vmem>>, vector<1x16xf32>,
      %broadcast_in_dim3A_180 = arith.constant 0.000000e+00 : f32
      %broadcast_in_dim3A_181 = vector.broadcast %broadcast_in_dim3A_180 : f32 to vector<16xf32>
      %scan3A_182 = arith.constant 0 : i32
      %scan3A_183 = arith.constant 25 : i32
      %scan3A_184 = arith.addi %scan3A_182, %scan3A_183 : i32
      %scan3A_185 = arith.constant 1 : i32
      %scan3A_186:4 = scf.for %scan3A_526 = %scan3A_182 to %scan3A_184 step %scan3A_185 iter_args(%scan3A_527 = %broadcast_in_dim3A_181, %scan3A_528 = %broadcast_in_dim3A_181, %scan3A_529 = %broadcast_in_dim3A_181, %scan3A_530 = %broadcast_in_dim3A_181) -> (vector<16xf32>, vector<16xf32>, vector<16xf32>, vector<16xf32>)  : i32 {
        %mul3A_531 = arith.constant 8 : i32
        %mul3A_532 = arith.muli %scan3A_526, %mul3A_531 : i32
        %add3A_533 = arith.constant 800 : i32
        %add3A_534 = arith.addi %add3A_533, %mul3A_532 : i32
        %add3A_535 = arith.constant 0 : i32
        %add3A_536 = arith.addi %add3A_534, %add3A_535 : i32
        %get3A = arith.index_cast %add3A_536 : i32 to index
        %get3A_537 = arith.constant 0 : index
        %get3A_538 = tpu.vector_load %arg7[%get3A, %get3A_537] {strides = array<i32>} : memref<1600x32xf32, #tpu.memory_space<vmem>>, vector<1x16xf32>,
        %get3A_539 = vector.shape_cast %get3A_538 : vector<1x16xf32> to vector<16xf32>
        %add3A_540 = arith.addf %scan3A_527, %get3A_539 : vector<16xf32>
        %add3A_541 = arith.constant 0 : i32
        %add3A_542 = arith.addi %add3A_534, %add3A_541 : i32
        %get3A_543 = arith.index_cast %add3A_542 : i32 to index
        %get3A_544 = arith.constant 16 : index
        %get3A_545 = tpu.vector_load %arg7[%get3A_543, %get3A_544] {strides = array<i32>} : memref<1600x32xf32, #tpu.memory_space<vmem>>, vector<1x16xf32>,
        %get3A_546 = vector.shape_cast %get3A_545 : vector<1x16xf32> to vector<16xf32>
        %add3A_547 = arith.addf %scan3A_528, %get3A_546 : vector<16xf32>
        %add3A_548 = arith.constant 0 : i32
        %add3A_549 = arith.addi %add3A_534, %add3A_548 : i32
        %add3A_550 = arith.constant 1 : i32
        %add3A_551 = arith.addi %add3A_549, %add3A_550 : i32
        %get3A_552 = arith.index_cast %add3A_551 : i32 to index
        %get3A_553 = arith.constant 0 : index
        %get3A_554 = tpu.vector_load %arg7[%get3A_552, %get3A_553] {strides = array<i32>} : memref<1600x32xf32, #tpu.memory_space<vmem>>, vector<1x16xf32>,
        %get3A_555 = vector.shape_cast %get3A_554 : vector<1x16xf32> to vector<16xf32>
        %add3A_556 = arith.addf %scan3A_529, %get3A_555 : vector<16xf32>
        %add3A_557 = arith.constant 0 : i32
        %add3A_558 = arith.addi %add3A_534, %add3A_557 : i32
        %add3A_559 = arith.constant 1 : i32
        %add3A_560 = arith.addi %add3A_558, %add3A_559 : i32
        %get3A_561 = arith.index_cast %add3A_560 : i32 to index
        %get3A_562 = arith.constant 16 : index
        %get3A_563 = tpu.vector_load %arg7[%get3A_561, %get3A_562] {strides = array<i32>} : memref<1600x32xf32, #tpu.memory_space<vmem>>, vector<1x16xf32>,
        %get3A_564 = vector.shape_cast %get3A_563 : vector<1x16xf32> to vector<16xf32>
        %add3A_565 = arith.addf %scan3A_530, %get3A_564 : vector<16xf32>
        %add3A_566 = arith.constant 2 : i32
        %add3A_567 = arith.addi %add3A_534, %add3A_566 : i32
        %get3A_568 = arith.index_cast %add3A_567 : i32 to index
        %get3A_569 = arith.constant 0 : index
        %get3A_570 = tpu.vector_load %arg7[%get3A_568, %get3A_569] {strides = array<i32>} : memref<1600x32xf32, #tpu.memory_space<vmem>>, vector<1x16xf32>,
        %get3A_571 = vector.shape_cast %get3A_570 : vector<1x16xf32> to vector<16xf32>
        %add3A_572 = arith.addf %add3A_540, %get3A_571 : vector<16xf32>
        %add3A_573 = arith.constant 2 : i32
        %add3A_574 = arith.addi %add3A_534, %add3A_573 : i32
        %get3A_575 = arith.index_cast %add3A_574 : i32 to index
        %get3A_576 = arith.constant 16 : index
        %get3A_577 = tpu.vector_load %arg7[%get3A_575, %get3A_576] {strides = array<i32>} : memref<1600x32xf32, #tpu.memory_space<vmem>>, vector<1x16xf32>,
        %get3A_578 = vector.shape_cast %get3A_577 : vector<1x16xf32> to vector<16xf32>
        %add3A_579 = arith.addf %add3A_547, %get3A_578 : vector<16xf32>
        %add3A_580 = arith.constant 2 : i32
        %add3A_581 = arith.addi %add3A_534, %add3A_580 : i32
        %add3A_582 = arith.constant 1 : i32
        %add3A_583 = arith.addi %add3A_581, %add3A_582 : i32
        %get3A_584 = arith.index_cast %add3A_583 : i32 to index
        %get3A_585 = arith.constant 0 : index
        %get3A_586 = tpu.vector_load %arg7[%get3A_584, %get3A_585] {strides = array<i32>} : memref<1600x32xf32, #tpu.memory_space<vmem>>, vector<1x16xf32>,
        %get3A_587 = vector.shape_cast %get3A_586 : vector<1x16xf32> to vector<16xf32>
        %add3A_588 = arith.addf %add3A_556, %get3A_587 : vector<16xf32>
        %add3A_589 = arith.constant 2 : i32
        %add3A_590 = arith.addi %add3A_534, %add3A_589 : i32
        %add3A_591 = arith.constant 1 : i32
        %add3A_592 = arith.addi %add3A_590, %add3A_591 : i32
        %get3A_593 = arith.index_cast %add3A_592 : i32 to index
        %get3A_594 = arith.constant 16 : index
        %get3A_595 = tpu.vector_load %arg7[%get3A_593, %get3A_594] {strides = array<i32>} : memref<1600x32xf32, #tpu.memory_space<vmem>>, vector<1x16xf32>,
        %get3A_596 = vector.shape_cast %get3A_595 : vector<1x16xf32> to vector<16xf32>
        %add3A_597 = arith.addf %add3A_565, %get3A_596 : vector<16xf32>
        %add3A_598 = arith.constant 4 : i32
        %add3A_599 = arith.addi %add3A_534, %add3A_598 : i32
        %get3A_600 = arith.index_cast %add3A_599 : i32 to index
        %get3A_601 = arith.constant 0 : index
        %get3A_602 = tpu.vector_load %arg7[%get3A_600, %get3A_601] {strides = array<i32>} : memref<1600x32xf32, #tpu.memory_space<vmem>>, vector<1x16xf32>,
        %get3A_603 = vector.shape_cast %get3A_602 : vector<1x16xf32> to vector<16xf32>
        %add3A_604 = arith.addf %add3A_572, %get3A_603 : vector<16xf32>
        %add3A_605 = arith.constant 4 : i32
        %add3A_606 = arith.addi %add3A_534, %add3A_605 : i32
        %get3A_607 = arith.index_cast %add3A_606 : i32 to index
        %get3A_608 = arith.constant 16 : index
        %get3A_609 = tpu.vector_load %arg7[%get3A_607, %get3A_608] {strides = array<i32>} : memref<1600x32xf32, #tpu.memory_space<vmem>>, vector<1x16xf32>,
        %get3A_610 = vector.shape_cast %get3A_609 : vector<1x16xf32> to vector<16xf32>
        %add3A_611 = arith.addf %add3A_579, %get3A_610 : vector<16xf32>
        %add3A_612 = arith.constant 4 : i32
        %add3A_613 = arith.addi %add3A_534, %add3A_612 : i32
        %add3A_614 = arith.constant 1 : i32
        %add3A_615 = arith.addi %add3A_613, %add3A_614 : i32
        %get3A_616 = arith.index_cast %add3A_615 : i32 to index
        %get3A_617 = arith.constant 0 : index
        %get3A_618 = tpu.vector_load %arg7[%get3A_616, %get3A_617] {strides = array<i32>} : memref<1600x32xf32, #tpu.memory_space<vmem>>, vector<1x16xf32>,
        %get3A_619 = vector.shape_cast %get3A_618 : vector<1x16xf32> to vector<16xf32>
        %add3A_620 = arith.addf %add3A_588, %get3A_619 : vector<16xf32>
        %add3A_621 = arith.constant 4 : i32
        %add3A_622 = arith.addi %add3A_534, %add3A_621 : i32
        %add3A_623 = arith.constant 1 : i32
        %add3A_624 = arith.addi %add3A_622, %add3A_623 : i32
        %get3A_625 = arith.index_cast %add3A_624 : i32 to index
        %get3A_626 = arith.constant 16 : index
        %get3A_627 = tpu.vector_load %arg7[%get3A_625, %get3A_626] {strides = array<i32>} : memref<1600x32xf32, #tpu.memory_space<vmem>>, vector<1x16xf32>,
        %get3A_628 = vector.shape_cast %get3A_627 : vector<1x16xf32> to vector<16xf32>
        %add3A_629 = arith.addf %add3A_597, %get3A_628 : vector<16xf32>
        %add3A_630 = arith.constant 6 : i32
        %add3A_631 = arith.addi %add3A_534, %add3A_630 : i32
        %get3A_632 = arith.index_cast %add3A_631 : i32 to index
        %get3A_633 = arith.constant 0 : index
        %get3A_634 = tpu.vector_load %arg7[%get3A_632, %get3A_633] {strides = array<i32>} : memref<1600x32xf32, #tpu.memory_space<vmem>>, vector<1x16xf32>,
        %get3A_635 = vector.shape_cast %get3A_634 : vector<1x16xf32> to vector<16xf32>
        %add3A_636 = arith.addf %add3A_604, %get3A_635 : vector<16xf32>
        %add3A_637 = arith.constant 6 : i32
        %add3A_638 = arith.addi %add3A_534, %add3A_637 : i32
        %get3A_639 = arith.index_cast %add3A_638 : i32 to index
        %get3A_640 = arith.constant 16 : index
        %get3A_641 = tpu.vector_load %arg7[%get3A_639, %get3A_640] {strides = array<i32>} : memref<1600x32xf32, #tpu.memory_space<vmem>>, vector<1x16xf32>,
        %get3A_642 = vector.shape_cast %get3A_641 : vector<1x16xf32> to vector<16xf32>
        %add3A_643 = arith.addf %add3A_611, %get3A_642 : vector<16xf32>
        %add3A_644 = arith.constant 6 : i32
        %add3A_645 = arith.addi %add3A_534, %add3A_644 : i32
        %add3A_646 = arith.constant 1 : i32
        %add3A_647 = arith.addi %add3A_645, %add3A_646 : i32
        %get3A_648 = arith.index_cast %add3A_647 : i32 to index
        %get3A_649 = arith.constant 0 : index
        %get3A_650 = tpu.vector_load %arg7[%get3A_648, %get3A_649] {strides = array<i32>} : memref<1600x32xf32, #tpu.memory_space<vmem>>, vector<1x16xf32>,
        %get3A_651 = vector.shape_cast %get3A_650 : vector<1x16xf32> to vector<16xf32>
        %add3A_652 = arith.addf %add3A_620, %get3A_651 : vector<16xf32>
        %add3A_653 = arith.constant 6 : i32
        %add3A_654 = arith.addi %add3A_534, %add3A_653 : i32
        %add3A_655 = arith.constant 1 : i32
        %add3A_656 = arith.addi %add3A_654, %add3A_655 : i32
        %get3A_657 = arith.index_cast %add3A_656 : i32 to index
        %get3A_658 = arith.constant 16 : index
        %get3A_659 = tpu.vector_load %arg7[%get3A_657, %get3A_658] {strides = array<i32>} : memref<1600x32xf32, #tpu.memory_space<vmem>>, vector<1x16xf32>,
        %get3A_660 = vector.shape_cast %get3A_659 : vector<1x16xf32> to vector<16xf32>
        %add3A_661 = arith.addf %add3A_629, %get3A_660 : vector<16xf32>
        scf.yield %add3A_636, %add3A_643, %add3A_652, %add3A_661 : vector<16xf32>, vector<16xf32>, vector<16xf32>, vector<16xf32>
      }
      %scan3A_187 = arith.constant 25 : i32
      %add3A_188 = arith.addf %scan3A_186#0, %scan3A_186#2 : vector<16xf32>
      %mul3A_189 = vector.broadcast %scan3A_30 : f32 to vector<16xf32>
      %mul3A_190 = arith.mulf %add3A_188, %mul3A_189 : vector<16xf32>
      %swap3A_191 = arith.constant 4 : i32
      %swap3A_192 = arith.index_cast %swap3A_191 : i32 to index
      %swap3A_193 = arith.constant 0 : index
      %swap3A_194 = tpu.vector_load %arg9[%swap3A_192, %swap3A_193] {strides = array<i32>} : memref<8x32xf32, #tpu.memory_space<vmem>>, vector<1x16xf32>,
      %swap3A_195 = vector.shape_cast %swap3A_194 : vector<1x16xf32> to vector<16xf32>
      %swap3A_196 = vector.shape_cast %mul3A_190 : vector<16xf32> to vector<1x16xf32>
      tpu.vector_store %arg9[%swap3A_192, %swap3A_193], %swap3A_196 {strides = array<i32>} : memref<8x32xf32, #tpu.memory_space<vmem>>, vector<1x16xf32>,
      %add3A_197 = arith.addf %scan3A_186#1, %scan3A_186#3 : vector<16xf32>
      %mul3A_198 = vector.broadcast %scan3A_30 : f32 to vector<16xf32>
      %mul3A_199 = arith.mulf %add3A_197, %mul3A_198 : vector<16xf32>
      %swap3A_200 = arith.constant 4 : i32
      %swap3A_201 = arith.index_cast %swap3A_200 : i32 to index
      %swap3A_202 = arith.constant 16 : index
      %swap3A_203 = tpu.vector_load %arg9[%swap3A_201, %swap3A_202] {strides = array<i32>} : memref<8x32xf32, #tpu.memory_space<vmem>>, vector<1x16xf32>,
      %swap3A_204 = vector.shape_cast %swap3A_203 : vector<1x16xf32> to vector<16xf32>
      %swap3A_205 = vector.shape_cast %mul3A_199 : vector<16xf32> to vector<1x16xf32>
      tpu.vector_store %arg9[%swap3A_201, %swap3A_202], %swap3A_205 {strides = array<i32>} : memref<8x32xf32, #tpu.memory_space<vmem>>, vector<1x16xf32>,
      %broadcast_in_dim3A_206 = arith.constant 0.000000e+00 : f32
      %broadcast_in_dim3A_207 = vector.broadcast %broadcast_in_dim3A_206 : f32 to vector<16xf32>
      %scan3A_208 = arith.constant 0 : i32
      %scan3A_209 = arith.constant 25 : i32
      %scan3A_210 = arith.addi %scan3A_208, %scan3A_209 : i32
      %scan3A_211 = arith.constant 1 : i32
      %scan3A_212:4 = scf.for %scan3A_526 = %scan3A_208 to %scan3A_210 step %scan3A_211 iter_args(%scan3A_527 = %broadcast_in_dim3A_207, %scan3A_528 = %broadcast_in_dim3A_207, %scan3A_529 = %broadcast_in_dim3A_207, %scan3A_530 = %broadcast_in_dim3A_207) -> (vector<16xf32>, vector<16xf32>, vector<16xf32>, vector<16xf32>)  : i32 {
        %mul3A_531 = arith.constant 8 : i32
        %mul3A_532 = arith.muli %scan3A_526, %mul3A_531 : i32
        %add3A_533 = arith.constant 1000 : i32
        %add3A_534 = arith.addi %add3A_533, %mul3A_532 : i32
        %add3A_535 = arith.constant 0 : i32
        %add3A_536 = arith.addi %add3A_534, %add3A_535 : i32
        %get3A = arith.index_cast %add3A_536 : i32 to index
        %get3A_537 = arith.constant 0 : index
        %get3A_538 = tpu.vector_load %arg7[%get3A, %get3A_537] {strides = array<i32>} : memref<1600x32xf32, #tpu.memory_space<vmem>>, vector<1x16xf32>,
        %get3A_539 = vector.shape_cast %get3A_538 : vector<1x16xf32> to vector<16xf32>
        %add3A_540 = arith.addf %scan3A_527, %get3A_539 : vector<16xf32>
        %add3A_541 = arith.constant 0 : i32
        %add3A_542 = arith.addi %add3A_534, %add3A_541 : i32
        %get3A_543 = arith.index_cast %add3A_542 : i32 to index
        %get3A_544 = arith.constant 16 : index
        %get3A_545 = tpu.vector_load %arg7[%get3A_543, %get3A_544] {strides = array<i32>} : memref<1600x32xf32, #tpu.memory_space<vmem>>, vector<1x16xf32>,
        %get3A_546 = vector.shape_cast %get3A_545 : vector<1x16xf32> to vector<16xf32>
        %add3A_547 = arith.addf %scan3A_528, %get3A_546 : vector<16xf32>
        %add3A_548 = arith.constant 0 : i32
        %add3A_549 = arith.addi %add3A_534, %add3A_548 : i32
        %add3A_550 = arith.constant 1 : i32
        %add3A_551 = arith.addi %add3A_549, %add3A_550 : i32
        %get3A_552 = arith.index_cast %add3A_551 : i32 to index
        %get3A_553 = arith.constant 0 : index
        %get3A_554 = tpu.vector_load %arg7[%get3A_552, %get3A_553] {strides = array<i32>} : memref<1600x32xf32, #tpu.memory_space<vmem>>, vector<1x16xf32>,
        %get3A_555 = vector.shape_cast %get3A_554 : vector<1x16xf32> to vector<16xf32>
        %add3A_556 = arith.addf %scan3A_529, %get3A_555 : vector<16xf32>
        %add3A_557 = arith.constant 0 : i32
        %add3A_558 = arith.addi %add3A_534, %add3A_557 : i32
        %add3A_559 = arith.constant 1 : i32
        %add3A_560 = arith.addi %add3A_558, %add3A_559 : i32
        %get3A_561 = arith.index_cast %add3A_560 : i32 to index
        %get3A_562 = arith.constant 16 : index
        %get3A_563 = tpu.vector_load %arg7[%get3A_561, %get3A_562] {strides = array<i32>} : memref<1600x32xf32, #tpu.memory_space<vmem>>, vector<1x16xf32>,
        %get3A_564 = vector.shape_cast %get3A_563 : vector<1x16xf32> to vector<16xf32>
        %add3A_565 = arith.addf %scan3A_530, %get3A_564 : vector<16xf32>
        %add3A_566 = arith.constant 2 : i32
        %add3A_567 = arith.addi %add3A_534, %add3A_566 : i32
        %get3A_568 = arith.index_cast %add3A_567 : i32 to index
        %get3A_569 = arith.constant 0 : index
        %get3A_570 = tpu.vector_load %arg7[%get3A_568, %get3A_569] {strides = array<i32>} : memref<1600x32xf32, #tpu.memory_space<vmem>>, vector<1x16xf32>,
        %get3A_571 = vector.shape_cast %get3A_570 : vector<1x16xf32> to vector<16xf32>
        %add3A_572 = arith.addf %add3A_540, %get3A_571 : vector<16xf32>
        %add3A_573 = arith.constant 2 : i32
        %add3A_574 = arith.addi %add3A_534, %add3A_573 : i32
        %get3A_575 = arith.index_cast %add3A_574 : i32 to index
        %get3A_576 = arith.constant 16 : index
        %get3A_577 = tpu.vector_load %arg7[%get3A_575, %get3A_576] {strides = array<i32>} : memref<1600x32xf32, #tpu.memory_space<vmem>>, vector<1x16xf32>,
        %get3A_578 = vector.shape_cast %get3A_577 : vector<1x16xf32> to vector<16xf32>
        %add3A_579 = arith.addf %add3A_547, %get3A_578 : vector<16xf32>
        %add3A_580 = arith.constant 2 : i32
        %add3A_581 = arith.addi %add3A_534, %add3A_580 : i32
        %add3A_582 = arith.constant 1 : i32
        %add3A_583 = arith.addi %add3A_581, %add3A_582 : i32
        %get3A_584 = arith.index_cast %add3A_583 : i32 to index
        %get3A_585 = arith.constant 0 : index
        %get3A_586 = tpu.vector_load %arg7[%get3A_584, %get3A_585] {strides = array<i32>} : memref<1600x32xf32, #tpu.memory_space<vmem>>, vector<1x16xf32>,
        %get3A_587 = vector.shape_cast %get3A_586 : vector<1x16xf32> to vector<16xf32>
        %add3A_588 = arith.addf %add3A_556, %get3A_587 : vector<16xf32>
        %add3A_589 = arith.constant 2 : i32
        %add3A_590 = arith.addi %add3A_534, %add3A_589 : i32
        %add3A_591 = arith.constant 1 : i32
        %add3A_592 = arith.addi %add3A_590, %add3A_591 : i32
        %get3A_593 = arith.index_cast %add3A_592 : i32 to index
        %get3A_594 = arith.constant 16 : index
        %get3A_595 = tpu.vector_load %arg7[%get3A_593, %get3A_594] {strides = array<i32>} : memref<1600x32xf32, #tpu.memory_space<vmem>>, vector<1x16xf32>,
        %get3A_596 = vector.shape_cast %get3A_595 : vector<1x16xf32> to vector<16xf32>
        %add3A_597 = arith.addf %add3A_565, %get3A_596 : vector<16xf32>
        %add3A_598 = arith.constant 4 : i32
        %add3A_599 = arith.addi %add3A_534, %add3A_598 : i32
        %get3A_600 = arith.index_cast %add3A_599 : i32 to index
        %get3A_601 = arith.constant 0 : index
        %get3A_602 = tpu.vector_load %arg7[%get3A_600, %get3A_601] {strides = array<i32>} : memref<1600x32xf32, #tpu.memory_space<vmem>>, vector<1x16xf32>,
        %get3A_603 = vector.shape_cast %get3A_602 : vector<1x16xf32> to vector<16xf32>
        %add3A_604 = arith.addf %add3A_572, %get3A_603 : vector<16xf32>
        %add3A_605 = arith.constant 4 : i32
        %add3A_606 = arith.addi %add3A_534, %add3A_605 : i32
        %get3A_607 = arith.index_cast %add3A_606 : i32 to index
        %get3A_608 = arith.constant 16 : index
        %get3A_609 = tpu.vector_load %arg7[%get3A_607, %get3A_608] {strides = array<i32>} : memref<1600x32xf32, #tpu.memory_space<vmem>>, vector<1x16xf32>,
        %get3A_610 = vector.shape_cast %get3A_609 : vector<1x16xf32> to vector<16xf32>
        %add3A_611 = arith.addf %add3A_579, %get3A_610 : vector<16xf32>
        %add3A_612 = arith.constant 4 : i32
        %add3A_613 = arith.addi %add3A_534, %add3A_612 : i32
        %add3A_614 = arith.constant 1 : i32
        %add3A_615 = arith.addi %add3A_613, %add3A_614 : i32
        %get3A_616 = arith.index_cast %add3A_615 : i32 to index
        %get3A_617 = arith.constant 0 : index
        %get3A_618 = tpu.vector_load %arg7[%get3A_616, %get3A_617] {strides = array<i32>} : memref<1600x32xf32, #tpu.memory_space<vmem>>, vector<1x16xf32>,
        %get3A_619 = vector.shape_cast %get3A_618 : vector<1x16xf32> to vector<16xf32>
        %add3A_620 = arith.addf %add3A_588, %get3A_619 : vector<16xf32>
        %add3A_621 = arith.constant 4 : i32
        %add3A_622 = arith.addi %add3A_534, %add3A_621 : i32
        %add3A_623 = arith.constant 1 : i32
        %add3A_624 = arith.addi %add3A_622, %add3A_623 : i32
        %get3A_625 = arith.index_cast %add3A_624 : i32 to index
        %get3A_626 = arith.constant 16 : index
        %get3A_627 = tpu.vector_load %arg7[%get3A_625, %get3A_626] {strides = array<i32>} : memref<1600x32xf32, #tpu.memory_space<vmem>>, vector<1x16xf32>,
        %get3A_628 = vector.shape_cast %get3A_627 : vector<1x16xf32> to vector<16xf32>
        %add3A_629 = arith.addf %add3A_597, %get3A_628 : vector<16xf32>
        %add3A_630 = arith.constant 6 : i32
        %add3A_631 = arith.addi %add3A_534, %add3A_630 : i32
        %get3A_632 = arith.index_cast %add3A_631 : i32 to index
        %get3A_633 = arith.constant 0 : index
        %get3A_634 = tpu.vector_load %arg7[%get3A_632, %get3A_633] {strides = array<i32>} : memref<1600x32xf32, #tpu.memory_space<vmem>>, vector<1x16xf32>,
        %get3A_635 = vector.shape_cast %get3A_634 : vector<1x16xf32> to vector<16xf32>
        %add3A_636 = arith.addf %add3A_604, %get3A_635 : vector<16xf32>
        %add3A_637 = arith.constant 6 : i32
        %add3A_638 = arith.addi %add3A_534, %add3A_637 : i32
        %get3A_639 = arith.index_cast %add3A_638 : i32 to index
        %get3A_640 = arith.constant 16 : index
        %get3A_641 = tpu.vector_load %arg7[%get3A_639, %get3A_640] {strides = array<i32>} : memref<1600x32xf32, #tpu.memory_space<vmem>>, vector<1x16xf32>,
        %get3A_642 = vector.shape_cast %get3A_641 : vector<1x16xf32> to vector<16xf32>
        %add3A_643 = arith.addf %add3A_611, %get3A_642 : vector<16xf32>
        %add3A_644 = arith.constant 6 : i32
        %add3A_645 = arith.addi %add3A_534, %add3A_644 : i32
        %add3A_646 = arith.constant 1 : i32
        %add3A_647 = arith.addi %add3A_645, %add3A_646 : i32
        %get3A_648 = arith.index_cast %add3A_647 : i32 to index
        %get3A_649 = arith.constant 0 : index
        %get3A_650 = tpu.vector_load %arg7[%get3A_648, %get3A_649] {strides = array<i32>} : memref<1600x32xf32, #tpu.memory_space<vmem>>, vector<1x16xf32>,
        %get3A_651 = vector.shape_cast %get3A_650 : vector<1x16xf32> to vector<16xf32>
        %add3A_652 = arith.addf %add3A_620, %get3A_651 : vector<16xf32>
        %add3A_653 = arith.constant 6 : i32
        %add3A_654 = arith.addi %add3A_534, %add3A_653 : i32
        %add3A_655 = arith.constant 1 : i32
        %add3A_656 = arith.addi %add3A_654, %add3A_655 : i32
        %get3A_657 = arith.index_cast %add3A_656 : i32 to index
        %get3A_658 = arith.constant 16 : index
        %get3A_659 = tpu.vector_load %arg7[%get3A_657, %get3A_658] {strides = array<i32>} : memref<1600x32xf32, #tpu.memory_space<vmem>>, vector<1x16xf32>,
        %get3A_660 = vector.shape_cast %get3A_659 : vector<1x16xf32> to vector<16xf32>
        %add3A_661 = arith.addf %add3A_629, %get3A_660 : vector<16xf32>
        scf.yield %add3A_636, %add3A_643, %add3A_652, %add3A_661 : vector<16xf32>, vector<16xf32>, vector<16xf32>, vector<16xf32>
      }
      %scan3A_213 = arith.constant 25 : i32
      %add3A_214 = arith.addf %scan3A_212#0, %scan3A_212#2 : vector<16xf32>
      %mul3A_215 = vector.broadcast %scan3A_30 : f32 to vector<16xf32>
      %mul3A_216 = arith.mulf %add3A_214, %mul3A_215 : vector<16xf32>
      %swap3A_217 = arith.constant 5 : i32
      %swap3A_218 = arith.index_cast %swap3A_217 : i32 to index
      %swap3A_219 = arith.constant 0 : index
      %swap3A_220 = tpu.vector_load %arg9[%swap3A_218, %swap3A_219] {strides = array<i32>} : memref<8x32xf32, #tpu.memory_space<vmem>>, vector<1x16xf32>,
      %swap3A_221 = vector.shape_cast %swap3A_220 : vector<1x16xf32> to vector<16xf32>
      %swap3A_222 = vector.shape_cast %mul3A_216 : vector<16xf32> to vector<1x16xf32>
      tpu.vector_store %arg9[%swap3A_218, %swap3A_219], %swap3A_222 {strides = array<i32>} : memref<8x32xf32, #tpu.memory_space<vmem>>, vector<1x16xf32>,
      %add3A_223 = arith.addf %scan3A_212#1, %scan3A_212#3 : vector<16xf32>
      %mul3A_224 = vector.broadcast %scan3A_30 : f32 to vector<16xf32>
      %mul3A_225 = arith.mulf %add3A_223, %mul3A_224 : vector<16xf32>
      %swap3A_226 = arith.constant 5 : i32
      %swap3A_227 = arith.index_cast %swap3A_226 : i32 to index
      %swap3A_228 = arith.constant 16 : index
      %swap3A_229 = tpu.vector_load %arg9[%swap3A_227, %swap3A_228] {strides = array<i32>} : memref<8x32xf32, #tpu.memory_space<vmem>>, vector<1x16xf32>,
      %swap3A_230 = vector.shape_cast %swap3A_229 : vector<1x16xf32> to vector<16xf32>
      %swap3A_231 = vector.shape_cast %mul3A_225 : vector<16xf32> to vector<1x16xf32>
      tpu.vector_store %arg9[%swap3A_227, %swap3A_228], %swap3A_231 {strides = array<i32>} : memref<8x32xf32, #tpu.memory_space<vmem>>, vector<1x16xf32>,
      %broadcast_in_dim3A_232 = arith.constant 0.000000e+00 : f32
      %broadcast_in_dim3A_233 = vector.broadcast %broadcast_in_dim3A_232 : f32 to vector<16xf32>
      %scan3A_234 = arith.constant 0 : i32
      %scan3A_235 = arith.constant 25 : i32
      %scan3A_236 = arith.addi %scan3A_234, %scan3A_235 : i32
      %scan3A_237 = arith.constant 1 : i32
      %scan3A_238:4 = scf.for %scan3A_526 = %scan3A_234 to %scan3A_236 step %scan3A_237 iter_args(%scan3A_527 = %broadcast_in_dim3A_233, %scan3A_528 = %broadcast_in_dim3A_233, %scan3A_529 = %broadcast_in_dim3A_233, %scan3A_530 = %broadcast_in_dim3A_233) -> (vector<16xf32>, vector<16xf32>, vector<16xf32>, vector<16xf32>)  : i32 {
        %mul3A_531 = arith.constant 8 : i32
        %mul3A_532 = arith.muli %scan3A_526, %mul3A_531 : i32
        %add3A_533 = arith.constant 1200 : i32
        %add3A_534 = arith.addi %add3A_533, %mul3A_532 : i32
        %add3A_535 = arith.constant 0 : i32
        %add3A_536 = arith.addi %add3A_534, %add3A_535 : i32
        %get3A = arith.index_cast %add3A_536 : i32 to index
        %get3A_537 = arith.constant 0 : index
        %get3A_538 = tpu.vector_load %arg7[%get3A, %get3A_537] {strides = array<i32>} : memref<1600x32xf32, #tpu.memory_space<vmem>>, vector<1x16xf32>,
        %get3A_539 = vector.shape_cast %get3A_538 : vector<1x16xf32> to vector<16xf32>
        %add3A_540 = arith.addf %scan3A_527, %get3A_539 : vector<16xf32>
        %add3A_541 = arith.constant 0 : i32
        %add3A_542 = arith.addi %add3A_534, %add3A_541 : i32
        %get3A_543 = arith.index_cast %add3A_542 : i32 to index
        %get3A_544 = arith.constant 16 : index
        %get3A_545 = tpu.vector_load %arg7[%get3A_543, %get3A_544] {strides = array<i32>} : memref<1600x32xf32, #tpu.memory_space<vmem>>, vector<1x16xf32>,
        %get3A_546 = vector.shape_cast %get3A_545 : vector<1x16xf32> to vector<16xf32>
        %add3A_547 = arith.addf %scan3A_528, %get3A_546 : vector<16xf32>
        %add3A_548 = arith.constant 0 : i32
        %add3A_549 = arith.addi %add3A_534, %add3A_548 : i32
        %add3A_550 = arith.constant 1 : i32
        %add3A_551 = arith.addi %add3A_549, %add3A_550 : i32
        %get3A_552 = arith.index_cast %add3A_551 : i32 to index
        %get3A_553 = arith.constant 0 : index
        %get3A_554 = tpu.vector_load %arg7[%get3A_552, %get3A_553] {strides = array<i32>} : memref<1600x32xf32, #tpu.memory_space<vmem>>, vector<1x16xf32>,
        %get3A_555 = vector.shape_cast %get3A_554 : vector<1x16xf32> to vector<16xf32>
        %add3A_556 = arith.addf %scan3A_529, %get3A_555 : vector<16xf32>
        %add3A_557 = arith.constant 0 : i32
        %add3A_558 = arith.addi %add3A_534, %add3A_557 : i32
        %add3A_559 = arith.constant 1 : i32
        %add3A_560 = arith.addi %add3A_558, %add3A_559 : i32
        %get3A_561 = arith.index_cast %add3A_560 : i32 to index
        %get3A_562 = arith.constant 16 : index
        %get3A_563 = tpu.vector_load %arg7[%get3A_561, %get3A_562] {strides = array<i32>} : memref<1600x32xf32, #tpu.memory_space<vmem>>, vector<1x16xf32>,
        %get3A_564 = vector.shape_cast %get3A_563 : vector<1x16xf32> to vector<16xf32>
        %add3A_565 = arith.addf %scan3A_530, %get3A_564 : vector<16xf32>
        %add3A_566 = arith.constant 2 : i32
        %add3A_567 = arith.addi %add3A_534, %add3A_566 : i32
        %get3A_568 = arith.index_cast %add3A_567 : i32 to index
        %get3A_569 = arith.constant 0 : index
        %get3A_570 = tpu.vector_load %arg7[%get3A_568, %get3A_569] {strides = array<i32>} : memref<1600x32xf32, #tpu.memory_space<vmem>>, vector<1x16xf32>,
        %get3A_571 = vector.shape_cast %get3A_570 : vector<1x16xf32> to vector<16xf32>
        %add3A_572 = arith.addf %add3A_540, %get3A_571 : vector<16xf32>
        %add3A_573 = arith.constant 2 : i32
        %add3A_574 = arith.addi %add3A_534, %add3A_573 : i32
        %get3A_575 = arith.index_cast %add3A_574 : i32 to index
        %get3A_576 = arith.constant 16 : index
        %get3A_577 = tpu.vector_load %arg7[%get3A_575, %get3A_576] {strides = array<i32>} : memref<1600x32xf32, #tpu.memory_space<vmem>>, vector<1x16xf32>,
        %get3A_578 = vector.shape_cast %get3A_577 : vector<1x16xf32> to vector<16xf32>
        %add3A_579 = arith.addf %add3A_547, %get3A_578 : vector<16xf32>
        %add3A_580 = arith.constant 2 : i32
        %add3A_581 = arith.addi %add3A_534, %add3A_580 : i32
        %add3A_582 = arith.constant 1 : i32
        %add3A_583 = arith.addi %add3A_581, %add3A_582 : i32
        %get3A_584 = arith.index_cast %add3A_583 : i32 to index
        %get3A_585 = arith.constant 0 : index
        %get3A_586 = tpu.vector_load %arg7[%get3A_584, %get3A_585] {strides = array<i32>} : memref<1600x32xf32, #tpu.memory_space<vmem>>, vector<1x16xf32>,
        %get3A_587 = vector.shape_cast %get3A_586 : vector<1x16xf32> to vector<16xf32>
        %add3A_588 = arith.addf %add3A_556, %get3A_587 : vector<16xf32>
        %add3A_589 = arith.constant 2 : i32
        %add3A_590 = arith.addi %add3A_534, %add3A_589 : i32
        %add3A_591 = arith.constant 1 : i32
        %add3A_592 = arith.addi %add3A_590, %add3A_591 : i32
        %get3A_593 = arith.index_cast %add3A_592 : i32 to index
        %get3A_594 = arith.constant 16 : index
        %get3A_595 = tpu.vector_load %arg7[%get3A_593, %get3A_594] {strides = array<i32>} : memref<1600x32xf32, #tpu.memory_space<vmem>>, vector<1x16xf32>,
        %get3A_596 = vector.shape_cast %get3A_595 : vector<1x16xf32> to vector<16xf32>
        %add3A_597 = arith.addf %add3A_565, %get3A_596 : vector<16xf32>
        %add3A_598 = arith.constant 4 : i32
        %add3A_599 = arith.addi %add3A_534, %add3A_598 : i32
        %get3A_600 = arith.index_cast %add3A_599 : i32 to index
        %get3A_601 = arith.constant 0 : index
        %get3A_602 = tpu.vector_load %arg7[%get3A_600, %get3A_601] {strides = array<i32>} : memref<1600x32xf32, #tpu.memory_space<vmem>>, vector<1x16xf32>,
        %get3A_603 = vector.shape_cast %get3A_602 : vector<1x16xf32> to vector<16xf32>
        %add3A_604 = arith.addf %add3A_572, %get3A_603 : vector<16xf32>
        %add3A_605 = arith.constant 4 : i32
        %add3A_606 = arith.addi %add3A_534, %add3A_605 : i32
        %get3A_607 = arith.index_cast %add3A_606 : i32 to index
        %get3A_608 = arith.constant 16 : index
        %get3A_609 = tpu.vector_load %arg7[%get3A_607, %get3A_608] {strides = array<i32>} : memref<1600x32xf32, #tpu.memory_space<vmem>>, vector<1x16xf32>,
        %get3A_610 = vector.shape_cast %get3A_609 : vector<1x16xf32> to vector<16xf32>
        %add3A_611 = arith.addf %add3A_579, %get3A_610 : vector<16xf32>
        %add3A_612 = arith.constant 4 : i32
        %add3A_613 = arith.addi %add3A_534, %add3A_612 : i32
        %add3A_614 = arith.constant 1 : i32
        %add3A_615 = arith.addi %add3A_613, %add3A_614 : i32
        %get3A_616 = arith.index_cast %add3A_615 : i32 to index
        %get3A_617 = arith.constant 0 : index
        %get3A_618 = tpu.vector_load %arg7[%get3A_616, %get3A_617] {strides = array<i32>} : memref<1600x32xf32, #tpu.memory_space<vmem>>, vector<1x16xf32>,
        %get3A_619 = vector.shape_cast %get3A_618 : vector<1x16xf32> to vector<16xf32>
        %add3A_620 = arith.addf %add3A_588, %get3A_619 : vector<16xf32>
        %add3A_621 = arith.constant 4 : i32
        %add3A_622 = arith.addi %add3A_534, %add3A_621 : i32
        %add3A_623 = arith.constant 1 : i32
        %add3A_624 = arith.addi %add3A_622, %add3A_623 : i32
        %get3A_625 = arith.index_cast %add3A_624 : i32 to index
        %get3A_626 = arith.constant 16 : index
        %get3A_627 = tpu.vector_load %arg7[%get3A_625, %get3A_626] {strides = array<i32>} : memref<1600x32xf32, #tpu.memory_space<vmem>>, vector<1x16xf32>,
        %get3A_628 = vector.shape_cast %get3A_627 : vector<1x16xf32> to vector<16xf32>
        %add3A_629 = arith.addf %add3A_597, %get3A_628 : vector<16xf32>
        %add3A_630 = arith.constant 6 : i32
        %add3A_631 = arith.addi %add3A_534, %add3A_630 : i32
        %get3A_632 = arith.index_cast %add3A_631 : i32 to index
        %get3A_633 = arith.constant 0 : index
        %get3A_634 = tpu.vector_load %arg7[%get3A_632, %get3A_633] {strides = array<i32>} : memref<1600x32xf32, #tpu.memory_space<vmem>>, vector<1x16xf32>,
        %get3A_635 = vector.shape_cast %get3A_634 : vector<1x16xf32> to vector<16xf32>
        %add3A_636 = arith.addf %add3A_604, %get3A_635 : vector<16xf32>
        %add3A_637 = arith.constant 6 : i32
        %add3A_638 = arith.addi %add3A_534, %add3A_637 : i32
        %get3A_639 = arith.index_cast %add3A_638 : i32 to index
        %get3A_640 = arith.constant 16 : index
        %get3A_641 = tpu.vector_load %arg7[%get3A_639, %get3A_640] {strides = array<i32>} : memref<1600x32xf32, #tpu.memory_space<vmem>>, vector<1x16xf32>,
        %get3A_642 = vector.shape_cast %get3A_641 : vector<1x16xf32> to vector<16xf32>
        %add3A_643 = arith.addf %add3A_611, %get3A_642 : vector<16xf32>
        %add3A_644 = arith.constant 6 : i32
        %add3A_645 = arith.addi %add3A_534, %add3A_644 : i32
        %add3A_646 = arith.constant 1 : i32
        %add3A_647 = arith.addi %add3A_645, %add3A_646 : i32
        %get3A_648 = arith.index_cast %add3A_647 : i32 to index
        %get3A_649 = arith.constant 0 : index
        %get3A_650 = tpu.vector_load %arg7[%get3A_648, %get3A_649] {strides = array<i32>} : memref<1600x32xf32, #tpu.memory_space<vmem>>, vector<1x16xf32>,
        %get3A_651 = vector.shape_cast %get3A_650 : vector<1x16xf32> to vector<16xf32>
        %add3A_652 = arith.addf %add3A_620, %get3A_651 : vector<16xf32>
        %add3A_653 = arith.constant 6 : i32
        %add3A_654 = arith.addi %add3A_534, %add3A_653 : i32
        %add3A_655 = arith.constant 1 : i32
        %add3A_656 = arith.addi %add3A_654, %add3A_655 : i32
        %get3A_657 = arith.index_cast %add3A_656 : i32 to index
        %get3A_658 = arith.constant 16 : index
        %get3A_659 = tpu.vector_load %arg7[%get3A_657, %get3A_658] {strides = array<i32>} : memref<1600x32xf32, #tpu.memory_space<vmem>>, vector<1x16xf32>,
        %get3A_660 = vector.shape_cast %get3A_659 : vector<1x16xf32> to vector<16xf32>
        %add3A_661 = arith.addf %add3A_629, %get3A_660 : vector<16xf32>
        scf.yield %add3A_636, %add3A_643, %add3A_652, %add3A_661 : vector<16xf32>, vector<16xf32>, vector<16xf32>, vector<16xf32>
      }
      %scan3A_239 = arith.constant 25 : i32
      %add3A_240 = arith.addf %scan3A_238#0, %scan3A_238#2 : vector<16xf32>
      %mul3A_241 = vector.broadcast %scan3A_30 : f32 to vector<16xf32>
      %mul3A_242 = arith.mulf %add3A_240, %mul3A_241 : vector<16xf32>
      %swap3A_243 = arith.constant 6 : i32
      %swap3A_244 = arith.index_cast %swap3A_243 : i32 to index
      %swap3A_245 = arith.constant 0 : index
      %swap3A_246 = tpu.vector_load %arg9[%swap3A_244, %swap3A_245] {strides = array<i32>} : memref<8x32xf32, #tpu.memory_space<vmem>>, vector<1x16xf32>,
      %swap3A_247 = vector.shape_cast %swap3A_246 : vector<1x16xf32> to vector<16xf32>
      %swap3A_248 = vector.shape_cast %mul3A_242 : vector<16xf32> to vector<1x16xf32>
      tpu.vector_store %arg9[%swap3A_244, %swap3A_245], %swap3A_248 {strides = array<i32>} : memref<8x32xf32, #tpu.memory_space<vmem>>, vector<1x16xf32>,
      %add3A_249 = arith.addf %scan3A_238#1, %scan3A_238#3 : vector<16xf32>
      %mul3A_250 = vector.broadcast %scan3A_30 : f32 to vector<16xf32>
      %mul3A_251 = arith.mulf %add3A_249, %mul3A_250 : vector<16xf32>
      %swap3A_252 = arith.constant 6 : i32
      %swap3A_253 = arith.index_cast %swap3A_252 : i32 to index
      %swap3A_254 = arith.constant 16 : index
      %swap3A_255 = tpu.vector_load %arg9[%swap3A_253, %swap3A_254] {strides = array<i32>} : memref<8x32xf32, #tpu.memory_space<vmem>>, vector<1x16xf32>,
      %swap3A_256 = vector.shape_cast %swap3A_255 : vector<1x16xf32> to vector<16xf32>
      %swap3A_257 = vector.shape_cast %mul3A_251 : vector<16xf32> to vector<1x16xf32>
      tpu.vector_store %arg9[%swap3A_253, %swap3A_254], %swap3A_257 {strides = array<i32>} : memref<8x32xf32, #tpu.memory_space<vmem>>, vector<1x16xf32>,
      %broadcast_in_dim3A_258 = arith.constant 0.000000e+00 : f32
      %broadcast_in_dim3A_259 = vector.broadcast %broadcast_in_dim3A_258 : f32 to vector<16xf32>
      %scan3A_260 = arith.constant 0 : i32
      %scan3A_261 = arith.constant 25 : i32
      %scan3A_262 = arith.addi %scan3A_260, %scan3A_261 : i32
      %scan3A_263 = arith.constant 1 : i32
      %scan3A_264:4 = scf.for %scan3A_526 = %scan3A_260 to %scan3A_262 step %scan3A_263 iter_args(%scan3A_527 = %broadcast_in_dim3A_259, %scan3A_528 = %broadcast_in_dim3A_259, %scan3A_529 = %broadcast_in_dim3A_259, %scan3A_530 = %broadcast_in_dim3A_259) -> (vector<16xf32>, vector<16xf32>, vector<16xf32>, vector<16xf32>)  : i32 {
        %mul3A_531 = arith.constant 8 : i32
        %mul3A_532 = arith.muli %scan3A_526, %mul3A_531 : i32
        %add3A_533 = arith.constant 1400 : i32
        %add3A_534 = arith.addi %add3A_533, %mul3A_532 : i32
        %add3A_535 = arith.constant 0 : i32
        %add3A_536 = arith.addi %add3A_534, %add3A_535 : i32
        %get3A = arith.index_cast %add3A_536 : i32 to index
        %get3A_537 = arith.constant 0 : index
        %get3A_538 = tpu.vector_load %arg7[%get3A, %get3A_537] {strides = array<i32>} : memref<1600x32xf32, #tpu.memory_space<vmem>>, vector<1x16xf32>,
        %get3A_539 = vector.shape_cast %get3A_538 : vector<1x16xf32> to vector<16xf32>
        %add3A_540 = arith.addf %scan3A_527, %get3A_539 : vector<16xf32>
        %add3A_541 = arith.constant 0 : i32
        %add3A_542 = arith.addi %add3A_534, %add3A_541 : i32
        %get3A_543 = arith.index_cast %add3A_542 : i32 to index
        %get3A_544 = arith.constant 16 : index
        %get3A_545 = tpu.vector_load %arg7[%get3A_543, %get3A_544] {strides = array<i32>} : memref<1600x32xf32, #tpu.memory_space<vmem>>, vector<1x16xf32>,
        %get3A_546 = vector.shape_cast %get3A_545 : vector<1x16xf32> to vector<16xf32>
        %add3A_547 = arith.addf %scan3A_528, %get3A_546 : vector<16xf32>
        %add3A_548 = arith.constant 0 : i32
        %add3A_549 = arith.addi %add3A_534, %add3A_548 : i32
        %add3A_550 = arith.constant 1 : i32
        %add3A_551 = arith.addi %add3A_549, %add3A_550 : i32
        %get3A_552 = arith.index_cast %add3A_551 : i32 to index
        %get3A_553 = arith.constant 0 : index
        %get3A_554 = tpu.vector_load %arg7[%get3A_552, %get3A_553] {strides = array<i32>} : memref<1600x32xf32, #tpu.memory_space<vmem>>, vector<1x16xf32>,
        %get3A_555 = vector.shape_cast %get3A_554 : vector<1x16xf32> to vector<16xf32>
        %add3A_556 = arith.addf %scan3A_529, %get3A_555 : vector<16xf32>
        %add3A_557 = arith.constant 0 : i32
        %add3A_558 = arith.addi %add3A_534, %add3A_557 : i32
        %add3A_559 = arith.constant 1 : i32
        %add3A_560 = arith.addi %add3A_558, %add3A_559 : i32
        %get3A_561 = arith.index_cast %add3A_560 : i32 to index
        %get3A_562 = arith.constant 16 : index
        %get3A_563 = tpu.vector_load %arg7[%get3A_561, %get3A_562] {strides = array<i32>} : memref<1600x32xf32, #tpu.memory_space<vmem>>, vector<1x16xf32>,
        %get3A_564 = vector.shape_cast %get3A_563 : vector<1x16xf32> to vector<16xf32>
        %add3A_565 = arith.addf %scan3A_530, %get3A_564 : vector<16xf32>
        %add3A_566 = arith.constant 2 : i32
        %add3A_567 = arith.addi %add3A_534, %add3A_566 : i32
        %get3A_568 = arith.index_cast %add3A_567 : i32 to index
        %get3A_569 = arith.constant 0 : index
        %get3A_570 = tpu.vector_load %arg7[%get3A_568, %get3A_569] {strides = array<i32>} : memref<1600x32xf32, #tpu.memory_space<vmem>>, vector<1x16xf32>,
        %get3A_571 = vector.shape_cast %get3A_570 : vector<1x16xf32> to vector<16xf32>
        %add3A_572 = arith.addf %add3A_540, %get3A_571 : vector<16xf32>
        %add3A_573 = arith.constant 2 : i32
        %add3A_574 = arith.addi %add3A_534, %add3A_573 : i32
        %get3A_575 = arith.index_cast %add3A_574 : i32 to index
        %get3A_576 = arith.constant 16 : index
        %get3A_577 = tpu.vector_load %arg7[%get3A_575, %get3A_576] {strides = array<i32>} : memref<1600x32xf32, #tpu.memory_space<vmem>>, vector<1x16xf32>,
        %get3A_578 = vector.shape_cast %get3A_577 : vector<1x16xf32> to vector<16xf32>
        %add3A_579 = arith.addf %add3A_547, %get3A_578 : vector<16xf32>
        %add3A_580 = arith.constant 2 : i32
        %add3A_581 = arith.addi %add3A_534, %add3A_580 : i32
        %add3A_582 = arith.constant 1 : i32
        %add3A_583 = arith.addi %add3A_581, %add3A_582 : i32
        %get3A_584 = arith.index_cast %add3A_583 : i32 to index
        %get3A_585 = arith.constant 0 : index
        %get3A_586 = tpu.vector_load %arg7[%get3A_584, %get3A_585] {strides = array<i32>} : memref<1600x32xf32, #tpu.memory_space<vmem>>, vector<1x16xf32>,
        %get3A_587 = vector.shape_cast %get3A_586 : vector<1x16xf32> to vector<16xf32>
        %add3A_588 = arith.addf %add3A_556, %get3A_587 : vector<16xf32>
        %add3A_589 = arith.constant 2 : i32
        %add3A_590 = arith.addi %add3A_534, %add3A_589 : i32
        %add3A_591 = arith.constant 1 : i32
        %add3A_592 = arith.addi %add3A_590, %add3A_591 : i32
        %get3A_593 = arith.index_cast %add3A_592 : i32 to index
        %get3A_594 = arith.constant 16 : index
        %get3A_595 = tpu.vector_load %arg7[%get3A_593, %get3A_594] {strides = array<i32>} : memref<1600x32xf32, #tpu.memory_space<vmem>>, vector<1x16xf32>,
        %get3A_596 = vector.shape_cast %get3A_595 : vector<1x16xf32> to vector<16xf32>
        %add3A_597 = arith.addf %add3A_565, %get3A_596 : vector<16xf32>
        %add3A_598 = arith.constant 4 : i32
        %add3A_599 = arith.addi %add3A_534, %add3A_598 : i32
        %get3A_600 = arith.index_cast %add3A_599 : i32 to index
        %get3A_601 = arith.constant 0 : index
        %get3A_602 = tpu.vector_load %arg7[%get3A_600, %get3A_601] {strides = array<i32>} : memref<1600x32xf32, #tpu.memory_space<vmem>>, vector<1x16xf32>,
        %get3A_603 = vector.shape_cast %get3A_602 : vector<1x16xf32> to vector<16xf32>
        %add3A_604 = arith.addf %add3A_572, %get3A_603 : vector<16xf32>
        %add3A_605 = arith.constant 4 : i32
        %add3A_606 = arith.addi %add3A_534, %add3A_605 : i32
        %get3A_607 = arith.index_cast %add3A_606 : i32 to index
        %get3A_608 = arith.constant 16 : index
        %get3A_609 = tpu.vector_load %arg7[%get3A_607, %get3A_608] {strides = array<i32>} : memref<1600x32xf32, #tpu.memory_space<vmem>>, vector<1x16xf32>,
        %get3A_610 = vector.shape_cast %get3A_609 : vector<1x16xf32> to vector<16xf32>
        %add3A_611 = arith.addf %add3A_579, %get3A_610 : vector<16xf32>
        %add3A_612 = arith.constant 4 : i32
        %add3A_613 = arith.addi %add3A_534, %add3A_612 : i32
        %add3A_614 = arith.constant 1 : i32
        %add3A_615 = arith.addi %add3A_613, %add3A_614 : i32
        %get3A_616 = arith.index_cast %add3A_615 : i32 to index
        %get3A_617 = arith.constant 0 : index
        %get3A_618 = tpu.vector_load %arg7[%get3A_616, %get3A_617] {strides = array<i32>} : memref<1600x32xf32, #tpu.memory_space<vmem>>, vector<1x16xf32>,
        %get3A_619 = vector.shape_cast %get3A_618 : vector<1x16xf32> to vector<16xf32>
        %add3A_620 = arith.addf %add3A_588, %get3A_619 : vector<16xf32>
        %add3A_621 = arith.constant 4 : i32
        %add3A_622 = arith.addi %add3A_534, %add3A_621 : i32
        %add3A_623 = arith.constant 1 : i32
        %add3A_624 = arith.addi %add3A_622, %add3A_623 : i32
        %get3A_625 = arith.index_cast %add3A_624 : i32 to index
        %get3A_626 = arith.constant 16 : index
        %get3A_627 = tpu.vector_load %arg7[%get3A_625, %get3A_626] {strides = array<i32>} : memref<1600x32xf32, #tpu.memory_space<vmem>>, vector<1x16xf32>,
        %get3A_628 = vector.shape_cast %get3A_627 : vector<1x16xf32> to vector<16xf32>
        %add3A_629 = arith.addf %add3A_597, %get3A_628 : vector<16xf32>
        %add3A_630 = arith.constant 6 : i32
        %add3A_631 = arith.addi %add3A_534, %add3A_630 : i32
        %get3A_632 = arith.index_cast %add3A_631 : i32 to index
        %get3A_633 = arith.constant 0 : index
        %get3A_634 = tpu.vector_load %arg7[%get3A_632, %get3A_633] {strides = array<i32>} : memref<1600x32xf32, #tpu.memory_space<vmem>>, vector<1x16xf32>,
        %get3A_635 = vector.shape_cast %get3A_634 : vector<1x16xf32> to vector<16xf32>
        %add3A_636 = arith.addf %add3A_604, %get3A_635 : vector<16xf32>
        %add3A_637 = arith.constant 6 : i32
        %add3A_638 = arith.addi %add3A_534, %add3A_637 : i32
        %get3A_639 = arith.index_cast %add3A_638 : i32 to index
        %get3A_640 = arith.constant 16 : index
        %get3A_641 = tpu.vector_load %arg7[%get3A_639, %get3A_640] {strides = array<i32>} : memref<1600x32xf32, #tpu.memory_space<vmem>>, vector<1x16xf32>,
        %get3A_642 = vector.shape_cast %get3A_641 : vector<1x16xf32> to vector<16xf32>
        %add3A_643 = arith.addf %add3A_611, %get3A_642 : vector<16xf32>
        %add3A_644 = arith.constant 6 : i32
        %add3A_645 = arith.addi %add3A_534, %add3A_644 : i32
        %add3A_646 = arith.constant 1 : i32
        %add3A_647 = arith.addi %add3A_645, %add3A_646 : i32
        %get3A_648 = arith.index_cast %add3A_647 : i32 to index
        %get3A_649 = arith.constant 0 : index
        %get3A_650 = tpu.vector_load %arg7[%get3A_648, %get3A_649] {strides = array<i32>} : memref<1600x32xf32, #tpu.memory_space<vmem>>, vector<1x16xf32>,
        %get3A_651 = vector.shape_cast %get3A_650 : vector<1x16xf32> to vector<16xf32>
        %add3A_652 = arith.addf %add3A_620, %get3A_651 : vector<16xf32>
        %add3A_653 = arith.constant 6 : i32
        %add3A_654 = arith.addi %add3A_534, %add3A_653 : i32
        %add3A_655 = arith.constant 1 : i32
        %add3A_656 = arith.addi %add3A_654, %add3A_655 : i32
        %get3A_657 = arith.index_cast %add3A_656 : i32 to index
        %get3A_658 = arith.constant 16 : index
        %get3A_659 = tpu.vector_load %arg7[%get3A_657, %get3A_658] {strides = array<i32>} : memref<1600x32xf32, #tpu.memory_space<vmem>>, vector<1x16xf32>,
        %get3A_660 = vector.shape_cast %get3A_659 : vector<1x16xf32> to vector<16xf32>
        %add3A_661 = arith.addf %add3A_629, %get3A_660 : vector<16xf32>
        scf.yield %add3A_636, %add3A_643, %add3A_652, %add3A_661 : vector<16xf32>, vector<16xf32>, vector<16xf32>, vector<16xf32>
      }
      %scan3A_265 = arith.constant 25 : i32
      %add3A_266 = arith.addf %scan3A_264#0, %scan3A_264#2 : vector<16xf32>
      %mul3A_267 = vector.broadcast %scan3A_30 : f32 to vector<16xf32>
      %mul3A_268 = arith.mulf %add3A_266, %mul3A_267 : vector<16xf32>
      %swap3A_269 = arith.constant 7 : i32
      %swap3A_270 = arith.index_cast %swap3A_269 : i32 to index
      %swap3A_271 = arith.constant 0 : index
      %swap3A_272 = tpu.vector_load %arg9[%swap3A_270, %swap3A_271] {strides = array<i32>} : memref<8x32xf32, #tpu.memory_space<vmem>>, vector<1x16xf32>,
      %swap3A_273 = vector.shape_cast %swap3A_272 : vector<1x16xf32> to vector<16xf32>
      %swap3A_274 = vector.shape_cast %mul3A_268 : vector<16xf32> to vector<1x16xf32>
      tpu.vector_store %arg9[%swap3A_270, %swap3A_271], %swap3A_274 {strides = array<i32>} : memref<8x32xf32, #tpu.memory_space<vmem>>, vector<1x16xf32>,
      %add3A_275 = arith.addf %scan3A_264#1, %scan3A_264#3 : vector<16xf32>
      %mul3A_276 = vector.broadcast %scan3A_30 : f32 to vector<16xf32>
      %mul3A_277 = arith.mulf %add3A_275, %mul3A_276 : vector<16xf32>
      %swap3A_278 = arith.constant 7 : i32
      %swap3A_279 = arith.index_cast %swap3A_278 : i32 to index
      %swap3A_280 = arith.constant 16 : index
      %swap3A_281 = tpu.vector_load %arg9[%swap3A_279, %swap3A_280] {strides = array<i32>} : memref<8x32xf32, #tpu.memory_space<vmem>>, vector<1x16xf32>,
      %swap3A_282 = vector.shape_cast %swap3A_281 : vector<1x16xf32> to vector<16xf32>
      %swap3A_283 = vector.shape_cast %mul3A_277 : vector<16xf32> to vector<1x16xf32>
      tpu.vector_store %arg9[%swap3A_279, %swap3A_280], %swap3A_283 {strides = array<i32>} : memref<8x32xf32, #tpu.memory_space<vmem>>, vector<1x16xf32>,
      %dma_start3A_284 = arith.constant 0 : i32
      %dma_start3A_285 = tpu.memref_slice %arg4[%add3A_71, %dma_start3A_284] : memref<16384x32xf32, #tpu.memory_space<hbm>> -> memref<8x32xf32, #tpu.memory_space<hbm>>
      %dma_start3A_286 = arith.constant 0 : i32
      %dma_start3A_287 = tpu.memref_slice %arg4[%add3A_71, %dma_start3A_286] : memref<16384x32xf32, #tpu.memory_space<hbm>> -> memref<8x32xf32, #tpu.memory_space<hbm>>
      tpu.enqueue_dma source(%arg9 : memref<8x32xf32, #tpu.memory_space<vmem>>) target(%dma_start3A_287 : memref<8x32xf32, #tpu.memory_space<hbm>>) target_semaphore(%arg15 : memref<!tpu.dma_semaphore, #tpu.memory_space<semaphore_mem>>)
      %add3A_288 = arith.constant 1 : i32
      %add3A_289 = arith.addi %add3A_54, %add3A_288 : i32
      %lt3A_290 = arith.constant 64 : i32
      %lt3A_291 = arith.cmpi slt, %add3A_289, %lt3A_290 : i32
      %convert_element_type3A_292 = arith.extui %lt3A_291 : i1 to i32
      %cond3A_293 = arith.constant 0 : i32
      %cond3A_294 = arith.cmpi ne, %convert_element_type3A_292, %cond3A_293 : i32
      scf.if %cond3A_294 {
        %dma_wait3A_526 = arith.constant 0 : i32
        %dma_wait3A_527 = tpu.memref_slice %arg2[%dma_wait3A_526] : memref<3276800xi32, #tpu.memory_space<hbm>> -> memref<1600xi32, #tpu.memory_space<hbm>>
        %dma_wait3A_528 = arith.constant 0 : i32
        %dma_wait3A_529 = tpu.memref_slice %arg2[%dma_wait3A_528] : memref<3276800xi32, #tpu.memory_space<hbm>> -> memref<1600xi32, #tpu.memory_space<hbm>>
        tpu.wait_dma2 semaphore(%arg13 : memref<!tpu.dma_semaphore, #tpu.memory_space<semaphore_mem>>) src(%dma_wait3A_529 : memref<1600xi32, #tpu.memory_space<hbm>>) dst(%arg5 : memref<1600xi32, #tpu.memory_space<vmem>>)
        %dma_start3A_530 = arith.constant 0 : i32
        %dma_start3A_531 = arith.constant 0 : i32
        %dma_start3A_532 = tpu.memref_slice %arg3[%dma_start3A_530, %dma_start3A_531] : memref<956089x32xf32, #tpu.memory_space<hbm>> -> memref<956089x32xf32, #tpu.memory_space<hbm>>
        tpu.enqueue_indirect_dma source(%dma_start3A_532 : memref<956089x32xf32, #tpu.memory_space<hbm>>) target(%arg7 : memref<1600x32xf32, #tpu.memory_space<vmem>>) offsets(%arg5 : memref<1600xi32, #tpu.memory_space<vmem>>) semaphore(%arg11 : memref<!tpu.dma_semaphore, #tpu.memory_space<semaphore_mem>>)
      } else {
      }
      %dma_wait3A_295 = arith.constant 0 : i32
      %dma_wait3A_296 = arith.constant 0 : i32
      %dma_wait3A_297 = tpu.memref_slice %arg3[%dma_wait3A_295, %dma_wait3A_296] : memref<956089x32xf32, #tpu.memory_space<hbm>> -> memref<956089x32xf32, #tpu.memory_space<hbm>>
      tpu.wait_indirect_dma semaphore(%arg12 : memref<!tpu.dma_semaphore, #tpu.memory_space<semaphore_mem>>) src(%dma_wait3A_297 : memref<956089x32xf32, #tpu.memory_space<hbm>>) dst(%arg8 : memref<1600x32xf32, #tpu.memory_space<vmem>>)
      %add3A_298 = arith.constant 2 : i32
      %add3A_299 = arith.addi %add3A_54, %add3A_298 : i32
      %lt3A_300 = arith.constant 64 : i32
      %lt3A_301 = arith.cmpi slt, %add3A_299, %lt3A_300 : i32
      %convert_element_type3A_302 = arith.extui %lt3A_301 : i1 to i32
      %cond3A_303 = arith.constant 0 : i32
      %cond3A_304 = arith.cmpi ne, %convert_element_type3A_302, %cond3A_303 : i32
      scf.if %cond3A_304 {
        %add3A_526 = arith.constant 2 : i32
        %add3A_527 = arith.addi %add3A_54, %add3A_526 : i32
        %mul3A_528 = arith.constant 8 : i32
        %mul3A_529 = arith.muli %add3A_527, %mul3A_528 : i32
        %add3A_530 = arith.addi %mul3A_2, %mul3A_529 : i32
        %mul3A_531 = arith.constant 200 : i32
        %mul3A_532 = arith.muli %add3A_530, %mul3A_531 : i32
        %dma_start3A_533 = tpu.memref_slice %arg2[%mul3A_532] : memref<3276800xi32, #tpu.memory_space<hbm>> -> memref<1600xi32, #tpu.memory_space<hbm>>
        %dma_start3A_534 = tpu.memref_slice %arg2[%mul3A_532] : memref<3276800xi32, #tpu.memory_space<hbm>> -> memref<1600xi32, #tpu.memory_space<hbm>>
        tpu.enqueue_dma source(%dma_start3A_534 : memref<1600xi32, #tpu.memory_space<hbm>>) target(%arg6 : memref<1600xi32, #tpu.memory_space<vmem>>) target_semaphore(%arg14 : memref<!tpu.dma_semaphore, #tpu.memory_space<semaphore_mem>>)
      } else {
      }
      %mul3A_305 = arith.constant 8 : i32
      %mul3A_306 = arith.muli %add3A_54, %mul3A_305 : i32
      %add3A_307 = arith.addi %mul3A_2, %mul3A_306 : i32
      %dma_wait3A_308 = arith.constant 0 : i32
      %dma_wait3A_309 = arith.constant 0 : i32
      %dma_wait3A_310 = tpu.memref_slice %arg4[%dma_wait3A_308, %dma_wait3A_309] : memref<16384x32xf32, #tpu.memory_space<hbm>> -> memref<8x32xf32, #tpu.memory_space<hbm>>
      %dma_wait3A_311 = arith.constant 0 : i32
      %dma_wait3A_312 = arith.constant 0 : i32
      %dma_wait3A_313 = tpu.memref_slice %arg4[%dma_wait3A_311, %dma_wait3A_312] : memref<16384x32xf32, #tpu.memory_space<hbm>> -> memref<8x32xf32, #tpu.memory_space<hbm>>
      tpu.wait_dma2 semaphore(%arg16 : memref<!tpu.dma_semaphore, #tpu.memory_space<semaphore_mem>>) src(%arg10 : memref<8x32xf32, #tpu.memory_space<vmem>>) dst(%dma_wait3A_313 : memref<8x32xf32, #tpu.memory_space<hbm>>)
      %broadcast_in_dim3A_314 = arith.constant 0.000000e+00 : f32
      %broadcast_in_dim3A_315 = vector.broadcast %broadcast_in_dim3A_314 : f32 to vector<16xf32>
      %scan3A_316 = arith.constant 0 : i32
      %scan3A_317 = arith.constant 25 : i32
      %scan3A_318 = arith.addi %scan3A_316, %scan3A_317 : i32
      %scan3A_319 = arith.constant 1 : i32
      %scan3A_320:4 = scf.for %scan3A_526 = %scan3A_316 to %scan3A_318 step %scan3A_319 iter_args(%scan3A_527 = %broadcast_in_dim3A_315, %scan3A_528 = %broadcast_in_dim3A_315, %scan3A_529 = %broadcast_in_dim3A_315, %scan3A_530 = %broadcast_in_dim3A_315) -> (vector<16xf32>, vector<16xf32>, vector<16xf32>, vector<16xf32>)  : i32 {
        %mul3A_531 = arith.constant 8 : i32
        %mul3A_532 = arith.muli %scan3A_526, %mul3A_531 : i32
        %add3A_533 = arith.constant 0 : i32
        %add3A_534 = arith.addi %add3A_533, %mul3A_532 : i32
        %add3A_535 = arith.constant 0 : i32
        %add3A_536 = arith.addi %add3A_534, %add3A_535 : i32
        %get3A = arith.index_cast %add3A_536 : i32 to index
        %get3A_537 = arith.constant 0 : index
        %get3A_538 = tpu.vector_load %arg8[%get3A, %get3A_537] {strides = array<i32>} : memref<1600x32xf32, #tpu.memory_space<vmem>>, vector<1x16xf32>,
        %get3A_539 = vector.shape_cast %get3A_538 : vector<1x16xf32> to vector<16xf32>
        %add3A_540 = arith.addf %scan3A_527, %get3A_539 : vector<16xf32>
        %add3A_541 = arith.constant 0 : i32
        %add3A_542 = arith.addi %add3A_534, %add3A_541 : i32
        %get3A_543 = arith.index_cast %add3A_542 : i32 to index
        %get3A_544 = arith.constant 16 : index
        %get3A_545 = tpu.vector_load %arg8[%get3A_543, %get3A_544] {strides = array<i32>} : memref<1600x32xf32, #tpu.memory_space<vmem>>, vector<1x16xf32>,
        %get3A_546 = vector.shape_cast %get3A_545 : vector<1x16xf32> to vector<16xf32>
        %add3A_547 = arith.addf %scan3A_528, %get3A_546 : vector<16xf32>
        %add3A_548 = arith.constant 0 : i32
        %add3A_549 = arith.addi %add3A_534, %add3A_548 : i32
        %add3A_550 = arith.constant 1 : i32
        %add3A_551 = arith.addi %add3A_549, %add3A_550 : i32
        %get3A_552 = arith.index_cast %add3A_551 : i32 to index
        %get3A_553 = arith.constant 0 : index
        %get3A_554 = tpu.vector_load %arg8[%get3A_552, %get3A_553] {strides = array<i32>} : memref<1600x32xf32, #tpu.memory_space<vmem>>, vector<1x16xf32>,
        %get3A_555 = vector.shape_cast %get3A_554 : vector<1x16xf32> to vector<16xf32>
        %add3A_556 = arith.addf %scan3A_529, %get3A_555 : vector<16xf32>
        %add3A_557 = arith.constant 0 : i32
        %add3A_558 = arith.addi %add3A_534, %add3A_557 : i32
        %add3A_559 = arith.constant 1 : i32
        %add3A_560 = arith.addi %add3A_558, %add3A_559 : i32
        %get3A_561 = arith.index_cast %add3A_560 : i32 to index
        %get3A_562 = arith.constant 16 : index
        %get3A_563 = tpu.vector_load %arg8[%get3A_561, %get3A_562] {strides = array<i32>} : memref<1600x32xf32, #tpu.memory_space<vmem>>, vector<1x16xf32>,
        %get3A_564 = vector.shape_cast %get3A_563 : vector<1x16xf32> to vector<16xf32>
        %add3A_565 = arith.addf %scan3A_530, %get3A_564 : vector<16xf32>
        %add3A_566 = arith.constant 2 : i32
        %add3A_567 = arith.addi %add3A_534, %add3A_566 : i32
        %get3A_568 = arith.index_cast %add3A_567 : i32 to index
        %get3A_569 = arith.constant 0 : index
        %get3A_570 = tpu.vector_load %arg8[%get3A_568, %get3A_569] {strides = array<i32>} : memref<1600x32xf32, #tpu.memory_space<vmem>>, vector<1x16xf32>,
        %get3A_571 = vector.shape_cast %get3A_570 : vector<1x16xf32> to vector<16xf32>
        %add3A_572 = arith.addf %add3A_540, %get3A_571 : vector<16xf32>
        %add3A_573 = arith.constant 2 : i32
        %add3A_574 = arith.addi %add3A_534, %add3A_573 : i32
        %get3A_575 = arith.index_cast %add3A_574 : i32 to index
        %get3A_576 = arith.constant 16 : index
        %get3A_577 = tpu.vector_load %arg8[%get3A_575, %get3A_576] {strides = array<i32>} : memref<1600x32xf32, #tpu.memory_space<vmem>>, vector<1x16xf32>,
        %get3A_578 = vector.shape_cast %get3A_577 : vector<1x16xf32> to vector<16xf32>
        %add3A_579 = arith.addf %add3A_547, %get3A_578 : vector<16xf32>
        %add3A_580 = arith.constant 2 : i32
        %add3A_581 = arith.addi %add3A_534, %add3A_580 : i32
        %add3A_582 = arith.constant 1 : i32
        %add3A_583 = arith.addi %add3A_581, %add3A_582 : i32
        %get3A_584 = arith.index_cast %add3A_583 : i32 to index
        %get3A_585 = arith.constant 0 : index
        %get3A_586 = tpu.vector_load %arg8[%get3A_584, %get3A_585] {strides = array<i32>} : memref<1600x32xf32, #tpu.memory_space<vmem>>, vector<1x16xf32>,
        %get3A_587 = vector.shape_cast %get3A_586 : vector<1x16xf32> to vector<16xf32>
        %add3A_588 = arith.addf %add3A_556, %get3A_587 : vector<16xf32>
        %add3A_589 = arith.constant 2 : i32
        %add3A_590 = arith.addi %add3A_534, %add3A_589 : i32
        %add3A_591 = arith.constant 1 : i32
        %add3A_592 = arith.addi %add3A_590, %add3A_591 : i32
        %get3A_593 = arith.index_cast %add3A_592 : i32 to index
        %get3A_594 = arith.constant 16 : index
        %get3A_595 = tpu.vector_load %arg8[%get3A_593, %get3A_594] {strides = array<i32>} : memref<1600x32xf32, #tpu.memory_space<vmem>>, vector<1x16xf32>,
        %get3A_596 = vector.shape_cast %get3A_595 : vector<1x16xf32> to vector<16xf32>
        %add3A_597 = arith.addf %add3A_565, %get3A_596 : vector<16xf32>
        %add3A_598 = arith.constant 4 : i32
        %add3A_599 = arith.addi %add3A_534, %add3A_598 : i32
        %get3A_600 = arith.index_cast %add3A_599 : i32 to index
        %get3A_601 = arith.constant 0 : index
        %get3A_602 = tpu.vector_load %arg8[%get3A_600, %get3A_601] {strides = array<i32>} : memref<1600x32xf32, #tpu.memory_space<vmem>>, vector<1x16xf32>,
        %get3A_603 = vector.shape_cast %get3A_602 : vector<1x16xf32> to vector<16xf32>
        %add3A_604 = arith.addf %add3A_572, %get3A_603 : vector<16xf32>
        %add3A_605 = arith.constant 4 : i32
        %add3A_606 = arith.addi %add3A_534, %add3A_605 : i32
        %get3A_607 = arith.index_cast %add3A_606 : i32 to index
        %get3A_608 = arith.constant 16 : index
        %get3A_609 = tpu.vector_load %arg8[%get3A_607, %get3A_608] {strides = array<i32>} : memref<1600x32xf32, #tpu.memory_space<vmem>>, vector<1x16xf32>,
        %get3A_610 = vector.shape_cast %get3A_609 : vector<1x16xf32> to vector<16xf32>
        %add3A_611 = arith.addf %add3A_579, %get3A_610 : vector<16xf32>
        %add3A_612 = arith.constant 4 : i32
        %add3A_613 = arith.addi %add3A_534, %add3A_612 : i32
        %add3A_614 = arith.constant 1 : i32
        %add3A_615 = arith.addi %add3A_613, %add3A_614 : i32
        %get3A_616 = arith.index_cast %add3A_615 : i32 to index
        %get3A_617 = arith.constant 0 : index
        %get3A_618 = tpu.vector_load %arg8[%get3A_616, %get3A_617] {strides = array<i32>} : memref<1600x32xf32, #tpu.memory_space<vmem>>, vector<1x16xf32>,
        %get3A_619 = vector.shape_cast %get3A_618 : vector<1x16xf32> to vector<16xf32>
        %add3A_620 = arith.addf %add3A_588, %get3A_619 : vector<16xf32>
        %add3A_621 = arith.constant 4 : i32
        %add3A_622 = arith.addi %add3A_534, %add3A_621 : i32
        %add3A_623 = arith.constant 1 : i32
        %add3A_624 = arith.addi %add3A_622, %add3A_623 : i32
        %get3A_625 = arith.index_cast %add3A_624 : i32 to index
        %get3A_626 = arith.constant 16 : index
        %get3A_627 = tpu.vector_load %arg8[%get3A_625, %get3A_626] {strides = array<i32>} : memref<1600x32xf32, #tpu.memory_space<vmem>>, vector<1x16xf32>,
        %get3A_628 = vector.shape_cast %get3A_627 : vector<1x16xf32> to vector<16xf32>
        %add3A_629 = arith.addf %add3A_597, %get3A_628 : vector<16xf32>
        %add3A_630 = arith.constant 6 : i32
        %add3A_631 = arith.addi %add3A_534, %add3A_630 : i32
        %get3A_632 = arith.index_cast %add3A_631 : i32 to index
        %get3A_633 = arith.constant 0 : index
        %get3A_634 = tpu.vector_load %arg8[%get3A_632, %get3A_633] {strides = array<i32>} : memref<1600x32xf32, #tpu.memory_space<vmem>>, vector<1x16xf32>,
        %get3A_635 = vector.shape_cast %get3A_634 : vector<1x16xf32> to vector<16xf32>
        %add3A_636 = arith.addf %add3A_604, %get3A_635 : vector<16xf32>
        %add3A_637 = arith.constant 6 : i32
        %add3A_638 = arith.addi %add3A_534, %add3A_637 : i32
        %get3A_639 = arith.index_cast %add3A_638 : i32 to index
        %get3A_640 = arith.constant 16 : index
        %get3A_641 = tpu.vector_load %arg8[%get3A_639, %get3A_640] {strides = array<i32>} : memref<1600x32xf32, #tpu.memory_space<vmem>>, vector<1x16xf32>,
        %get3A_642 = vector.shape_cast %get3A_641 : vector<1x16xf32> to vector<16xf32>
        %add3A_643 = arith.addf %add3A_611, %get3A_642 : vector<16xf32>
        %add3A_644 = arith.constant 6 : i32
        %add3A_645 = arith.addi %add3A_534, %add3A_644 : i32
        %add3A_646 = arith.constant 1 : i32
        %add3A_647 = arith.addi %add3A_645, %add3A_646 : i32
        %get3A_648 = arith.index_cast %add3A_647 : i32 to index
        %get3A_649 = arith.constant 0 : index
        %get3A_650 = tpu.vector_load %arg8[%get3A_648, %get3A_649] {strides = array<i32>} : memref<1600x32xf32, #tpu.memory_space<vmem>>, vector<1x16xf32>,
        %get3A_651 = vector.shape_cast %get3A_650 : vector<1x16xf32> to vector<16xf32>
        %add3A_652 = arith.addf %add3A_620, %get3A_651 : vector<16xf32>
        %add3A_653 = arith.constant 6 : i32
        %add3A_654 = arith.addi %add3A_534, %add3A_653 : i32
        %add3A_655 = arith.constant 1 : i32
        %add3A_656 = arith.addi %add3A_654, %add3A_655 : i32
        %get3A_657 = arith.index_cast %add3A_656 : i32 to index
        %get3A_658 = arith.constant 16 : index
        %get3A_659 = tpu.vector_load %arg8[%get3A_657, %get3A_658] {strides = array<i32>} : memref<1600x32xf32, #tpu.memory_space<vmem>>, vector<1x16xf32>,
        %get3A_660 = vector.shape_cast %get3A_659 : vector<1x16xf32> to vector<16xf32>
        %add3A_661 = arith.addf %add3A_629, %get3A_660 : vector<16xf32>
        scf.yield %add3A_636, %add3A_643, %add3A_652, %add3A_661 : vector<16xf32>, vector<16xf32>, vector<16xf32>, vector<16xf32>
      }
      %scan3A_321 = arith.constant 25 : i32
      %add3A_322 = arith.addf %scan3A_320#0, %scan3A_320#2 : vector<16xf32>
      %mul3A_323 = vector.broadcast %scan3A_30 : f32 to vector<16xf32>
      %mul3A_324 = arith.mulf %add3A_322, %mul3A_323 : vector<16xf32>
      %swap3A_325 = arith.constant 0 : i32
      %swap3A_326 = arith.index_cast %swap3A_325 : i32 to index
      %swap3A_327 = arith.constant 0 : index
      %swap3A_328 = tpu.vector_load %arg10[%swap3A_326, %swap3A_327] {strides = array<i32>} : memref<8x32xf32, #tpu.memory_space<vmem>>, vector<1x16xf32>,
      %swap3A_329 = vector.shape_cast %swap3A_328 : vector<1x16xf32> to vector<16xf32>
      %swap3A_330 = vector.shape_cast %mul3A_324 : vector<16xf32> to vector<1x16xf32>
      tpu.vector_store %arg10[%swap3A_326, %swap3A_327], %swap3A_330 {strides = array<i32>} : memref<8x32xf32, #tpu.memory_space<vmem>>, vector<1x16xf32>,
      %add3A_331 = arith.addf %scan3A_320#1, %scan3A_320#3 : vector<16xf32>
      %mul3A_332 = vector.broadcast %scan3A_30 : f32 to vector<16xf32>
      %mul3A_333 = arith.mulf %add3A_331, %mul3A_332 : vector<16xf32>
      %swap3A_334 = arith.constant 0 : i32
      %swap3A_335 = arith.index_cast %swap3A_334 : i32 to index
      %swap3A_336 = arith.constant 16 : index
      %swap3A_337 = tpu.vector_load %arg10[%swap3A_335, %swap3A_336] {strides = array<i32>} : memref<8x32xf32, #tpu.memory_space<vmem>>, vector<1x16xf32>,
      %swap3A_338 = vector.shape_cast %swap3A_337 : vector<1x16xf32> to vector<16xf32>
      %swap3A_339 = vector.shape_cast %mul3A_333 : vector<16xf32> to vector<1x16xf32>
      tpu.vector_store %arg10[%swap3A_335, %swap3A_336], %swap3A_339 {strides = array<i32>} : memref<8x32xf32, #tpu.memory_space<vmem>>, vector<1x16xf32>,
      %broadcast_in_dim3A_340 = arith.constant 0.000000e+00 : f32
      %broadcast_in_dim3A_341 = vector.broadcast %broadcast_in_dim3A_340 : f32 to vector<16xf32>
      %scan3A_342 = arith.constant 0 : i32
      %scan3A_343 = arith.constant 25 : i32
      %scan3A_344 = arith.addi %scan3A_342, %scan3A_343 : i32
      %scan3A_345 = arith.constant 1 : i32
      %scan3A_346:4 = scf.for %scan3A_526 = %scan3A_342 to %scan3A_344 step %scan3A_345 iter_args(%scan3A_527 = %broadcast_in_dim3A_341, %scan3A_528 = %broadcast_in_dim3A_341, %scan3A_529 = %broadcast_in_dim3A_341, %scan3A_530 = %broadcast_in_dim3A_341) -> (vector<16xf32>, vector<16xf32>, vector<16xf32>, vector<16xf32>)  : i32 {
        %mul3A_531 = arith.constant 8 : i32
        %mul3A_532 = arith.muli %scan3A_526, %mul3A_531 : i32
        %add3A_533 = arith.constant 200 : i32
        %add3A_534 = arith.addi %add3A_533, %mul3A_532 : i32
        %add3A_535 = arith.constant 0 : i32
        %add3A_536 = arith.addi %add3A_534, %add3A_535 : i32
        %get3A = arith.index_cast %add3A_536 : i32 to index
        %get3A_537 = arith.constant 0 : index
        %get3A_538 = tpu.vector_load %arg8[%get3A, %get3A_537] {strides = array<i32>} : memref<1600x32xf32, #tpu.memory_space<vmem>>, vector<1x16xf32>,
        %get3A_539 = vector.shape_cast %get3A_538 : vector<1x16xf32> to vector<16xf32>
        %add3A_540 = arith.addf %scan3A_527, %get3A_539 : vector<16xf32>
        %add3A_541 = arith.constant 0 : i32
        %add3A_542 = arith.addi %add3A_534, %add3A_541 : i32
        %get3A_543 = arith.index_cast %add3A_542 : i32 to index
        %get3A_544 = arith.constant 16 : index
        %get3A_545 = tpu.vector_load %arg8[%get3A_543, %get3A_544] {strides = array<i32>} : memref<1600x32xf32, #tpu.memory_space<vmem>>, vector<1x16xf32>,
        %get3A_546 = vector.shape_cast %get3A_545 : vector<1x16xf32> to vector<16xf32>
        %add3A_547 = arith.addf %scan3A_528, %get3A_546 : vector<16xf32>
        %add3A_548 = arith.constant 0 : i32
        %add3A_549 = arith.addi %add3A_534, %add3A_548 : i32
        %add3A_550 = arith.constant 1 : i32
        %add3A_551 = arith.addi %add3A_549, %add3A_550 : i32
        %get3A_552 = arith.index_cast %add3A_551 : i32 to index
        %get3A_553 = arith.constant 0 : index
        %get3A_554 = tpu.vector_load %arg8[%get3A_552, %get3A_553] {strides = array<i32>} : memref<1600x32xf32, #tpu.memory_space<vmem>>, vector<1x16xf32>,
        %get3A_555 = vector.shape_cast %get3A_554 : vector<1x16xf32> to vector<16xf32>
        %add3A_556 = arith.addf %scan3A_529, %get3A_555 : vector<16xf32>
        %add3A_557 = arith.constant 0 : i32
        %add3A_558 = arith.addi %add3A_534, %add3A_557 : i32
        %add3A_559 = arith.constant 1 : i32
        %add3A_560 = arith.addi %add3A_558, %add3A_559 : i32
        %get3A_561 = arith.index_cast %add3A_560 : i32 to index
        %get3A_562 = arith.constant 16 : index
        %get3A_563 = tpu.vector_load %arg8[%get3A_561, %get3A_562] {strides = array<i32>} : memref<1600x32xf32, #tpu.memory_space<vmem>>, vector<1x16xf32>,
        %get3A_564 = vector.shape_cast %get3A_563 : vector<1x16xf32> to vector<16xf32>
        %add3A_565 = arith.addf %scan3A_530, %get3A_564 : vector<16xf32>
        %add3A_566 = arith.constant 2 : i32
        %add3A_567 = arith.addi %add3A_534, %add3A_566 : i32
        %get3A_568 = arith.index_cast %add3A_567 : i32 to index
        %get3A_569 = arith.constant 0 : index
        %get3A_570 = tpu.vector_load %arg8[%get3A_568, %get3A_569] {strides = array<i32>} : memref<1600x32xf32, #tpu.memory_space<vmem>>, vector<1x16xf32>,
        %get3A_571 = vector.shape_cast %get3A_570 : vector<1x16xf32> to vector<16xf32>
        %add3A_572 = arith.addf %add3A_540, %get3A_571 : vector<16xf32>
        %add3A_573 = arith.constant 2 : i32
        %add3A_574 = arith.addi %add3A_534, %add3A_573 : i32
        %get3A_575 = arith.index_cast %add3A_574 : i32 to index
        %get3A_576 = arith.constant 16 : index
        %get3A_577 = tpu.vector_load %arg8[%get3A_575, %get3A_576] {strides = array<i32>} : memref<1600x32xf32, #tpu.memory_space<vmem>>, vector<1x16xf32>,
        %get3A_578 = vector.shape_cast %get3A_577 : vector<1x16xf32> to vector<16xf32>
        %add3A_579 = arith.addf %add3A_547, %get3A_578 : vector<16xf32>
        %add3A_580 = arith.constant 2 : i32
        %add3A_581 = arith.addi %add3A_534, %add3A_580 : i32
        %add3A_582 = arith.constant 1 : i32
        %add3A_583 = arith.addi %add3A_581, %add3A_582 : i32
        %get3A_584 = arith.index_cast %add3A_583 : i32 to index
        %get3A_585 = arith.constant 0 : index
        %get3A_586 = tpu.vector_load %arg8[%get3A_584, %get3A_585] {strides = array<i32>} : memref<1600x32xf32, #tpu.memory_space<vmem>>, vector<1x16xf32>,
        %get3A_587 = vector.shape_cast %get3A_586 : vector<1x16xf32> to vector<16xf32>
        %add3A_588 = arith.addf %add3A_556, %get3A_587 : vector<16xf32>
        %add3A_589 = arith.constant 2 : i32
        %add3A_590 = arith.addi %add3A_534, %add3A_589 : i32
        %add3A_591 = arith.constant 1 : i32
        %add3A_592 = arith.addi %add3A_590, %add3A_591 : i32
        %get3A_593 = arith.index_cast %add3A_592 : i32 to index
        %get3A_594 = arith.constant 16 : index
        %get3A_595 = tpu.vector_load %arg8[%get3A_593, %get3A_594] {strides = array<i32>} : memref<1600x32xf32, #tpu.memory_space<vmem>>, vector<1x16xf32>,
        %get3A_596 = vector.shape_cast %get3A_595 : vector<1x16xf32> to vector<16xf32>
        %add3A_597 = arith.addf %add3A_565, %get3A_596 : vector<16xf32>
        %add3A_598 = arith.constant 4 : i32
        %add3A_599 = arith.addi %add3A_534, %add3A_598 : i32
        %get3A_600 = arith.index_cast %add3A_599 : i32 to index
        %get3A_601 = arith.constant 0 : index
        %get3A_602 = tpu.vector_load %arg8[%get3A_600, %get3A_601] {strides = array<i32>} : memref<1600x32xf32, #tpu.memory_space<vmem>>, vector<1x16xf32>,
        %get3A_603 = vector.shape_cast %get3A_602 : vector<1x16xf32> to vector<16xf32>
        %add3A_604 = arith.addf %add3A_572, %get3A_603 : vector<16xf32>
        %add3A_605 = arith.constant 4 : i32
        %add3A_606 = arith.addi %add3A_534, %add3A_605 : i32
        %get3A_607 = arith.index_cast %add3A_606 : i32 to index
        %get3A_608 = arith.constant 16 : index
        %get3A_609 = tpu.vector_load %arg8[%get3A_607, %get3A_608] {strides = array<i32>} : memref<1600x32xf32, #tpu.memory_space<vmem>>, vector<1x16xf32>,
        %get3A_610 = vector.shape_cast %get3A_609 : vector<1x16xf32> to vector<16xf32>
        %add3A_611 = arith.addf %add3A_579, %get3A_610 : vector<16xf32>
        %add3A_612 = arith.constant 4 : i32
        %add3A_613 = arith.addi %add3A_534, %add3A_612 : i32
        %add3A_614 = arith.constant 1 : i32
        %add3A_615 = arith.addi %add3A_613, %add3A_614 : i32
        %get3A_616 = arith.index_cast %add3A_615 : i32 to index
        %get3A_617 = arith.constant 0 : index
        %get3A_618 = tpu.vector_load %arg8[%get3A_616, %get3A_617] {strides = array<i32>} : memref<1600x32xf32, #tpu.memory_space<vmem>>, vector<1x16xf32>,
        %get3A_619 = vector.shape_cast %get3A_618 : vector<1x16xf32> to vector<16xf32>
        %add3A_620 = arith.addf %add3A_588, %get3A_619 : vector<16xf32>
        %add3A_621 = arith.constant 4 : i32
        %add3A_622 = arith.addi %add3A_534, %add3A_621 : i32
        %add3A_623 = arith.constant 1 : i32
        %add3A_624 = arith.addi %add3A_622, %add3A_623 : i32
        %get3A_625 = arith.index_cast %add3A_624 : i32 to index
        %get3A_626 = arith.constant 16 : index
        %get3A_627 = tpu.vector_load %arg8[%get3A_625, %get3A_626] {strides = array<i32>} : memref<1600x32xf32, #tpu.memory_space<vmem>>, vector<1x16xf32>,
        %get3A_628 = vector.shape_cast %get3A_627 : vector<1x16xf32> to vector<16xf32>
        %add3A_629 = arith.addf %add3A_597, %get3A_628 : vector<16xf32>
        %add3A_630 = arith.constant 6 : i32
        %add3A_631 = arith.addi %add3A_534, %add3A_630 : i32
        %get3A_632 = arith.index_cast %add3A_631 : i32 to index
        %get3A_633 = arith.constant 0 : index
        %get3A_634 = tpu.vector_load %arg8[%get3A_632, %get3A_633] {strides = array<i32>} : memref<1600x32xf32, #tpu.memory_space<vmem>>, vector<1x16xf32>,
        %get3A_635 = vector.shape_cast %get3A_634 : vector<1x16xf32> to vector<16xf32>
        %add3A_636 = arith.addf %add3A_604, %get3A_635 : vector<16xf32>
        %add3A_637 = arith.constant 6 : i32
        %add3A_638 = arith.addi %add3A_534, %add3A_637 : i32
        %get3A_639 = arith.index_cast %add3A_638 : i32 to index
        %get3A_640 = arith.constant 16 : index
        %get3A_641 = tpu.vector_load %arg8[%get3A_639, %get3A_640] {strides = array<i32>} : memref<1600x32xf32, #tpu.memory_space<vmem>>, vector<1x16xf32>,
        %get3A_642 = vector.shape_cast %get3A_641 : vector<1x16xf32> to vector<16xf32>
        %add3A_643 = arith.addf %add3A_611, %get3A_642 : vector<16xf32>
        %add3A_644 = arith.constant 6 : i32
        %add3A_645 = arith.addi %add3A_534, %add3A_644 : i32
        %add3A_646 = arith.constant 1 : i32
        %add3A_647 = arith.addi %add3A_645, %add3A_646 : i32
        %get3A_648 = arith.index_cast %add3A_647 : i32 to index
        %get3A_649 = arith.constant 0 : index
        %get3A_650 = tpu.vector_load %arg8[%get3A_648, %get3A_649] {strides = array<i32>} : memref<1600x32xf32, #tpu.memory_space<vmem>>, vector<1x16xf32>,
        %get3A_651 = vector.shape_cast %get3A_650 : vector<1x16xf32> to vector<16xf32>
        %add3A_652 = arith.addf %add3A_620, %get3A_651 : vector<16xf32>
        %add3A_653 = arith.constant 6 : i32
        %add3A_654 = arith.addi %add3A_534, %add3A_653 : i32
        %add3A_655 = arith.constant 1 : i32
        %add3A_656 = arith.addi %add3A_654, %add3A_655 : i32
        %get3A_657 = arith.index_cast %add3A_656 : i32 to index
        %get3A_658 = arith.constant 16 : index
        %get3A_659 = tpu.vector_load %arg8[%get3A_657, %get3A_658] {strides = array<i32>} : memref<1600x32xf32, #tpu.memory_space<vmem>>, vector<1x16xf32>,
        %get3A_660 = vector.shape_cast %get3A_659 : vector<1x16xf32> to vector<16xf32>
        %add3A_661 = arith.addf %add3A_629, %get3A_660 : vector<16xf32>
        scf.yield %add3A_636, %add3A_643, %add3A_652, %add3A_661 : vector<16xf32>, vector<16xf32>, vector<16xf32>, vector<16xf32>
      }
      %scan3A_347 = arith.constant 25 : i32
      %add3A_348 = arith.addf %scan3A_346#0, %scan3A_346#2 : vector<16xf32>
      %mul3A_349 = vector.broadcast %scan3A_30 : f32 to vector<16xf32>
      %mul3A_350 = arith.mulf %add3A_348, %mul3A_349 : vector<16xf32>
      %swap3A_351 = arith.constant 1 : i32
      %swap3A_352 = arith.index_cast %swap3A_351 : i32 to index
      %swap3A_353 = arith.constant 0 : index
      %swap3A_354 = tpu.vector_load %arg10[%swap3A_352, %swap3A_353] {strides = array<i32>} : memref<8x32xf32, #tpu.memory_space<vmem>>, vector<1x16xf32>,
      %swap3A_355 = vector.shape_cast %swap3A_354 : vector<1x16xf32> to vector<16xf32>
      %swap3A_356 = vector.shape_cast %mul3A_350 : vector<16xf32> to vector<1x16xf32>
      tpu.vector_store %arg10[%swap3A_352, %swap3A_353], %swap3A_356 {strides = array<i32>} : memref<8x32xf32, #tpu.memory_space<vmem>>, vector<1x16xf32>,
      %add3A_357 = arith.addf %scan3A_346#1, %scan3A_346#3 : vector<16xf32>
      %mul3A_358 = vector.broadcast %scan3A_30 : f32 to vector<16xf32>
      %mul3A_359 = arith.mulf %add3A_357, %mul3A_358 : vector<16xf32>
      %swap3A_360 = arith.constant 1 : i32
      %swap3A_361 = arith.index_cast %swap3A_360 : i32 to index
      %swap3A_362 = arith.constant 16 : index
      %swap3A_363 = tpu.vector_load %arg10[%swap3A_361, %swap3A_362] {strides = array<i32>} : memref<8x32xf32, #tpu.memory_space<vmem>>, vector<1x16xf32>,
      %swap3A_364 = vector.shape_cast %swap3A_363 : vector<1x16xf32> to vector<16xf32>
      %swap3A_365 = vector.shape_cast %mul3A_359 : vector<16xf32> to vector<1x16xf32>
      tpu.vector_store %arg10[%swap3A_361, %swap3A_362], %swap3A_365 {strides = array<i32>} : memref<8x32xf32, #tpu.memory_space<vmem>>, vector<1x16xf32>,
      %broadcast_in_dim3A_366 = arith.constant 0.000000e+00 : f32
      %broadcast_in_dim3A_367 = vector.broadcast %broadcast_in_dim3A_366 : f32 to vector<16xf32>
      %scan3A_368 = arith.constant 0 : i32
      %scan3A_369 = arith.constant 25 : i32
      %scan3A_370 = arith.addi %scan3A_368, %scan3A_369 : i32
      %scan3A_371 = arith.constant 1 : i32
      %scan3A_372:4 = scf.for %scan3A_526 = %scan3A_368 to %scan3A_370 step %scan3A_371 iter_args(%scan3A_527 = %broadcast_in_dim3A_367, %scan3A_528 = %broadcast_in_dim3A_367, %scan3A_529 = %broadcast_in_dim3A_367, %scan3A_530 = %broadcast_in_dim3A_367) -> (vector<16xf32>, vector<16xf32>, vector<16xf32>, vector<16xf32>)  : i32 {
        %mul3A_531 = arith.constant 8 : i32
        %mul3A_532 = arith.muli %scan3A_526, %mul3A_531 : i32
        %add3A_533 = arith.constant 400 : i32
        %add3A_534 = arith.addi %add3A_533, %mul3A_532 : i32
        %add3A_535 = arith.constant 0 : i32
        %add3A_536 = arith.addi %add3A_534, %add3A_535 : i32
        %get3A = arith.index_cast %add3A_536 : i32 to index
        %get3A_537 = arith.constant 0 : index
        %get3A_538 = tpu.vector_load %arg8[%get3A, %get3A_537] {strides = array<i32>} : memref<1600x32xf32, #tpu.memory_space<vmem>>, vector<1x16xf32>,
        %get3A_539 = vector.shape_cast %get3A_538 : vector<1x16xf32> to vector<16xf32>
        %add3A_540 = arith.addf %scan3A_527, %get3A_539 : vector<16xf32>
        %add3A_541 = arith.constant 0 : i32
        %add3A_542 = arith.addi %add3A_534, %add3A_541 : i32
        %get3A_543 = arith.index_cast %add3A_542 : i32 to index
        %get3A_544 = arith.constant 16 : index
        %get3A_545 = tpu.vector_load %arg8[%get3A_543, %get3A_544] {strides = array<i32>} : memref<1600x32xf32, #tpu.memory_space<vmem>>, vector<1x16xf32>,
        %get3A_546 = vector.shape_cast %get3A_545 : vector<1x16xf32> to vector<16xf32>
        %add3A_547 = arith.addf %scan3A_528, %get3A_546 : vector<16xf32>
        %add3A_548 = arith.constant 0 : i32
        %add3A_549 = arith.addi %add3A_534, %add3A_548 : i32
        %add3A_550 = arith.constant 1 : i32
        %add3A_551 = arith.addi %add3A_549, %add3A_550 : i32
        %get3A_552 = arith.index_cast %add3A_551 : i32 to index
        %get3A_553 = arith.constant 0 : index
        %get3A_554 = tpu.vector_load %arg8[%get3A_552, %get3A_553] {strides = array<i32>} : memref<1600x32xf32, #tpu.memory_space<vmem>>, vector<1x16xf32>,
        %get3A_555 = vector.shape_cast %get3A_554 : vector<1x16xf32> to vector<16xf32>
        %add3A_556 = arith.addf %scan3A_529, %get3A_555 : vector<16xf32>
        %add3A_557 = arith.constant 0 : i32
        %add3A_558 = arith.addi %add3A_534, %add3A_557 : i32
        %add3A_559 = arith.constant 1 : i32
        %add3A_560 = arith.addi %add3A_558, %add3A_559 : i32
        %get3A_561 = arith.index_cast %add3A_560 : i32 to index
        %get3A_562 = arith.constant 16 : index
        %get3A_563 = tpu.vector_load %arg8[%get3A_561, %get3A_562] {strides = array<i32>} : memref<1600x32xf32, #tpu.memory_space<vmem>>, vector<1x16xf32>,
        %get3A_564 = vector.shape_cast %get3A_563 : vector<1x16xf32> to vector<16xf32>
        %add3A_565 = arith.addf %scan3A_530, %get3A_564 : vector<16xf32>
        %add3A_566 = arith.constant 2 : i32
        %add3A_567 = arith.addi %add3A_534, %add3A_566 : i32
        %get3A_568 = arith.index_cast %add3A_567 : i32 to index
        %get3A_569 = arith.constant 0 : index
        %get3A_570 = tpu.vector_load %arg8[%get3A_568, %get3A_569] {strides = array<i32>} : memref<1600x32xf32, #tpu.memory_space<vmem>>, vector<1x16xf32>,
        %get3A_571 = vector.shape_cast %get3A_570 : vector<1x16xf32> to vector<16xf32>
        %add3A_572 = arith.addf %add3A_540, %get3A_571 : vector<16xf32>
        %add3A_573 = arith.constant 2 : i32
        %add3A_574 = arith.addi %add3A_534, %add3A_573 : i32
        %get3A_575 = arith.index_cast %add3A_574 : i32 to index
        %get3A_576 = arith.constant 16 : index
        %get3A_577 = tpu.vector_load %arg8[%get3A_575, %get3A_576] {strides = array<i32>} : memref<1600x32xf32, #tpu.memory_space<vmem>>, vector<1x16xf32>,
        %get3A_578 = vector.shape_cast %get3A_577 : vector<1x16xf32> to vector<16xf32>
        %add3A_579 = arith.addf %add3A_547, %get3A_578 : vector<16xf32>
        %add3A_580 = arith.constant 2 : i32
        %add3A_581 = arith.addi %add3A_534, %add3A_580 : i32
        %add3A_582 = arith.constant 1 : i32
        %add3A_583 = arith.addi %add3A_581, %add3A_582 : i32
        %get3A_584 = arith.index_cast %add3A_583 : i32 to index
        %get3A_585 = arith.constant 0 : index
        %get3A_586 = tpu.vector_load %arg8[%get3A_584, %get3A_585] {strides = array<i32>} : memref<1600x32xf32, #tpu.memory_space<vmem>>, vector<1x16xf32>,
        %get3A_587 = vector.shape_cast %get3A_586 : vector<1x16xf32> to vector<16xf32>
        %add3A_588 = arith.addf %add3A_556, %get3A_587 : vector<16xf32>
        %add3A_589 = arith.constant 2 : i32
        %add3A_590 = arith.addi %add3A_534, %add3A_589 : i32
        %add3A_591 = arith.constant 1 : i32
        %add3A_592 = arith.addi %add3A_590, %add3A_591 : i32
        %get3A_593 = arith.index_cast %add3A_592 : i32 to index
        %get3A_594 = arith.constant 16 : index
        %get3A_595 = tpu.vector_load %arg8[%get3A_593, %get3A_594] {strides = array<i32>} : memref<1600x32xf32, #tpu.memory_space<vmem>>, vector<1x16xf32>,
        %get3A_596 = vector.shape_cast %get3A_595 : vector<1x16xf32> to vector<16xf32>
        %add3A_597 = arith.addf %add3A_565, %get3A_596 : vector<16xf32>
        %add3A_598 = arith.constant 4 : i32
        %add3A_599 = arith.addi %add3A_534, %add3A_598 : i32
        %get3A_600 = arith.index_cast %add3A_599 : i32 to index
        %get3A_601 = arith.constant 0 : index
        %get3A_602 = tpu.vector_load %arg8[%get3A_600, %get3A_601] {strides = array<i32>} : memref<1600x32xf32, #tpu.memory_space<vmem>>, vector<1x16xf32>,
        %get3A_603 = vector.shape_cast %get3A_602 : vector<1x16xf32> to vector<16xf32>
        %add3A_604 = arith.addf %add3A_572, %get3A_603 : vector<16xf32>
        %add3A_605 = arith.constant 4 : i32
        %add3A_606 = arith.addi %add3A_534, %add3A_605 : i32
        %get3A_607 = arith.index_cast %add3A_606 : i32 to index
        %get3A_608 = arith.constant 16 : index
        %get3A_609 = tpu.vector_load %arg8[%get3A_607, %get3A_608] {strides = array<i32>} : memref<1600x32xf32, #tpu.memory_space<vmem>>, vector<1x16xf32>,
        %get3A_610 = vector.shape_cast %get3A_609 : vector<1x16xf32> to vector<16xf32>
        %add3A_611 = arith.addf %add3A_579, %get3A_610 : vector<16xf32>
        %add3A_612 = arith.constant 4 : i32
        %add3A_613 = arith.addi %add3A_534, %add3A_612 : i32
        %add3A_614 = arith.constant 1 : i32
        %add3A_615 = arith.addi %add3A_613, %add3A_614 : i32
        %get3A_616 = arith.index_cast %add3A_615 : i32 to index
        %get3A_617 = arith.constant 0 : index
        %get3A_618 = tpu.vector_load %arg8[%get3A_616, %get3A_617] {strides = array<i32>} : memref<1600x32xf32, #tpu.memory_space<vmem>>, vector<1x16xf32>,
        %get3A_619 = vector.shape_cast %get3A_618 : vector<1x16xf32> to vector<16xf32>
        %add3A_620 = arith.addf %add3A_588, %get3A_619 : vector<16xf32>
        %add3A_621 = arith.constant 4 : i32
        %add3A_622 = arith.addi %add3A_534, %add3A_621 : i32
        %add3A_623 = arith.constant 1 : i32
        %add3A_624 = arith.addi %add3A_622, %add3A_623 : i32
        %get3A_625 = arith.index_cast %add3A_624 : i32 to index
        %get3A_626 = arith.constant 16 : index
        %get3A_627 = tpu.vector_load %arg8[%get3A_625, %get3A_626] {strides = array<i32>} : memref<1600x32xf32, #tpu.memory_space<vmem>>, vector<1x16xf32>,
        %get3A_628 = vector.shape_cast %get3A_627 : vector<1x16xf32> to vector<16xf32>
        %add3A_629 = arith.addf %add3A_597, %get3A_628 : vector<16xf32>
        %add3A_630 = arith.constant 6 : i32
        %add3A_631 = arith.addi %add3A_534, %add3A_630 : i32
        %get3A_632 = arith.index_cast %add3A_631 : i32 to index
        %get3A_633 = arith.constant 0 : index
        %get3A_634 = tpu.vector_load %arg8[%get3A_632, %get3A_633] {strides = array<i32>} : memref<1600x32xf32, #tpu.memory_space<vmem>>, vector<1x16xf32>,
        %get3A_635 = vector.shape_cast %get3A_634 : vector<1x16xf32> to vector<16xf32>
        %add3A_636 = arith.addf %add3A_604, %get3A_635 : vector<16xf32>
        %add3A_637 = arith.constant 6 : i32
        %add3A_638 = arith.addi %add3A_534, %add3A_637 : i32
        %get3A_639 = arith.index_cast %add3A_638 : i32 to index
        %get3A_640 = arith.constant 16 : index
        %get3A_641 = tpu.vector_load %arg8[%get3A_639, %get3A_640] {strides = array<i32>} : memref<1600x32xf32, #tpu.memory_space<vmem>>, vector<1x16xf32>,
        %get3A_642 = vector.shape_cast %get3A_641 : vector<1x16xf32> to vector<16xf32>
        %add3A_643 = arith.addf %add3A_611, %get3A_642 : vector<16xf32>
        %add3A_644 = arith.constant 6 : i32
        %add3A_645 = arith.addi %add3A_534, %add3A_644 : i32
        %add3A_646 = arith.constant 1 : i32
        %add3A_647 = arith.addi %add3A_645, %add3A_646 : i32
        %get3A_648 = arith.index_cast %add3A_647 : i32 to index
        %get3A_649 = arith.constant 0 : index
        %get3A_650 = tpu.vector_load %arg8[%get3A_648, %get3A_649] {strides = array<i32>} : memref<1600x32xf32, #tpu.memory_space<vmem>>, vector<1x16xf32>,
        %get3A_651 = vector.shape_cast %get3A_650 : vector<1x16xf32> to vector<16xf32>
        %add3A_652 = arith.addf %add3A_620, %get3A_651 : vector<16xf32>
        %add3A_653 = arith.constant 6 : i32
        %add3A_654 = arith.addi %add3A_534, %add3A_653 : i32
        %add3A_655 = arith.constant 1 : i32
        %add3A_656 = arith.addi %add3A_654, %add3A_655 : i32
        %get3A_657 = arith.index_cast %add3A_656 : i32 to index
        %get3A_658 = arith.constant 16 : index
        %get3A_659 = tpu.vector_load %arg8[%get3A_657, %get3A_658] {strides = array<i32>} : memref<1600x32xf32, #tpu.memory_space<vmem>>, vector<1x16xf32>,
        %get3A_660 = vector.shape_cast %get3A_659 : vector<1x16xf32> to vector<16xf32>
        %add3A_661 = arith.addf %add3A_629, %get3A_660 : vector<16xf32>
        scf.yield %add3A_636, %add3A_643, %add3A_652, %add3A_661 : vector<16xf32>, vector<16xf32>, vector<16xf32>, vector<16xf32>
      }
      %scan3A_373 = arith.constant 25 : i32
      %add3A_374 = arith.addf %scan3A_372#0, %scan3A_372#2 : vector<16xf32>
      %mul3A_375 = vector.broadcast %scan3A_30 : f32 to vector<16xf32>
      %mul3A_376 = arith.mulf %add3A_374, %mul3A_375 : vector<16xf32>
      %swap3A_377 = arith.constant 2 : i32
      %swap3A_378 = arith.index_cast %swap3A_377 : i32 to index
      %swap3A_379 = arith.constant 0 : index
      %swap3A_380 = tpu.vector_load %arg10[%swap3A_378, %swap3A_379] {strides = array<i32>} : memref<8x32xf32, #tpu.memory_space<vmem>>, vector<1x16xf32>,
      %swap3A_381 = vector.shape_cast %swap3A_380 : vector<1x16xf32> to vector<16xf32>
      %swap3A_382 = vector.shape_cast %mul3A_376 : vector<16xf32> to vector<1x16xf32>
      tpu.vector_store %arg10[%swap3A_378, %swap3A_379], %swap3A_382 {strides = array<i32>} : memref<8x32xf32, #tpu.memory_space<vmem>>, vector<1x16xf32>,
      %add3A_383 = arith.addf %scan3A_372#1, %scan3A_372#3 : vector<16xf32>
      %mul3A_384 = vector.broadcast %scan3A_30 : f32 to vector<16xf32>
      %mul3A_385 = arith.mulf %add3A_383, %mul3A_384 : vector<16xf32>
      %swap3A_386 = arith.constant 2 : i32
      %swap3A_387 = arith.index_cast %swap3A_386 : i32 to index
      %swap3A_388 = arith.constant 16 : index
      %swap3A_389 = tpu.vector_load %arg10[%swap3A_387, %swap3A_388] {strides = array<i32>} : memref<8x32xf32, #tpu.memory_space<vmem>>, vector<1x16xf32>,
      %swap3A_390 = vector.shape_cast %swap3A_389 : vector<1x16xf32> to vector<16xf32>
      %swap3A_391 = vector.shape_cast %mul3A_385 : vector<16xf32> to vector<1x16xf32>
      tpu.vector_store %arg10[%swap3A_387, %swap3A_388], %swap3A_391 {strides = array<i32>} : memref<8x32xf32, #tpu.memory_space<vmem>>, vector<1x16xf32>,
      %broadcast_in_dim3A_392 = arith.constant 0.000000e+00 : f32
      %broadcast_in_dim3A_393 = vector.broadcast %broadcast_in_dim3A_392 : f32 to vector<16xf32>
      %scan3A_394 = arith.constant 0 : i32
      %scan3A_395 = arith.constant 25 : i32
      %scan3A_396 = arith.addi %scan3A_394, %scan3A_395 : i32
      %scan3A_397 = arith.constant 1 : i32
      %scan3A_398:4 = scf.for %scan3A_526 = %scan3A_394 to %scan3A_396 step %scan3A_397 iter_args(%scan3A_527 = %broadcast_in_dim3A_393, %scan3A_528 = %broadcast_in_dim3A_393, %scan3A_529 = %broadcast_in_dim3A_393, %scan3A_530 = %broadcast_in_dim3A_393) -> (vector<16xf32>, vector<16xf32>, vector<16xf32>, vector<16xf32>)  : i32 {
        %mul3A_531 = arith.constant 8 : i32
        %mul3A_532 = arith.muli %scan3A_526, %mul3A_531 : i32
        %add3A_533 = arith.constant 600 : i32
        %add3A_534 = arith.addi %add3A_533, %mul3A_532 : i32
        %add3A_535 = arith.constant 0 : i32
        %add3A_536 = arith.addi %add3A_534, %add3A_535 : i32
        %get3A = arith.index_cast %add3A_536 : i32 to index
        %get3A_537 = arith.constant 0 : index
        %get3A_538 = tpu.vector_load %arg8[%get3A, %get3A_537] {strides = array<i32>} : memref<1600x32xf32, #tpu.memory_space<vmem>>, vector<1x16xf32>,
        %get3A_539 = vector.shape_cast %get3A_538 : vector<1x16xf32> to vector<16xf32>
        %add3A_540 = arith.addf %scan3A_527, %get3A_539 : vector<16xf32>
        %add3A_541 = arith.constant 0 : i32
        %add3A_542 = arith.addi %add3A_534, %add3A_541 : i32
        %get3A_543 = arith.index_cast %add3A_542 : i32 to index
        %get3A_544 = arith.constant 16 : index
        %get3A_545 = tpu.vector_load %arg8[%get3A_543, %get3A_544] {strides = array<i32>} : memref<1600x32xf32, #tpu.memory_space<vmem>>, vector<1x16xf32>,
        %get3A_546 = vector.shape_cast %get3A_545 : vector<1x16xf32> to vector<16xf32>
        %add3A_547 = arith.addf %scan3A_528, %get3A_546 : vector<16xf32>
        %add3A_548 = arith.constant 0 : i32
        %add3A_549 = arith.addi %add3A_534, %add3A_548 : i32
        %add3A_550 = arith.constant 1 : i32
        %add3A_551 = arith.addi %add3A_549, %add3A_550 : i32
        %get3A_552 = arith.index_cast %add3A_551 : i32 to index
        %get3A_553 = arith.constant 0 : index
        %get3A_554 = tpu.vector_load %arg8[%get3A_552, %get3A_553] {strides = array<i32>} : memref<1600x32xf32, #tpu.memory_space<vmem>>, vector<1x16xf32>,
        %get3A_555 = vector.shape_cast %get3A_554 : vector<1x16xf32> to vector<16xf32>
        %add3A_556 = arith.addf %scan3A_529, %get3A_555 : vector<16xf32>
        %add3A_557 = arith.constant 0 : i32
        %add3A_558 = arith.addi %add3A_534, %add3A_557 : i32
        %add3A_559 = arith.constant 1 : i32
        %add3A_560 = arith.addi %add3A_558, %add3A_559 : i32
        %get3A_561 = arith.index_cast %add3A_560 : i32 to index
        %get3A_562 = arith.constant 16 : index
        %get3A_563 = tpu.vector_load %arg8[%get3A_561, %get3A_562] {strides = array<i32>} : memref<1600x32xf32, #tpu.memory_space<vmem>>, vector<1x16xf32>,
        %get3A_564 = vector.shape_cast %get3A_563 : vector<1x16xf32> to vector<16xf32>
        %add3A_565 = arith.addf %scan3A_530, %get3A_564 : vector<16xf32>
        %add3A_566 = arith.constant 2 : i32
        %add3A_567 = arith.addi %add3A_534, %add3A_566 : i32
        %get3A_568 = arith.index_cast %add3A_567 : i32 to index
        %get3A_569 = arith.constant 0 : index
        %get3A_570 = tpu.vector_load %arg8[%get3A_568, %get3A_569] {strides = array<i32>} : memref<1600x32xf32, #tpu.memory_space<vmem>>, vector<1x16xf32>,
        %get3A_571 = vector.shape_cast %get3A_570 : vector<1x16xf32> to vector<16xf32>
        %add3A_572 = arith.addf %add3A_540, %get3A_571 : vector<16xf32>
        %add3A_573 = arith.constant 2 : i32
        %add3A_574 = arith.addi %add3A_534, %add3A_573 : i32
        %get3A_575 = arith.index_cast %add3A_574 : i32 to index
        %get3A_576 = arith.constant 16 : index
        %get3A_577 = tpu.vector_load %arg8[%get3A_575, %get3A_576] {strides = array<i32>} : memref<1600x32xf32, #tpu.memory_space<vmem>>, vector<1x16xf32>,
        %get3A_578 = vector.shape_cast %get3A_577 : vector<1x16xf32> to vector<16xf32>
        %add3A_579 = arith.addf %add3A_547, %get3A_578 : vector<16xf32>
        %add3A_580 = arith.constant 2 : i32
        %add3A_581 = arith.addi %add3A_534, %add3A_580 : i32
        %add3A_582 = arith.constant 1 : i32
        %add3A_583 = arith.addi %add3A_581, %add3A_582 : i32
        %get3A_584 = arith.index_cast %add3A_583 : i32 to index
        %get3A_585 = arith.constant 0 : index
        %get3A_586 = tpu.vector_load %arg8[%get3A_584, %get3A_585] {strides = array<i32>} : memref<1600x32xf32, #tpu.memory_space<vmem>>, vector<1x16xf32>,
        %get3A_587 = vector.shape_cast %get3A_586 : vector<1x16xf32> to vector<16xf32>
        %add3A_588 = arith.addf %add3A_556, %get3A_587 : vector<16xf32>
        %add3A_589 = arith.constant 2 : i32
        %add3A_590 = arith.addi %add3A_534, %add3A_589 : i32
        %add3A_591 = arith.constant 1 : i32
        %add3A_592 = arith.addi %add3A_590, %add3A_591 : i32
        %get3A_593 = arith.index_cast %add3A_592 : i32 to index
        %get3A_594 = arith.constant 16 : index
        %get3A_595 = tpu.vector_load %arg8[%get3A_593, %get3A_594] {strides = array<i32>} : memref<1600x32xf32, #tpu.memory_space<vmem>>, vector<1x16xf32>,
        %get3A_596 = vector.shape_cast %get3A_595 : vector<1x16xf32> to vector<16xf32>
        %add3A_597 = arith.addf %add3A_565, %get3A_596 : vector<16xf32>
        %add3A_598 = arith.constant 4 : i32
        %add3A_599 = arith.addi %add3A_534, %add3A_598 : i32
        %get3A_600 = arith.index_cast %add3A_599 : i32 to index
        %get3A_601 = arith.constant 0 : index
        %get3A_602 = tpu.vector_load %arg8[%get3A_600, %get3A_601] {strides = array<i32>} : memref<1600x32xf32, #tpu.memory_space<vmem>>, vector<1x16xf32>,
        %get3A_603 = vector.shape_cast %get3A_602 : vector<1x16xf32> to vector<16xf32>
        %add3A_604 = arith.addf %add3A_572, %get3A_603 : vector<16xf32>
        %add3A_605 = arith.constant 4 : i32
        %add3A_606 = arith.addi %add3A_534, %add3A_605 : i32
        %get3A_607 = arith.index_cast %add3A_606 : i32 to index
        %get3A_608 = arith.constant 16 : index
        %get3A_609 = tpu.vector_load %arg8[%get3A_607, %get3A_608] {strides = array<i32>} : memref<1600x32xf32, #tpu.memory_space<vmem>>, vector<1x16xf32>,
        %get3A_610 = vector.shape_cast %get3A_609 : vector<1x16xf32> to vector<16xf32>
        %add3A_611 = arith.addf %add3A_579, %get3A_610 : vector<16xf32>
        %add3A_612 = arith.constant 4 : i32
        %add3A_613 = arith.addi %add3A_534, %add3A_612 : i32
        %add3A_614 = arith.constant 1 : i32
        %add3A_615 = arith.addi %add3A_613, %add3A_614 : i32
        %get3A_616 = arith.index_cast %add3A_615 : i32 to index
        %get3A_617 = arith.constant 0 : index
        %get3A_618 = tpu.vector_load %arg8[%get3A_616, %get3A_617] {strides = array<i32>} : memref<1600x32xf32, #tpu.memory_space<vmem>>, vector<1x16xf32>,
        %get3A_619 = vector.shape_cast %get3A_618 : vector<1x16xf32> to vector<16xf32>
        %add3A_620 = arith.addf %add3A_588, %get3A_619 : vector<16xf32>
        %add3A_621 = arith.constant 4 : i32
        %add3A_622 = arith.addi %add3A_534, %add3A_621 : i32
        %add3A_623 = arith.constant 1 : i32
        %add3A_624 = arith.addi %add3A_622, %add3A_623 : i32
        %get3A_625 = arith.index_cast %add3A_624 : i32 to index
        %get3A_626 = arith.constant 16 : index
        %get3A_627 = tpu.vector_load %arg8[%get3A_625, %get3A_626] {strides = array<i32>} : memref<1600x32xf32, #tpu.memory_space<vmem>>, vector<1x16xf32>,
        %get3A_628 = vector.shape_cast %get3A_627 : vector<1x16xf32> to vector<16xf32>
        %add3A_629 = arith.addf %add3A_597, %get3A_628 : vector<16xf32>
        %add3A_630 = arith.constant 6 : i32
        %add3A_631 = arith.addi %add3A_534, %add3A_630 : i32
        %get3A_632 = arith.index_cast %add3A_631 : i32 to index
        %get3A_633 = arith.constant 0 : index
        %get3A_634 = tpu.vector_load %arg8[%get3A_632, %get3A_633] {strides = array<i32>} : memref<1600x32xf32, #tpu.memory_space<vmem>>, vector<1x16xf32>,
        %get3A_635 = vector.shape_cast %get3A_634 : vector<1x16xf32> to vector<16xf32>
        %add3A_636 = arith.addf %add3A_604, %get3A_635 : vector<16xf32>
        %add3A_637 = arith.constant 6 : i32
        %add3A_638 = arith.addi %add3A_534, %add3A_637 : i32
        %get3A_639 = arith.index_cast %add3A_638 : i32 to index
        %get3A_640 = arith.constant 16 : index
        %get3A_641 = tpu.vector_load %arg8[%get3A_639, %get3A_640] {strides = array<i32>} : memref<1600x32xf32, #tpu.memory_space<vmem>>, vector<1x16xf32>,
        %get3A_642 = vector.shape_cast %get3A_641 : vector<1x16xf32> to vector<16xf32>
        %add3A_643 = arith.addf %add3A_611, %get3A_642 : vector<16xf32>
        %add3A_644 = arith.constant 6 : i32
        %add3A_645 = arith.addi %add3A_534, %add3A_644 : i32
        %add3A_646 = arith.constant 1 : i32
        %add3A_647 = arith.addi %add3A_645, %add3A_646 : i32
        %get3A_648 = arith.index_cast %add3A_647 : i32 to index
        %get3A_649 = arith.constant 0 : index
        %get3A_650 = tpu.vector_load %arg8[%get3A_648, %get3A_649] {strides = array<i32>} : memref<1600x32xf32, #tpu.memory_space<vmem>>, vector<1x16xf32>,
        %get3A_651 = vector.shape_cast %get3A_650 : vector<1x16xf32> to vector<16xf32>
        %add3A_652 = arith.addf %add3A_620, %get3A_651 : vector<16xf32>
        %add3A_653 = arith.constant 6 : i32
        %add3A_654 = arith.addi %add3A_534, %add3A_653 : i32
        %add3A_655 = arith.constant 1 : i32
        %add3A_656 = arith.addi %add3A_654, %add3A_655 : i32
        %get3A_657 = arith.index_cast %add3A_656 : i32 to index
        %get3A_658 = arith.constant 16 : index
        %get3A_659 = tpu.vector_load %arg8[%get3A_657, %get3A_658] {strides = array<i32>} : memref<1600x32xf32, #tpu.memory_space<vmem>>, vector<1x16xf32>,
        %get3A_660 = vector.shape_cast %get3A_659 : vector<1x16xf32> to vector<16xf32>
        %add3A_661 = arith.addf %add3A_629, %get3A_660 : vector<16xf32>
        scf.yield %add3A_636, %add3A_643, %add3A_652, %add3A_661 : vector<16xf32>, vector<16xf32>, vector<16xf32>, vector<16xf32>
      }
      %scan3A_399 = arith.constant 25 : i32
      %add3A_400 = arith.addf %scan3A_398#0, %scan3A_398#2 : vector<16xf32>
      %mul3A_401 = vector.broadcast %scan3A_30 : f32 to vector<16xf32>
      %mul3A_402 = arith.mulf %add3A_400, %mul3A_401 : vector<16xf32>
      %swap3A_403 = arith.constant 3 : i32
      %swap3A_404 = arith.index_cast %swap3A_403 : i32 to index
      %swap3A_405 = arith.constant 0 : index
      %swap3A_406 = tpu.vector_load %arg10[%swap3A_404, %swap3A_405] {strides = array<i32>} : memref<8x32xf32, #tpu.memory_space<vmem>>, vector<1x16xf32>,
      %swap3A_407 = vector.shape_cast %swap3A_406 : vector<1x16xf32> to vector<16xf32>
      %swap3A_408 = vector.shape_cast %mul3A_402 : vector<16xf32> to vector<1x16xf32>
      tpu.vector_store %arg10[%swap3A_404, %swap3A_405], %swap3A_408 {strides = array<i32>} : memref<8x32xf32, #tpu.memory_space<vmem>>, vector<1x16xf32>,
      %add3A_409 = arith.addf %scan3A_398#1, %scan3A_398#3 : vector<16xf32>
      %mul3A_410 = vector.broadcast %scan3A_30 : f32 to vector<16xf32>
      %mul3A_411 = arith.mulf %add3A_409, %mul3A_410 : vector<16xf32>
      %swap3A_412 = arith.constant 3 : i32
      %swap3A_413 = arith.index_cast %swap3A_412 : i32 to index
      %swap3A_414 = arith.constant 16 : index
      %swap3A_415 = tpu.vector_load %arg10[%swap3A_413, %swap3A_414] {strides = array<i32>} : memref<8x32xf32, #tpu.memory_space<vmem>>, vector<1x16xf32>,
      %swap3A_416 = vector.shape_cast %swap3A_415 : vector<1x16xf32> to vector<16xf32>
      %swap3A_417 = vector.shape_cast %mul3A_411 : vector<16xf32> to vector<1x16xf32>
      tpu.vector_store %arg10[%swap3A_413, %swap3A_414], %swap3A_417 {strides = array<i32>} : memref<8x32xf32, #tpu.memory_space<vmem>>, vector<1x16xf32>,
      %broadcast_in_dim3A_418 = arith.constant 0.000000e+00 : f32
      %broadcast_in_dim3A_419 = vector.broadcast %broadcast_in_dim3A_418 : f32 to vector<16xf32>
      %scan3A_420 = arith.constant 0 : i32
      %scan3A_421 = arith.constant 25 : i32
      %scan3A_422 = arith.addi %scan3A_420, %scan3A_421 : i32
      %scan3A_423 = arith.constant 1 : i32
      %scan3A_424:4 = scf.for %scan3A_526 = %scan3A_420 to %scan3A_422 step %scan3A_423 iter_args(%scan3A_527 = %broadcast_in_dim3A_419, %scan3A_528 = %broadcast_in_dim3A_419, %scan3A_529 = %broadcast_in_dim3A_419, %scan3A_530 = %broadcast_in_dim3A_419) -> (vector<16xf32>, vector<16xf32>, vector<16xf32>, vector<16xf32>)  : i32 {
        %mul3A_531 = arith.constant 8 : i32
        %mul3A_532 = arith.muli %scan3A_526, %mul3A_531 : i32
        %add3A_533 = arith.constant 800 : i32
        %add3A_534 = arith.addi %add3A_533, %mul3A_532 : i32
        %add3A_535 = arith.constant 0 : i32
        %add3A_536 = arith.addi %add3A_534, %add3A_535 : i32
        %get3A = arith.index_cast %add3A_536 : i32 to index
        %get3A_537 = arith.constant 0 : index
        %get3A_538 = tpu.vector_load %arg8[%get3A, %get3A_537] {strides = array<i32>} : memref<1600x32xf32, #tpu.memory_space<vmem>>, vector<1x16xf32>,
        %get3A_539 = vector.shape_cast %get3A_538 : vector<1x16xf32> to vector<16xf32>
        %add3A_540 = arith.addf %scan3A_527, %get3A_539 : vector<16xf32>
        %add3A_541 = arith.constant 0 : i32
        %add3A_542 = arith.addi %add3A_534, %add3A_541 : i32
        %get3A_543 = arith.index_cast %add3A_542 : i32 to index
        %get3A_544 = arith.constant 16 : index
        %get3A_545 = tpu.vector_load %arg8[%get3A_543, %get3A_544] {strides = array<i32>} : memref<1600x32xf32, #tpu.memory_space<vmem>>, vector<1x16xf32>,
        %get3A_546 = vector.shape_cast %get3A_545 : vector<1x16xf32> to vector<16xf32>
        %add3A_547 = arith.addf %scan3A_528, %get3A_546 : vector<16xf32>
        %add3A_548 = arith.constant 0 : i32
        %add3A_549 = arith.addi %add3A_534, %add3A_548 : i32
        %add3A_550 = arith.constant 1 : i32
        %add3A_551 = arith.addi %add3A_549, %add3A_550 : i32
        %get3A_552 = arith.index_cast %add3A_551 : i32 to index
        %get3A_553 = arith.constant 0 : index
        %get3A_554 = tpu.vector_load %arg8[%get3A_552, %get3A_553] {strides = array<i32>} : memref<1600x32xf32, #tpu.memory_space<vmem>>, vector<1x16xf32>,
        %get3A_555 = vector.shape_cast %get3A_554 : vector<1x16xf32> to vector<16xf32>
        %add3A_556 = arith.addf %scan3A_529, %get3A_555 : vector<16xf32>
        %add3A_557 = arith.constant 0 : i32
        %add3A_558 = arith.addi %add3A_534, %add3A_557 : i32
        %add3A_559 = arith.constant 1 : i32
        %add3A_560 = arith.addi %add3A_558, %add3A_559 : i32
        %get3A_561 = arith.index_cast %add3A_560 : i32 to index
        %get3A_562 = arith.constant 16 : index
        %get3A_563 = tpu.vector_load %arg8[%get3A_561, %get3A_562] {strides = array<i32>} : memref<1600x32xf32, #tpu.memory_space<vmem>>, vector<1x16xf32>,
        %get3A_564 = vector.shape_cast %get3A_563 : vector<1x16xf32> to vector<16xf32>
        %add3A_565 = arith.addf %scan3A_530, %get3A_564 : vector<16xf32>
        %add3A_566 = arith.constant 2 : i32
        %add3A_567 = arith.addi %add3A_534, %add3A_566 : i32
        %get3A_568 = arith.index_cast %add3A_567 : i32 to index
        %get3A_569 = arith.constant 0 : index
        %get3A_570 = tpu.vector_load %arg8[%get3A_568, %get3A_569] {strides = array<i32>} : memref<1600x32xf32, #tpu.memory_space<vmem>>, vector<1x16xf32>,
        %get3A_571 = vector.shape_cast %get3A_570 : vector<1x16xf32> to vector<16xf32>
        %add3A_572 = arith.addf %add3A_540, %get3A_571 : vector<16xf32>
        %add3A_573 = arith.constant 2 : i32
        %add3A_574 = arith.addi %add3A_534, %add3A_573 : i32
        %get3A_575 = arith.index_cast %add3A_574 : i32 to index
        %get3A_576 = arith.constant 16 : index
        %get3A_577 = tpu.vector_load %arg8[%get3A_575, %get3A_576] {strides = array<i32>} : memref<1600x32xf32, #tpu.memory_space<vmem>>, vector<1x16xf32>,
        %get3A_578 = vector.shape_cast %get3A_577 : vector<1x16xf32> to vector<16xf32>
        %add3A_579 = arith.addf %add3A_547, %get3A_578 : vector<16xf32>
        %add3A_580 = arith.constant 2 : i32
        %add3A_581 = arith.addi %add3A_534, %add3A_580 : i32
        %add3A_582 = arith.constant 1 : i32
        %add3A_583 = arith.addi %add3A_581, %add3A_582 : i32
        %get3A_584 = arith.index_cast %add3A_583 : i32 to index
        %get3A_585 = arith.constant 0 : index
        %get3A_586 = tpu.vector_load %arg8[%get3A_584, %get3A_585] {strides = array<i32>} : memref<1600x32xf32, #tpu.memory_space<vmem>>, vector<1x16xf32>,
        %get3A_587 = vector.shape_cast %get3A_586 : vector<1x16xf32> to vector<16xf32>
        %add3A_588 = arith.addf %add3A_556, %get3A_587 : vector<16xf32>
        %add3A_589 = arith.constant 2 : i32
        %add3A_590 = arith.addi %add3A_534, %add3A_589 : i32
        %add3A_591 = arith.constant 1 : i32
        %add3A_592 = arith.addi %add3A_590, %add3A_591 : i32
        %get3A_593 = arith.index_cast %add3A_592 : i32 to index
        %get3A_594 = arith.constant 16 : index
        %get3A_595 = tpu.vector_load %arg8[%get3A_593, %get3A_594] {strides = array<i32>} : memref<1600x32xf32, #tpu.memory_space<vmem>>, vector<1x16xf32>,
        %get3A_596 = vector.shape_cast %get3A_595 : vector<1x16xf32> to vector<16xf32>
        %add3A_597 = arith.addf %add3A_565, %get3A_596 : vector<16xf32>
        %add3A_598 = arith.constant 4 : i32
        %add3A_599 = arith.addi %add3A_534, %add3A_598 : i32
        %get3A_600 = arith.index_cast %add3A_599 : i32 to index
        %get3A_601 = arith.constant 0 : index
        %get3A_602 = tpu.vector_load %arg8[%get3A_600, %get3A_601] {strides = array<i32>} : memref<1600x32xf32, #tpu.memory_space<vmem>>, vector<1x16xf32>,
        %get3A_603 = vector.shape_cast %get3A_602 : vector<1x16xf32> to vector<16xf32>
        %add3A_604 = arith.addf %add3A_572, %get3A_603 : vector<16xf32>
        %add3A_605 = arith.constant 4 : i32
        %add3A_606 = arith.addi %add3A_534, %add3A_605 : i32
        %get3A_607 = arith.index_cast %add3A_606 : i32 to index
        %get3A_608 = arith.constant 16 : index
        %get3A_609 = tpu.vector_load %arg8[%get3A_607, %get3A_608] {strides = array<i32>} : memref<1600x32xf32, #tpu.memory_space<vmem>>, vector<1x16xf32>,
        %get3A_610 = vector.shape_cast %get3A_609 : vector<1x16xf32> to vector<16xf32>
        %add3A_611 = arith.addf %add3A_579, %get3A_610 : vector<16xf32>
        %add3A_612 = arith.constant 4 : i32
        %add3A_613 = arith.addi %add3A_534, %add3A_612 : i32
        %add3A_614 = arith.constant 1 : i32
        %add3A_615 = arith.addi %add3A_613, %add3A_614 : i32
        %get3A_616 = arith.index_cast %add3A_615 : i32 to index
        %get3A_617 = arith.constant 0 : index
        %get3A_618 = tpu.vector_load %arg8[%get3A_616, %get3A_617] {strides = array<i32>} : memref<1600x32xf32, #tpu.memory_space<vmem>>, vector<1x16xf32>,
        %get3A_619 = vector.shape_cast %get3A_618 : vector<1x16xf32> to vector<16xf32>
        %add3A_620 = arith.addf %add3A_588, %get3A_619 : vector<16xf32>
        %add3A_621 = arith.constant 4 : i32
        %add3A_622 = arith.addi %add3A_534, %add3A_621 : i32
        %add3A_623 = arith.constant 1 : i32
        %add3A_624 = arith.addi %add3A_622, %add3A_623 : i32
        %get3A_625 = arith.index_cast %add3A_624 : i32 to index
        %get3A_626 = arith.constant 16 : index
        %get3A_627 = tpu.vector_load %arg8[%get3A_625, %get3A_626] {strides = array<i32>} : memref<1600x32xf32, #tpu.memory_space<vmem>>, vector<1x16xf32>,
        %get3A_628 = vector.shape_cast %get3A_627 : vector<1x16xf32> to vector<16xf32>
        %add3A_629 = arith.addf %add3A_597, %get3A_628 : vector<16xf32>
        %add3A_630 = arith.constant 6 : i32
        %add3A_631 = arith.addi %add3A_534, %add3A_630 : i32
        %get3A_632 = arith.index_cast %add3A_631 : i32 to index
        %get3A_633 = arith.constant 0 : index
        %get3A_634 = tpu.vector_load %arg8[%get3A_632, %get3A_633] {strides = array<i32>} : memref<1600x32xf32, #tpu.memory_space<vmem>>, vector<1x16xf32>,
        %get3A_635 = vector.shape_cast %get3A_634 : vector<1x16xf32> to vector<16xf32>
        %add3A_636 = arith.addf %add3A_604, %get3A_635 : vector<16xf32>
        %add3A_637 = arith.constant 6 : i32
        %add3A_638 = arith.addi %add3A_534, %add3A_637 : i32
        %get3A_639 = arith.index_cast %add3A_638 : i32 to index
        %get3A_640 = arith.constant 16 : index
        %get3A_641 = tpu.vector_load %arg8[%get3A_639, %get3A_640] {strides = array<i32>} : memref<1600x32xf32, #tpu.memory_space<vmem>>, vector<1x16xf32>,
        %get3A_642 = vector.shape_cast %get3A_641 : vector<1x16xf32> to vector<16xf32>
        %add3A_643 = arith.addf %add3A_611, %get3A_642 : vector<16xf32>
        %add3A_644 = arith.constant 6 : i32
        %add3A_645 = arith.addi %add3A_534, %add3A_644 : i32
        %add3A_646 = arith.constant 1 : i32
        %add3A_647 = arith.addi %add3A_645, %add3A_646 : i32
        %get3A_648 = arith.index_cast %add3A_647 : i32 to index
        %get3A_649 = arith.constant 0 : index
        %get3A_650 = tpu.vector_load %arg8[%get3A_648, %get3A_649] {strides = array<i32>} : memref<1600x32xf32, #tpu.memory_space<vmem>>, vector<1x16xf32>,
        %get3A_651 = vector.shape_cast %get3A_650 : vector<1x16xf32> to vector<16xf32>
        %add3A_652 = arith.addf %add3A_620, %get3A_651 : vector<16xf32>
        %add3A_653 = arith.constant 6 : i32
        %add3A_654 = arith.addi %add3A_534, %add3A_653 : i32
        %add3A_655 = arith.constant 1 : i32
        %add3A_656 = arith.addi %add3A_654, %add3A_655 : i32
        %get3A_657 = arith.index_cast %add3A_656 : i32 to index
        %get3A_658 = arith.constant 16 : index
        %get3A_659 = tpu.vector_load %arg8[%get3A_657, %get3A_658] {strides = array<i32>} : memref<1600x32xf32, #tpu.memory_space<vmem>>, vector<1x16xf32>,
        %get3A_660 = vector.shape_cast %get3A_659 : vector<1x16xf32> to vector<16xf32>
        %add3A_661 = arith.addf %add3A_629, %get3A_660 : vector<16xf32>
        scf.yield %add3A_636, %add3A_643, %add3A_652, %add3A_661 : vector<16xf32>, vector<16xf32>, vector<16xf32>, vector<16xf32>
      }
      %scan3A_425 = arith.constant 25 : i32
      %add3A_426 = arith.addf %scan3A_424#0, %scan3A_424#2 : vector<16xf32>
      %mul3A_427 = vector.broadcast %scan3A_30 : f32 to vector<16xf32>
      %mul3A_428 = arith.mulf %add3A_426, %mul3A_427 : vector<16xf32>
      %swap3A_429 = arith.constant 4 : i32
      %swap3A_430 = arith.index_cast %swap3A_429 : i32 to index
      %swap3A_431 = arith.constant 0 : index
      %swap3A_432 = tpu.vector_load %arg10[%swap3A_430, %swap3A_431] {strides = array<i32>} : memref<8x32xf32, #tpu.memory_space<vmem>>, vector<1x16xf32>,
      %swap3A_433 = vector.shape_cast %swap3A_432 : vector<1x16xf32> to vector<16xf32>
      %swap3A_434 = vector.shape_cast %mul3A_428 : vector<16xf32> to vector<1x16xf32>
      tpu.vector_store %arg10[%swap3A_430, %swap3A_431], %swap3A_434 {strides = array<i32>} : memref<8x32xf32, #tpu.memory_space<vmem>>, vector<1x16xf32>,
      %add3A_435 = arith.addf %scan3A_424#1, %scan3A_424#3 : vector<16xf32>
      %mul3A_436 = vector.broadcast %scan3A_30 : f32 to vector<16xf32>
      %mul3A_437 = arith.mulf %add3A_435, %mul3A_436 : vector<16xf32>
      %swap3A_438 = arith.constant 4 : i32
      %swap3A_439 = arith.index_cast %swap3A_438 : i32 to index
      %swap3A_440 = arith.constant 16 : index
      %swap3A_441 = tpu.vector_load %arg10[%swap3A_439, %swap3A_440] {strides = array<i32>} : memref<8x32xf32, #tpu.memory_space<vmem>>, vector<1x16xf32>,
      %swap3A_442 = vector.shape_cast %swap3A_441 : vector<1x16xf32> to vector<16xf32>
      %swap3A_443 = vector.shape_cast %mul3A_437 : vector<16xf32> to vector<1x16xf32>
      tpu.vector_store %arg10[%swap3A_439, %swap3A_440], %swap3A_443 {strides = array<i32>} : memref<8x32xf32, #tpu.memory_space<vmem>>, vector<1x16xf32>,
      %broadcast_in_dim3A_444 = arith.constant 0.000000e+00 : f32
      %broadcast_in_dim3A_445 = vector.broadcast %broadcast_in_dim3A_444 : f32 to vector<16xf32>
      %scan3A_446 = arith.constant 0 : i32
      %scan3A_447 = arith.constant 25 : i32
      %scan3A_448 = arith.addi %scan3A_446, %scan3A_447 : i32
      %scan3A_449 = arith.constant 1 : i32
      %scan3A_450:4 = scf.for %scan3A_526 = %scan3A_446 to %scan3A_448 step %scan3A_449 iter_args(%scan3A_527 = %broadcast_in_dim3A_445, %scan3A_528 = %broadcast_in_dim3A_445, %scan3A_529 = %broadcast_in_dim3A_445, %scan3A_530 = %broadcast_in_dim3A_445) -> (vector<16xf32>, vector<16xf32>, vector<16xf32>, vector<16xf32>)  : i32 {
        %mul3A_531 = arith.constant 8 : i32
        %mul3A_532 = arith.muli %scan3A_526, %mul3A_531 : i32
        %add3A_533 = arith.constant 1000 : i32
        %add3A_534 = arith.addi %add3A_533, %mul3A_532 : i32
        %add3A_535 = arith.constant 0 : i32
        %add3A_536 = arith.addi %add3A_534, %add3A_535 : i32
        %get3A = arith.index_cast %add3A_536 : i32 to index
        %get3A_537 = arith.constant 0 : index
        %get3A_538 = tpu.vector_load %arg8[%get3A, %get3A_537] {strides = array<i32>} : memref<1600x32xf32, #tpu.memory_space<vmem>>, vector<1x16xf32>,
        %get3A_539 = vector.shape_cast %get3A_538 : vector<1x16xf32> to vector<16xf32>
        %add3A_540 = arith.addf %scan3A_527, %get3A_539 : vector<16xf32>
        %add3A_541 = arith.constant 0 : i32
        %add3A_542 = arith.addi %add3A_534, %add3A_541 : i32
        %get3A_543 = arith.index_cast %add3A_542 : i32 to index
        %get3A_544 = arith.constant 16 : index
        %get3A_545 = tpu.vector_load %arg8[%get3A_543, %get3A_544] {strides = array<i32>} : memref<1600x32xf32, #tpu.memory_space<vmem>>, vector<1x16xf32>,
        %get3A_546 = vector.shape_cast %get3A_545 : vector<1x16xf32> to vector<16xf32>
        %add3A_547 = arith.addf %scan3A_528, %get3A_546 : vector<16xf32>
        %add3A_548 = arith.constant 0 : i32
        %add3A_549 = arith.addi %add3A_534, %add3A_548 : i32
        %add3A_550 = arith.constant 1 : i32
        %add3A_551 = arith.addi %add3A_549, %add3A_550 : i32
        %get3A_552 = arith.index_cast %add3A_551 : i32 to index
        %get3A_553 = arith.constant 0 : index
        %get3A_554 = tpu.vector_load %arg8[%get3A_552, %get3A_553] {strides = array<i32>} : memref<1600x32xf32, #tpu.memory_space<vmem>>, vector<1x16xf32>,
        %get3A_555 = vector.shape_cast %get3A_554 : vector<1x16xf32> to vector<16xf32>
        %add3A_556 = arith.addf %scan3A_529, %get3A_555 : vector<16xf32>
        %add3A_557 = arith.constant 0 : i32
        %add3A_558 = arith.addi %add3A_534, %add3A_557 : i32
        %add3A_559 = arith.constant 1 : i32
        %add3A_560 = arith.addi %add3A_558, %add3A_559 : i32
        %get3A_561 = arith.index_cast %add3A_560 : i32 to index
        %get3A_562 = arith.constant 16 : index
        %get3A_563 = tpu.vector_load %arg8[%get3A_561, %get3A_562] {strides = array<i32>} : memref<1600x32xf32, #tpu.memory_space<vmem>>, vector<1x16xf32>,
        %get3A_564 = vector.shape_cast %get3A_563 : vector<1x16xf32> to vector<16xf32>
        %add3A_565 = arith.addf %scan3A_530, %get3A_564 : vector<16xf32>
        %add3A_566 = arith.constant 2 : i32
        %add3A_567 = arith.addi %add3A_534, %add3A_566 : i32
        %get3A_568 = arith.index_cast %add3A_567 : i32 to index
        %get3A_569 = arith.constant 0 : index
        %get3A_570 = tpu.vector_load %arg8[%get3A_568, %get3A_569] {strides = array<i32>} : memref<1600x32xf32, #tpu.memory_space<vmem>>, vector<1x16xf32>,
        %get3A_571 = vector.shape_cast %get3A_570 : vector<1x16xf32> to vector<16xf32>
        %add3A_572 = arith.addf %add3A_540, %get3A_571 : vector<16xf32>
        %add3A_573 = arith.constant 2 : i32
        %add3A_574 = arith.addi %add3A_534, %add3A_573 : i32
        %get3A_575 = arith.index_cast %add3A_574 : i32 to index
        %get3A_576 = arith.constant 16 : index
        %get3A_577 = tpu.vector_load %arg8[%get3A_575, %get3A_576] {strides = array<i32>} : memref<1600x32xf32, #tpu.memory_space<vmem>>, vector<1x16xf32>,
        %get3A_578 = vector.shape_cast %get3A_577 : vector<1x16xf32> to vector<16xf32>
        %add3A_579 = arith.addf %add3A_547, %get3A_578 : vector<16xf32>
        %add3A_580 = arith.constant 2 : i32
        %add3A_581 = arith.addi %add3A_534, %add3A_580 : i32
        %add3A_582 = arith.constant 1 : i32
        %add3A_583 = arith.addi %add3A_581, %add3A_582 : i32
        %get3A_584 = arith.index_cast %add3A_583 : i32 to index
        %get3A_585 = arith.constant 0 : index
        %get3A_586 = tpu.vector_load %arg8[%get3A_584, %get3A_585] {strides = array<i32>} : memref<1600x32xf32, #tpu.memory_space<vmem>>, vector<1x16xf32>,
        %get3A_587 = vector.shape_cast %get3A_586 : vector<1x16xf32> to vector<16xf32>
        %add3A_588 = arith.addf %add3A_556, %get3A_587 : vector<16xf32>
        %add3A_589 = arith.constant 2 : i32
        %add3A_590 = arith.addi %add3A_534, %add3A_589 : i32
        %add3A_591 = arith.constant 1 : i32
        %add3A_592 = arith.addi %add3A_590, %add3A_591 : i32
        %get3A_593 = arith.index_cast %add3A_592 : i32 to index
        %get3A_594 = arith.constant 16 : index
        %get3A_595 = tpu.vector_load %arg8[%get3A_593, %get3A_594] {strides = array<i32>} : memref<1600x32xf32, #tpu.memory_space<vmem>>, vector<1x16xf32>,
        %get3A_596 = vector.shape_cast %get3A_595 : vector<1x16xf32> to vector<16xf32>
        %add3A_597 = arith.addf %add3A_565, %get3A_596 : vector<16xf32>
        %add3A_598 = arith.constant 4 : i32
        %add3A_599 = arith.addi %add3A_534, %add3A_598 : i32
        %get3A_600 = arith.index_cast %add3A_599 : i32 to index
        %get3A_601 = arith.constant 0 : index
        %get3A_602 = tpu.vector_load %arg8[%get3A_600, %get3A_601] {strides = array<i32>} : memref<1600x32xf32, #tpu.memory_space<vmem>>, vector<1x16xf32>,
        %get3A_603 = vector.shape_cast %get3A_602 : vector<1x16xf32> to vector<16xf32>
        %add3A_604 = arith.addf %add3A_572, %get3A_603 : vector<16xf32>
        %add3A_605 = arith.constant 4 : i32
        %add3A_606 = arith.addi %add3A_534, %add3A_605 : i32
        %get3A_607 = arith.index_cast %add3A_606 : i32 to index
        %get3A_608 = arith.constant 16 : index
        %get3A_609 = tpu.vector_load %arg8[%get3A_607, %get3A_608] {strides = array<i32>} : memref<1600x32xf32, #tpu.memory_space<vmem>>, vector<1x16xf32>,
        %get3A_610 = vector.shape_cast %get3A_609 : vector<1x16xf32> to vector<16xf32>
        %add3A_611 = arith.addf %add3A_579, %get3A_610 : vector<16xf32>
        %add3A_612 = arith.constant 4 : i32
        %add3A_613 = arith.addi %add3A_534, %add3A_612 : i32
        %add3A_614 = arith.constant 1 : i32
        %add3A_615 = arith.addi %add3A_613, %add3A_614 : i32
        %get3A_616 = arith.index_cast %add3A_615 : i32 to index
        %get3A_617 = arith.constant 0 : index
        %get3A_618 = tpu.vector_load %arg8[%get3A_616, %get3A_617] {strides = array<i32>} : memref<1600x32xf32, #tpu.memory_space<vmem>>, vector<1x16xf32>,
        %get3A_619 = vector.shape_cast %get3A_618 : vector<1x16xf32> to vector<16xf32>
        %add3A_620 = arith.addf %add3A_588, %get3A_619 : vector<16xf32>
        %add3A_621 = arith.constant 4 : i32
        %add3A_622 = arith.addi %add3A_534, %add3A_621 : i32
        %add3A_623 = arith.constant 1 : i32
        %add3A_624 = arith.addi %add3A_622, %add3A_623 : i32
        %get3A_625 = arith.index_cast %add3A_624 : i32 to index
        %get3A_626 = arith.constant 16 : index
        %get3A_627 = tpu.vector_load %arg8[%get3A_625, %get3A_626] {strides = array<i32>} : memref<1600x32xf32, #tpu.memory_space<vmem>>, vector<1x16xf32>,
        %get3A_628 = vector.shape_cast %get3A_627 : vector<1x16xf32> to vector<16xf32>
        %add3A_629 = arith.addf %add3A_597, %get3A_628 : vector<16xf32>
        %add3A_630 = arith.constant 6 : i32
        %add3A_631 = arith.addi %add3A_534, %add3A_630 : i32
        %get3A_632 = arith.index_cast %add3A_631 : i32 to index
        %get3A_633 = arith.constant 0 : index
        %get3A_634 = tpu.vector_load %arg8[%get3A_632, %get3A_633] {strides = array<i32>} : memref<1600x32xf32, #tpu.memory_space<vmem>>, vector<1x16xf32>,
        %get3A_635 = vector.shape_cast %get3A_634 : vector<1x16xf32> to vector<16xf32>
        %add3A_636 = arith.addf %add3A_604, %get3A_635 : vector<16xf32>
        %add3A_637 = arith.constant 6 : i32
        %add3A_638 = arith.addi %add3A_534, %add3A_637 : i32
        %get3A_639 = arith.index_cast %add3A_638 : i32 to index
        %get3A_640 = arith.constant 16 : index
        %get3A_641 = tpu.vector_load %arg8[%get3A_639, %get3A_640] {strides = array<i32>} : memref<1600x32xf32, #tpu.memory_space<vmem>>, vector<1x16xf32>,
        %get3A_642 = vector.shape_cast %get3A_641 : vector<1x16xf32> to vector<16xf32>
        %add3A_643 = arith.addf %add3A_611, %get3A_642 : vector<16xf32>
        %add3A_644 = arith.constant 6 : i32
        %add3A_645 = arith.addi %add3A_534, %add3A_644 : i32
        %add3A_646 = arith.constant 1 : i32
        %add3A_647 = arith.addi %add3A_645, %add3A_646 : i32
        %get3A_648 = arith.index_cast %add3A_647 : i32 to index
        %get3A_649 = arith.constant 0 : index
        %get3A_650 = tpu.vector_load %arg8[%get3A_648, %get3A_649] {strides = array<i32>} : memref<1600x32xf32, #tpu.memory_space<vmem>>, vector<1x16xf32>,
        %get3A_651 = vector.shape_cast %get3A_650 : vector<1x16xf32> to vector<16xf32>
        %add3A_652 = arith.addf %add3A_620, %get3A_651 : vector<16xf32>
        %add3A_653 = arith.constant 6 : i32
        %add3A_654 = arith.addi %add3A_534, %add3A_653 : i32
        %add3A_655 = arith.constant 1 : i32
        %add3A_656 = arith.addi %add3A_654, %add3A_655 : i32
        %get3A_657 = arith.index_cast %add3A_656 : i32 to index
        %get3A_658 = arith.constant 16 : index
        %get3A_659 = tpu.vector_load %arg8[%get3A_657, %get3A_658] {strides = array<i32>} : memref<1600x32xf32, #tpu.memory_space<vmem>>, vector<1x16xf32>,
        %get3A_660 = vector.shape_cast %get3A_659 : vector<1x16xf32> to vector<16xf32>
        %add3A_661 = arith.addf %add3A_629, %get3A_660 : vector<16xf32>
        scf.yield %add3A_636, %add3A_643, %add3A_652, %add3A_661 : vector<16xf32>, vector<16xf32>, vector<16xf32>, vector<16xf32>
      }
      %scan3A_451 = arith.constant 25 : i32
      %add3A_452 = arith.addf %scan3A_450#0, %scan3A_450#2 : vector<16xf32>
      %mul3A_453 = vector.broadcast %scan3A_30 : f32 to vector<16xf32>
      %mul3A_454 = arith.mulf %add3A_452, %mul3A_453 : vector<16xf32>
      %swap3A_455 = arith.constant 5 : i32
      %swap3A_456 = arith.index_cast %swap3A_455 : i32 to index
      %swap3A_457 = arith.constant 0 : index
      %swap3A_458 = tpu.vector_load %arg10[%swap3A_456, %swap3A_457] {strides = array<i32>} : memref<8x32xf32, #tpu.memory_space<vmem>>, vector<1x16xf32>,
      %swap3A_459 = vector.shape_cast %swap3A_458 : vector<1x16xf32> to vector<16xf32>
      %swap3A_460 = vector.shape_cast %mul3A_454 : vector<16xf32> to vector<1x16xf32>
      tpu.vector_store %arg10[%swap3A_456, %swap3A_457], %swap3A_460 {strides = array<i32>} : memref<8x32xf32, #tpu.memory_space<vmem>>, vector<1x16xf32>,
      %add3A_461 = arith.addf %scan3A_450#1, %scan3A_450#3 : vector<16xf32>
      %mul3A_462 = vector.broadcast %scan3A_30 : f32 to vector<16xf32>
      %mul3A_463 = arith.mulf %add3A_461, %mul3A_462 : vector<16xf32>
      %swap3A_464 = arith.constant 5 : i32
      %swap3A_465 = arith.index_cast %swap3A_464 : i32 to index
      %swap3A_466 = arith.constant 16 : index
      %swap3A_467 = tpu.vector_load %arg10[%swap3A_465, %swap3A_466] {strides = array<i32>} : memref<8x32xf32, #tpu.memory_space<vmem>>, vector<1x16xf32>,
      %swap3A_468 = vector.shape_cast %swap3A_467 : vector<1x16xf32> to vector<16xf32>
      %swap3A_469 = vector.shape_cast %mul3A_463 : vector<16xf32> to vector<1x16xf32>
      tpu.vector_store %arg10[%swap3A_465, %swap3A_466], %swap3A_469 {strides = array<i32>} : memref<8x32xf32, #tpu.memory_space<vmem>>, vector<1x16xf32>,
      %broadcast_in_dim3A_470 = arith.constant 0.000000e+00 : f32
      %broadcast_in_dim3A_471 = vector.broadcast %broadcast_in_dim3A_470 : f32 to vector<16xf32>
      %scan3A_472 = arith.constant 0 : i32
      %scan3A_473 = arith.constant 25 : i32
      %scan3A_474 = arith.addi %scan3A_472, %scan3A_473 : i32
      %scan3A_475 = arith.constant 1 : i32
      %scan3A_476:4 = scf.for %scan3A_526 = %scan3A_472 to %scan3A_474 step %scan3A_475 iter_args(%scan3A_527 = %broadcast_in_dim3A_471, %scan3A_528 = %broadcast_in_dim3A_471, %scan3A_529 = %broadcast_in_dim3A_471, %scan3A_530 = %broadcast_in_dim3A_471) -> (vector<16xf32>, vector<16xf32>, vector<16xf32>, vector<16xf32>)  : i32 {
        %mul3A_531 = arith.constant 8 : i32
        %mul3A_532 = arith.muli %scan3A_526, %mul3A_531 : i32
        %add3A_533 = arith.constant 1200 : i32
        %add3A_534 = arith.addi %add3A_533, %mul3A_532 : i32
        %add3A_535 = arith.constant 0 : i32
        %add3A_536 = arith.addi %add3A_534, %add3A_535 : i32
        %get3A = arith.index_cast %add3A_536 : i32 to index
        %get3A_537 = arith.constant 0 : index
        %get3A_538 = tpu.vector_load %arg8[%get3A, %get3A_537] {strides = array<i32>} : memref<1600x32xf32, #tpu.memory_space<vmem>>, vector<1x16xf32>,
        %get3A_539 = vector.shape_cast %get3A_538 : vector<1x16xf32> to vector<16xf32>
        %add3A_540 = arith.addf %scan3A_527, %get3A_539 : vector<16xf32>
        %add3A_541 = arith.constant 0 : i32
        %add3A_542 = arith.addi %add3A_534, %add3A_541 : i32
        %get3A_543 = arith.index_cast %add3A_542 : i32 to index
        %get3A_544 = arith.constant 16 : index
        %get3A_545 = tpu.vector_load %arg8[%get3A_543, %get3A_544] {strides = array<i32>} : memref<1600x32xf32, #tpu.memory_space<vmem>>, vector<1x16xf32>,
        %get3A_546 = vector.shape_cast %get3A_545 : vector<1x16xf32> to vector<16xf32>
        %add3A_547 = arith.addf %scan3A_528, %get3A_546 : vector<16xf32>
        %add3A_548 = arith.constant 0 : i32
        %add3A_549 = arith.addi %add3A_534, %add3A_548 : i32
        %add3A_550 = arith.constant 1 : i32
        %add3A_551 = arith.addi %add3A_549, %add3A_550 : i32
        %get3A_552 = arith.index_cast %add3A_551 : i32 to index
        %get3A_553 = arith.constant 0 : index
        %get3A_554 = tpu.vector_load %arg8[%get3A_552, %get3A_553] {strides = array<i32>} : memref<1600x32xf32, #tpu.memory_space<vmem>>, vector<1x16xf32>,
        %get3A_555 = vector.shape_cast %get3A_554 : vector<1x16xf32> to vector<16xf32>
        %add3A_556 = arith.addf %scan3A_529, %get3A_555 : vector<16xf32>
        %add3A_557 = arith.constant 0 : i32
        %add3A_558 = arith.addi %add3A_534, %add3A_557 : i32
        %add3A_559 = arith.constant 1 : i32
        %add3A_560 = arith.addi %add3A_558, %add3A_559 : i32
        %get3A_561 = arith.index_cast %add3A_560 : i32 to index
        %get3A_562 = arith.constant 16 : index
        %get3A_563 = tpu.vector_load %arg8[%get3A_561, %get3A_562] {strides = array<i32>} : memref<1600x32xf32, #tpu.memory_space<vmem>>, vector<1x16xf32>,
        %get3A_564 = vector.shape_cast %get3A_563 : vector<1x16xf32> to vector<16xf32>
        %add3A_565 = arith.addf %scan3A_530, %get3A_564 : vector<16xf32>
        %add3A_566 = arith.constant 2 : i32
        %add3A_567 = arith.addi %add3A_534, %add3A_566 : i32
        %get3A_568 = arith.index_cast %add3A_567 : i32 to index
        %get3A_569 = arith.constant 0 : index
        %get3A_570 = tpu.vector_load %arg8[%get3A_568, %get3A_569] {strides = array<i32>} : memref<1600x32xf32, #tpu.memory_space<vmem>>, vector<1x16xf32>,
        %get3A_571 = vector.shape_cast %get3A_570 : vector<1x16xf32> to vector<16xf32>
        %add3A_572 = arith.addf %add3A_540, %get3A_571 : vector<16xf32>
        %add3A_573 = arith.constant 2 : i32
        %add3A_574 = arith.addi %add3A_534, %add3A_573 : i32
        %get3A_575 = arith.index_cast %add3A_574 : i32 to index
        %get3A_576 = arith.constant 16 : index
        %get3A_577 = tpu.vector_load %arg8[%get3A_575, %get3A_576] {strides = array<i32>} : memref<1600x32xf32, #tpu.memory_space<vmem>>, vector<1x16xf32>,
        %get3A_578 = vector.shape_cast %get3A_577 : vector<1x16xf32> to vector<16xf32>
        %add3A_579 = arith.addf %add3A_547, %get3A_578 : vector<16xf32>
        %add3A_580 = arith.constant 2 : i32
        %add3A_581 = arith.addi %add3A_534, %add3A_580 : i32
        %add3A_582 = arith.constant 1 : i32
        %add3A_583 = arith.addi %add3A_581, %add3A_582 : i32
        %get3A_584 = arith.index_cast %add3A_583 : i32 to index
        %get3A_585 = arith.constant 0 : index
        %get3A_586 = tpu.vector_load %arg8[%get3A_584, %get3A_585] {strides = array<i32>} : memref<1600x32xf32, #tpu.memory_space<vmem>>, vector<1x16xf32>,
        %get3A_587 = vector.shape_cast %get3A_586 : vector<1x16xf32> to vector<16xf32>
        %add3A_588 = arith.addf %add3A_556, %get3A_587 : vector<16xf32>
        %add3A_589 = arith.constant 2 : i32
        %add3A_590 = arith.addi %add3A_534, %add3A_589 : i32
        %add3A_591 = arith.constant 1 : i32
        %add3A_592 = arith.addi %add3A_590, %add3A_591 : i32
        %get3A_593 = arith.index_cast %add3A_592 : i32 to index
        %get3A_594 = arith.constant 16 : index
        %get3A_595 = tpu.vector_load %arg8[%get3A_593, %get3A_594] {strides = array<i32>} : memref<1600x32xf32, #tpu.memory_space<vmem>>, vector<1x16xf32>,
        %get3A_596 = vector.shape_cast %get3A_595 : vector<1x16xf32> to vector<16xf32>
        %add3A_597 = arith.addf %add3A_565, %get3A_596 : vector<16xf32>
        %add3A_598 = arith.constant 4 : i32
        %add3A_599 = arith.addi %add3A_534, %add3A_598 : i32
        %get3A_600 = arith.index_cast %add3A_599 : i32 to index
        %get3A_601 = arith.constant 0 : index
        %get3A_602 = tpu.vector_load %arg8[%get3A_600, %get3A_601] {strides = array<i32>} : memref<1600x32xf32, #tpu.memory_space<vmem>>, vector<1x16xf32>,
        %get3A_603 = vector.shape_cast %get3A_602 : vector<1x16xf32> to vector<16xf32>
        %add3A_604 = arith.addf %add3A_572, %get3A_603 : vector<16xf32>
        %add3A_605 = arith.constant 4 : i32
        %add3A_606 = arith.addi %add3A_534, %add3A_605 : i32
        %get3A_607 = arith.index_cast %add3A_606 : i32 to index
        %get3A_608 = arith.constant 16 : index
        %get3A_609 = tpu.vector_load %arg8[%get3A_607, %get3A_608] {strides = array<i32>} : memref<1600x32xf32, #tpu.memory_space<vmem>>, vector<1x16xf32>,
        %get3A_610 = vector.shape_cast %get3A_609 : vector<1x16xf32> to vector<16xf32>
        %add3A_611 = arith.addf %add3A_579, %get3A_610 : vector<16xf32>
        %add3A_612 = arith.constant 4 : i32
        %add3A_613 = arith.addi %add3A_534, %add3A_612 : i32
        %add3A_614 = arith.constant 1 : i32
        %add3A_615 = arith.addi %add3A_613, %add3A_614 : i32
        %get3A_616 = arith.index_cast %add3A_615 : i32 to index
        %get3A_617 = arith.constant 0 : index
        %get3A_618 = tpu.vector_load %arg8[%get3A_616, %get3A_617] {strides = array<i32>} : memref<1600x32xf32, #tpu.memory_space<vmem>>, vector<1x16xf32>,
        %get3A_619 = vector.shape_cast %get3A_618 : vector<1x16xf32> to vector<16xf32>
        %add3A_620 = arith.addf %add3A_588, %get3A_619 : vector<16xf32>
        %add3A_621 = arith.constant 4 : i32
        %add3A_622 = arith.addi %add3A_534, %add3A_621 : i32
        %add3A_623 = arith.constant 1 : i32
        %add3A_624 = arith.addi %add3A_622, %add3A_623 : i32
        %get3A_625 = arith.index_cast %add3A_624 : i32 to index
        %get3A_626 = arith.constant 16 : index
        %get3A_627 = tpu.vector_load %arg8[%get3A_625, %get3A_626] {strides = array<i32>} : memref<1600x32xf32, #tpu.memory_space<vmem>>, vector<1x16xf32>,
        %get3A_628 = vector.shape_cast %get3A_627 : vector<1x16xf32> to vector<16xf32>
        %add3A_629 = arith.addf %add3A_597, %get3A_628 : vector<16xf32>
        %add3A_630 = arith.constant 6 : i32
        %add3A_631 = arith.addi %add3A_534, %add3A_630 : i32
        %get3A_632 = arith.index_cast %add3A_631 : i32 to index
        %get3A_633 = arith.constant 0 : index
        %get3A_634 = tpu.vector_load %arg8[%get3A_632, %get3A_633] {strides = array<i32>} : memref<1600x32xf32, #tpu.memory_space<vmem>>, vector<1x16xf32>,
        %get3A_635 = vector.shape_cast %get3A_634 : vector<1x16xf32> to vector<16xf32>
        %add3A_636 = arith.addf %add3A_604, %get3A_635 : vector<16xf32>
        %add3A_637 = arith.constant 6 : i32
        %add3A_638 = arith.addi %add3A_534, %add3A_637 : i32
        %get3A_639 = arith.index_cast %add3A_638 : i32 to index
        %get3A_640 = arith.constant 16 : index
        %get3A_641 = tpu.vector_load %arg8[%get3A_639, %get3A_640] {strides = array<i32>} : memref<1600x32xf32, #tpu.memory_space<vmem>>, vector<1x16xf32>,
        %get3A_642 = vector.shape_cast %get3A_641 : vector<1x16xf32> to vector<16xf32>
        %add3A_643 = arith.addf %add3A_611, %get3A_642 : vector<16xf32>
        %add3A_644 = arith.constant 6 : i32
        %add3A_645 = arith.addi %add3A_534, %add3A_644 : i32
        %add3A_646 = arith.constant 1 : i32
        %add3A_647 = arith.addi %add3A_645, %add3A_646 : i32
        %get3A_648 = arith.index_cast %add3A_647 : i32 to index
        %get3A_649 = arith.constant 0 : index
        %get3A_650 = tpu.vector_load %arg8[%get3A_648, %get3A_649] {strides = array<i32>} : memref<1600x32xf32, #tpu.memory_space<vmem>>, vector<1x16xf32>,
        %get3A_651 = vector.shape_cast %get3A_650 : vector<1x16xf32> to vector<16xf32>
        %add3A_652 = arith.addf %add3A_620, %get3A_651 : vector<16xf32>
        %add3A_653 = arith.constant 6 : i32
        %add3A_654 = arith.addi %add3A_534, %add3A_653 : i32
        %add3A_655 = arith.constant 1 : i32
        %add3A_656 = arith.addi %add3A_654, %add3A_655 : i32
        %get3A_657 = arith.index_cast %add3A_656 : i32 to index
        %get3A_658 = arith.constant 16 : index
        %get3A_659 = tpu.vector_load %arg8[%get3A_657, %get3A_658] {strides = array<i32>} : memref<1600x32xf32, #tpu.memory_space<vmem>>, vector<1x16xf32>,
        %get3A_660 = vector.shape_cast %get3A_659 : vector<1x16xf32> to vector<16xf32>
        %add3A_661 = arith.addf %add3A_629, %get3A_660 : vector<16xf32>
        scf.yield %add3A_636, %add3A_643, %add3A_652, %add3A_661 : vector<16xf32>, vector<16xf32>, vector<16xf32>, vector<16xf32>
      }
      %scan3A_477 = arith.constant 25 : i32
      %add3A_478 = arith.addf %scan3A_476#0, %scan3A_476#2 : vector<16xf32>
      %mul3A_479 = vector.broadcast %scan3A_30 : f32 to vector<16xf32>
      %mul3A_480 = arith.mulf %add3A_478, %mul3A_479 : vector<16xf32>
      %swap3A_481 = arith.constant 6 : i32
      %swap3A_482 = arith.index_cast %swap3A_481 : i32 to index
      %swap3A_483 = arith.constant 0 : index
      %swap3A_484 = tpu.vector_load %arg10[%swap3A_482, %swap3A_483] {strides = array<i32>} : memref<8x32xf32, #tpu.memory_space<vmem>>, vector<1x16xf32>,
      %swap3A_485 = vector.shape_cast %swap3A_484 : vector<1x16xf32> to vector<16xf32>
      %swap3A_486 = vector.shape_cast %mul3A_480 : vector<16xf32> to vector<1x16xf32>
      tpu.vector_store %arg10[%swap3A_482, %swap3A_483], %swap3A_486 {strides = array<i32>} : memref<8x32xf32, #tpu.memory_space<vmem>>, vector<1x16xf32>,
      %add3A_487 = arith.addf %scan3A_476#1, %scan3A_476#3 : vector<16xf32>
      %mul3A_488 = vector.broadcast %scan3A_30 : f32 to vector<16xf32>
      %mul3A_489 = arith.mulf %add3A_487, %mul3A_488 : vector<16xf32>
      %swap3A_490 = arith.constant 6 : i32
      %swap3A_491 = arith.index_cast %swap3A_490 : i32 to index
      %swap3A_492 = arith.constant 16 : index
      %swap3A_493 = tpu.vector_load %arg10[%swap3A_491, %swap3A_492] {strides = array<i32>} : memref<8x32xf32, #tpu.memory_space<vmem>>, vector<1x16xf32>,
      %swap3A_494 = vector.shape_cast %swap3A_493 : vector<1x16xf32> to vector<16xf32>
      %swap3A_495 = vector.shape_cast %mul3A_489 : vector<16xf32> to vector<1x16xf32>
      tpu.vector_store %arg10[%swap3A_491, %swap3A_492], %swap3A_495 {strides = array<i32>} : memref<8x32xf32, #tpu.memory_space<vmem>>, vector<1x16xf32>,
      %broadcast_in_dim3A_496 = arith.constant 0.000000e+00 : f32
      %broadcast_in_dim3A_497 = vector.broadcast %broadcast_in_dim3A_496 : f32 to vector<16xf32>
      %scan3A_498 = arith.constant 0 : i32
      %scan3A_499 = arith.constant 25 : i32
      %scan3A_500 = arith.addi %scan3A_498, %scan3A_499 : i32
      %scan3A_501 = arith.constant 1 : i32
      %scan3A_502:4 = scf.for %scan3A_526 = %scan3A_498 to %scan3A_500 step %scan3A_501 iter_args(%scan3A_527 = %broadcast_in_dim3A_497, %scan3A_528 = %broadcast_in_dim3A_497, %scan3A_529 = %broadcast_in_dim3A_497, %scan3A_530 = %broadcast_in_dim3A_497) -> (vector<16xf32>, vector<16xf32>, vector<16xf32>, vector<16xf32>)  : i32 {
        %mul3A_531 = arith.constant 8 : i32
        %mul3A_532 = arith.muli %scan3A_526, %mul3A_531 : i32
        %add3A_533 = arith.constant 1400 : i32
        %add3A_534 = arith.addi %add3A_533, %mul3A_532 : i32
        %add3A_535 = arith.constant 0 : i32
        %add3A_536 = arith.addi %add3A_534, %add3A_535 : i32
        %get3A = arith.index_cast %add3A_536 : i32 to index
        %get3A_537 = arith.constant 0 : index
        %get3A_538 = tpu.vector_load %arg8[%get3A, %get3A_537] {strides = array<i32>} : memref<1600x32xf32, #tpu.memory_space<vmem>>, vector<1x16xf32>,
        %get3A_539 = vector.shape_cast %get3A_538 : vector<1x16xf32> to vector<16xf32>
        %add3A_540 = arith.addf %scan3A_527, %get3A_539 : vector<16xf32>
        %add3A_541 = arith.constant 0 : i32
        %add3A_542 = arith.addi %add3A_534, %add3A_541 : i32
        %get3A_543 = arith.index_cast %add3A_542 : i32 to index
        %get3A_544 = arith.constant 16 : index
        %get3A_545 = tpu.vector_load %arg8[%get3A_543, %get3A_544] {strides = array<i32>} : memref<1600x32xf32, #tpu.memory_space<vmem>>, vector<1x16xf32>,
        %get3A_546 = vector.shape_cast %get3A_545 : vector<1x16xf32> to vector<16xf32>
        %add3A_547 = arith.addf %scan3A_528, %get3A_546 : vector<16xf32>
        %add3A_548 = arith.constant 0 : i32
        %add3A_549 = arith.addi %add3A_534, %add3A_548 : i32
        %add3A_550 = arith.constant 1 : i32
        %add3A_551 = arith.addi %add3A_549, %add3A_550 : i32
        %get3A_552 = arith.index_cast %add3A_551 : i32 to index
        %get3A_553 = arith.constant 0 : index
        %get3A_554 = tpu.vector_load %arg8[%get3A_552, %get3A_553] {strides = array<i32>} : memref<1600x32xf32, #tpu.memory_space<vmem>>, vector<1x16xf32>,
        %get3A_555 = vector.shape_cast %get3A_554 : vector<1x16xf32> to vector<16xf32>
        %add3A_556 = arith.addf %scan3A_529, %get3A_555 : vector<16xf32>
        %add3A_557 = arith.constant 0 : i32
        %add3A_558 = arith.addi %add3A_534, %add3A_557 : i32
        %add3A_559 = arith.constant 1 : i32
        %add3A_560 = arith.addi %add3A_558, %add3A_559 : i32
        %get3A_561 = arith.index_cast %add3A_560 : i32 to index
        %get3A_562 = arith.constant 16 : index
        %get3A_563 = tpu.vector_load %arg8[%get3A_561, %get3A_562] {strides = array<i32>} : memref<1600x32xf32, #tpu.memory_space<vmem>>, vector<1x16xf32>,
        %get3A_564 = vector.shape_cast %get3A_563 : vector<1x16xf32> to vector<16xf32>
        %add3A_565 = arith.addf %scan3A_530, %get3A_564 : vector<16xf32>
        %add3A_566 = arith.constant 2 : i32
        %add3A_567 = arith.addi %add3A_534, %add3A_566 : i32
        %get3A_568 = arith.index_cast %add3A_567 : i32 to index
        %get3A_569 = arith.constant 0 : index
        %get3A_570 = tpu.vector_load %arg8[%get3A_568, %get3A_569] {strides = array<i32>} : memref<1600x32xf32, #tpu.memory_space<vmem>>, vector<1x16xf32>,
        %get3A_571 = vector.shape_cast %get3A_570 : vector<1x16xf32> to vector<16xf32>
        %add3A_572 = arith.addf %add3A_540, %get3A_571 : vector<16xf32>
        %add3A_573 = arith.constant 2 : i32
        %add3A_574 = arith.addi %add3A_534, %add3A_573 : i32
        %get3A_575 = arith.index_cast %add3A_574 : i32 to index
        %get3A_576 = arith.constant 16 : index
        %get3A_577 = tpu.vector_load %arg8[%get3A_575, %get3A_576] {strides = array<i32>} : memref<1600x32xf32, #tpu.memory_space<vmem>>, vector<1x16xf32>,
        %get3A_578 = vector.shape_cast %get3A_577 : vector<1x16xf32> to vector<16xf32>
        %add3A_579 = arith.addf %add3A_547, %get3A_578 : vector<16xf32>
        %add3A_580 = arith.constant 2 : i32
        %add3A_581 = arith.addi %add3A_534, %add3A_580 : i32
        %add3A_582 = arith.constant 1 : i32
        %add3A_583 = arith.addi %add3A_581, %add3A_582 : i32
        %get3A_584 = arith.index_cast %add3A_583 : i32 to index
        %get3A_585 = arith.constant 0 : index
        %get3A_586 = tpu.vector_load %arg8[%get3A_584, %get3A_585] {strides = array<i32>} : memref<1600x32xf32, #tpu.memory_space<vmem>>, vector<1x16xf32>,
        %get3A_587 = vector.shape_cast %get3A_586 : vector<1x16xf32> to vector<16xf32>
        %add3A_588 = arith.addf %add3A_556, %get3A_587 : vector<16xf32>
        %add3A_589 = arith.constant 2 : i32
        %add3A_590 = arith.addi %add3A_534, %add3A_589 : i32
        %add3A_591 = arith.constant 1 : i32
        %add3A_592 = arith.addi %add3A_590, %add3A_591 : i32
        %get3A_593 = arith.index_cast %add3A_592 : i32 to index
        %get3A_594 = arith.constant 16 : index
        %get3A_595 = tpu.vector_load %arg8[%get3A_593, %get3A_594] {strides = array<i32>} : memref<1600x32xf32, #tpu.memory_space<vmem>>, vector<1x16xf32>,
        %get3A_596 = vector.shape_cast %get3A_595 : vector<1x16xf32> to vector<16xf32>
        %add3A_597 = arith.addf %add3A_565, %get3A_596 : vector<16xf32>
        %add3A_598 = arith.constant 4 : i32
        %add3A_599 = arith.addi %add3A_534, %add3A_598 : i32
        %get3A_600 = arith.index_cast %add3A_599 : i32 to index
        %get3A_601 = arith.constant 0 : index
        %get3A_602 = tpu.vector_load %arg8[%get3A_600, %get3A_601] {strides = array<i32>} : memref<1600x32xf32, #tpu.memory_space<vmem>>, vector<1x16xf32>,
        %get3A_603 = vector.shape_cast %get3A_602 : vector<1x16xf32> to vector<16xf32>
        %add3A_604 = arith.addf %add3A_572, %get3A_603 : vector<16xf32>
        %add3A_605 = arith.constant 4 : i32
        %add3A_606 = arith.addi %add3A_534, %add3A_605 : i32
        %get3A_607 = arith.index_cast %add3A_606 : i32 to index
        %get3A_608 = arith.constant 16 : index
        %get3A_609 = tpu.vector_load %arg8[%get3A_607, %get3A_608] {strides = array<i32>} : memref<1600x32xf32, #tpu.memory_space<vmem>>, vector<1x16xf32>,
        %get3A_610 = vector.shape_cast %get3A_609 : vector<1x16xf32> to vector<16xf32>
        %add3A_611 = arith.addf %add3A_579, %get3A_610 : vector<16xf32>
        %add3A_612 = arith.constant 4 : i32
        %add3A_613 = arith.addi %add3A_534, %add3A_612 : i32
        %add3A_614 = arith.constant 1 : i32
        %add3A_615 = arith.addi %add3A_613, %add3A_614 : i32
        %get3A_616 = arith.index_cast %add3A_615 : i32 to index
        %get3A_617 = arith.constant 0 : index
        %get3A_618 = tpu.vector_load %arg8[%get3A_616, %get3A_617] {strides = array<i32>} : memref<1600x32xf32, #tpu.memory_space<vmem>>, vector<1x16xf32>,
        %get3A_619 = vector.shape_cast %get3A_618 : vector<1x16xf32> to vector<16xf32>
        %add3A_620 = arith.addf %add3A_588, %get3A_619 : vector<16xf32>
        %add3A_621 = arith.constant 4 : i32
        %add3A_622 = arith.addi %add3A_534, %add3A_621 : i32
        %add3A_623 = arith.constant 1 : i32
        %add3A_624 = arith.addi %add3A_622, %add3A_623 : i32
        %get3A_625 = arith.index_cast %add3A_624 : i32 to index
        %get3A_626 = arith.constant 16 : index
        %get3A_627 = tpu.vector_load %arg8[%get3A_625, %get3A_626] {strides = array<i32>} : memref<1600x32xf32, #tpu.memory_space<vmem>>, vector<1x16xf32>,
        %get3A_628 = vector.shape_cast %get3A_627 : vector<1x16xf32> to vector<16xf32>
        %add3A_629 = arith.addf %add3A_597, %get3A_628 : vector<16xf32>
        %add3A_630 = arith.constant 6 : i32
        %add3A_631 = arith.addi %add3A_534, %add3A_630 : i32
        %get3A_632 = arith.index_cast %add3A_631 : i32 to index
        %get3A_633 = arith.constant 0 : index
        %get3A_634 = tpu.vector_load %arg8[%get3A_632, %get3A_633] {strides = array<i32>} : memref<1600x32xf32, #tpu.memory_space<vmem>>, vector<1x16xf32>,
        %get3A_635 = vector.shape_cast %get3A_634 : vector<1x16xf32> to vector<16xf32>
        %add3A_636 = arith.addf %add3A_604, %get3A_635 : vector<16xf32>
        %add3A_637 = arith.constant 6 : i32
        %add3A_638 = arith.addi %add3A_534, %add3A_637 : i32
        %get3A_639 = arith.index_cast %add3A_638 : i32 to index
        %get3A_640 = arith.constant 16 : index
        %get3A_641 = tpu.vector_load %arg8[%get3A_639, %get3A_640] {strides = array<i32>} : memref<1600x32xf32, #tpu.memory_space<vmem>>, vector<1x16xf32>,
        %get3A_642 = vector.shape_cast %get3A_641 : vector<1x16xf32> to vector<16xf32>
        %add3A_643 = arith.addf %add3A_611, %get3A_642 : vector<16xf32>
        %add3A_644 = arith.constant 6 : i32
        %add3A_645 = arith.addi %add3A_534, %add3A_644 : i32
        %add3A_646 = arith.constant 1 : i32
        %add3A_647 = arith.addi %add3A_645, %add3A_646 : i32
        %get3A_648 = arith.index_cast %add3A_647 : i32 to index
        %get3A_649 = arith.constant 0 : index
        %get3A_650 = tpu.vector_load %arg8[%get3A_648, %get3A_649] {strides = array<i32>} : memref<1600x32xf32, #tpu.memory_space<vmem>>, vector<1x16xf32>,
        %get3A_651 = vector.shape_cast %get3A_650 : vector<1x16xf32> to vector<16xf32>
        %add3A_652 = arith.addf %add3A_620, %get3A_651 : vector<16xf32>
        %add3A_653 = arith.constant 6 : i32
        %add3A_654 = arith.addi %add3A_534, %add3A_653 : i32
        %add3A_655 = arith.constant 1 : i32
        %add3A_656 = arith.addi %add3A_654, %add3A_655 : i32
        %get3A_657 = arith.index_cast %add3A_656 : i32 to index
        %get3A_658 = arith.constant 16 : index
        %get3A_659 = tpu.vector_load %arg8[%get3A_657, %get3A_658] {strides = array<i32>} : memref<1600x32xf32, #tpu.memory_space<vmem>>, vector<1x16xf32>,
        %get3A_660 = vector.shape_cast %get3A_659 : vector<1x16xf32> to vector<16xf32>
        %add3A_661 = arith.addf %add3A_629, %get3A_660 : vector<16xf32>
        scf.yield %add3A_636, %add3A_643, %add3A_652, %add3A_661 : vector<16xf32>, vector<16xf32>, vector<16xf32>, vector<16xf32>
      }
      %scan3A_503 = arith.constant 25 : i32
      %add3A_504 = arith.addf %scan3A_502#0, %scan3A_502#2 : vector<16xf32>
      %mul3A_505 = vector.broadcast %scan3A_30 : f32 to vector<16xf32>
      %mul3A_506 = arith.mulf %add3A_504, %mul3A_505 : vector<16xf32>
      %swap3A_507 = arith.constant 7 : i32
      %swap3A_508 = arith.index_cast %swap3A_507 : i32 to index
      %swap3A_509 = arith.constant 0 : index
      %swap3A_510 = tpu.vector_load %arg10[%swap3A_508, %swap3A_509] {strides = array<i32>} : memref<8x32xf32, #tpu.memory_space<vmem>>, vector<1x16xf32>,
      %swap3A_511 = vector.shape_cast %swap3A_510 : vector<1x16xf32> to vector<16xf32>
      %swap3A_512 = vector.shape_cast %mul3A_506 : vector<16xf32> to vector<1x16xf32>
      tpu.vector_store %arg10[%swap3A_508, %swap3A_509], %swap3A_512 {strides = array<i32>} : memref<8x32xf32, #tpu.memory_space<vmem>>, vector<1x16xf32>,
      %add3A_513 = arith.addf %scan3A_502#1, %scan3A_502#3 : vector<16xf32>
      %mul3A_514 = vector.broadcast %scan3A_30 : f32 to vector<16xf32>
      %mul3A_515 = arith.mulf %add3A_513, %mul3A_514 : vector<16xf32>
      %swap3A_516 = arith.constant 7 : i32
      %swap3A_517 = arith.index_cast %swap3A_516 : i32 to index
      %swap3A_518 = arith.constant 16 : index
      %swap3A_519 = tpu.vector_load %arg10[%swap3A_517, %swap3A_518] {strides = array<i32>} : memref<8x32xf32, #tpu.memory_space<vmem>>, vector<1x16xf32>,
      %swap3A_520 = vector.shape_cast %swap3A_519 : vector<1x16xf32> to vector<16xf32>
      %swap3A_521 = vector.shape_cast %mul3A_515 : vector<16xf32> to vector<1x16xf32>
      tpu.vector_store %arg10[%swap3A_517, %swap3A_518], %swap3A_521 {strides = array<i32>} : memref<8x32xf32, #tpu.memory_space<vmem>>, vector<1x16xf32>,
      %dma_start3A_522 = arith.constant 0 : i32
      %dma_start3A_523 = tpu.memref_slice %arg4[%add3A_307, %dma_start3A_522] : memref<16384x32xf32, #tpu.memory_space<hbm>> -> memref<8x32xf32, #tpu.memory_space<hbm>>
      %dma_start3A_524 = arith.constant 0 : i32
      %dma_start3A_525 = tpu.memref_slice %arg4[%add3A_307, %dma_start3A_524] : memref<16384x32xf32, #tpu.memory_space<hbm>> -> memref<8x32xf32, #tpu.memory_space<hbm>>
      tpu.enqueue_dma source(%arg10 : memref<8x32xf32, #tpu.memory_space<vmem>>) target(%dma_start3A_525 : memref<8x32xf32, #tpu.memory_space<hbm>>) target_semaphore(%arg16 : memref<!tpu.dma_semaphore, #tpu.memory_space<semaphore_mem>>)
    }
    %scan3A_35 = arith.constant 32 : i32
    %dma_wait3A_36 = arith.constant 0 : i32
    %dma_wait3A_37 = arith.constant 0 : i32
    %dma_wait3A_38 = tpu.memref_slice %arg4[%dma_wait3A_36, %dma_wait3A_37] : memref<16384x32xf32, #tpu.memory_space<hbm>> -> memref<8x32xf32, #tpu.memory_space<hbm>>
    %dma_wait3A_39 = arith.constant 0 : i32
    %dma_wait3A_40 = arith.constant 0 : i32
    %dma_wait3A_41 = tpu.memref_slice %arg4[%dma_wait3A_39, %dma_wait3A_40] : memref<16384x32xf32, #tpu.memory_space<hbm>> -> memref<8x32xf32, #tpu.memory_space<hbm>>
    tpu.wait_dma2 semaphore(%arg15 : memref<!tpu.dma_semaphore, #tpu.memory_space<semaphore_mem>>) src(%arg9 : memref<8x32xf32, #tpu.memory_space<vmem>>) dst(%dma_wait3A_41 : memref<8x32xf32, #tpu.memory_space<hbm>>)
    %dma_wait3A_42 = arith.constant 0 : i32
    %dma_wait3A_43 = arith.constant 0 : i32
    %dma_wait3A_44 = tpu.memref_slice %arg4[%dma_wait3A_42, %dma_wait3A_43] : memref<16384x32xf32, #tpu.memory_space<hbm>> -> memref<8x32xf32, #tpu.memory_space<hbm>>
    %dma_wait3A_45 = arith.constant 0 : i32
    %dma_wait3A_46 = arith.constant 0 : i32
    %dma_wait3A_47 = tpu.memref_slice %arg4[%dma_wait3A_45, %dma_wait3A_46] : memref<16384x32xf32, #tpu.memory_space<hbm>> -> memref<8x32xf32, #tpu.memory_space<hbm>>
    tpu.wait_dma2 semaphore(%arg16 : memref<!tpu.dma_semaphore, #tpu.memory_space<semaphore_mem>>) src(%arg10 : memref<8x32xf32, #tpu.memory_space<vmem>>) dst(%dma_wait3A_47 : memref<8x32xf32, #tpu.memory_space<hbm>>)
    return
  }
}

</mosaic_0001>

<sc_bundles>
// kernel: kernel.3.cloned.1.call-start
scs
__scs_entry_jumppad:
0x0: {  	(pc) =	sbr.rel $0x88, $3  }
0x1: {  	(tag) =	ssettag $0x0;
	lr =	simm.s32 $0x1  }
0x2: {  	[smem:$0x3F9F] =	sst lr;
	_ =	strace $0xD0000000  }
0x3: {  	_ = 	snop  }
0x4: {  	_ = 	snop  }
0x5: {  	_ = 	snop  }
0x6: {  	_ = 	snop  }
0x7: {  	_ = 	snop  }
__scs_overlays_trampoline_lowered:
0x8: {  	[smem:$0x3FAE] =	sst s0  }
0x9: {  	[smem:$0x3FAF] =	sst s1  }
0xa: {  	[smem:$0x3FB0] =	sst s2  }
0xb: {  	[smem:$0x3FB1] =	sst s3  }
0xc: {  	[smem:$0x3FB2] =	sst s4  }
0xd: {  	[smem:$0x3FB3] =	sst s5  }
0xe: {  	[smem:$0x3FB4] =	sst s6  }
0xf: {  	[smem:$0x3FB5] =	sst s7  }
0x10: {  	[smem:$0x3FB6] =	sst s8  }
0x11: {  	[smem:$0x3FB7] =	sst s9;
	s0 =	simm.s32 @!p0 $0x0  }
0x12: {  	s1 =	sld [smem:$0x3F9D];
	s0 =	simm.s32 @p0 $0x1  }
0x13: {  	[smem:$0x3FB8] =	sst s0;
	s0 =	simm.s32 @!p1 $0x0  }
0x14: {  	s2 =	sld [smem:$0x3F9C];
	s0 =	simm.s32 @p1 $0x1  }
0x15: {  	[smem:$0x3FB9] =	sst s0;
	s0 =	simm.s32 @!p2 $0x0  }
0x16: {  	s3 =	sld [smem:$0x3FDB];
	s0 =	simm.s32 @p2 $0x1  }
0x17: {  	s4 =	simm.s32 $0x1BF5;
	[smem:$0x3FBB] =	sst s0  }
0x18: {  	s0 =	sld [smem:$0x3F9E];
	_ =	swait.ge [sflag:s4], $0x0  }
0x19: {  	s7 =	sld [smem:$0x3F9F]  }
0x1a: {  	s8 =	sadd.s32 $0xFFFFE003, lr  }
0x1b: {  	s9 =	sadd.s32 $0xFFFFFEF7, lr;
	s5 =	simm.s32 $0xFFFFFFFF;
	p2 =	slt.u32 s8, $0xFFFFF086  }
0x1c: {  	p1 =	slt.u32 s9, $0xF7A;
	s5 =	simm.s32 @!p2 $0x0  }
0x1d: {  	s5 =	simm.s32 @p1 $0x1;
	p0 =	seq.s32 s7, s2  }
0x1e: {  	s7 =	smul.u32 @!p0 $0xF7A, s2;
	p2 =	seq.s32 @!p0 s5, $0x0  }
0x1f: {  	s9 =	smul.u32 $0xF7A, s1;
	s8 =	simm.s32 @!p0 $0x1BF5;
	p2 =	por !p2, p0  }
0x20: {  	[sflag:s8] =	ssyncset.s32 @!p0 $0xFFFFF086;
	s6 =	sadd.s32 @!p0 s3, s7;
	s7 =	simm.s32 @!p0 $0x108  }
0x21: {  	s3 =	sadd.s32 s3, s9;
	s6 =	sadd.s32 @!p0 $0x88, s6;
	s7 =	simm.s32 @p2 $0x1082  }
0x22: {  	[simem:s7], [sflag:s8] =	dma.local @!p0 [hbm:s6], $0xF7A  }
0x23: {  	s9 =	sor.u32 $0xD0000000, s2;
	s6 =	simm.s32 $0x108;
	_ =	swait.ge @!p0 [sflag:s8], $0x0  }
0x24: {  	s3 =	sadd.s32 $0x88, s3;
	s6 =	simm.s32 @!p1 $0x1082;
	[sflag:s4] =	ssyncset.s32 $0xFFFFF086  }
0x25: {  	[simem:s6], [sflag:s4] =	dma.local [hbm:s3], $0xF7A  }
0x26: {  	[smem:$0x3F9F] =	sst s1;
	(tag) =	ssettag s2;
	_ =	strace s9  }
0x27: {  	s1 =	sld [smem:$0x3FAF]  }
0x28: {  	s2 =	sld [smem:$0x3FB0]  }
0x29: {  	s4 =	sld [smem:$0x3FB2]  }
0x2a: {  	p0 =	seq.s32 s5, $0x0;
	s5 =	sld [smem:$0x3FB3]  }
0x2b: {  	s6 =	sld [smem:$0x3FB4]  }
0x2c: {  	s7 =	sld [smem:$0x3FB5]  }
0x2d: {  	s3 =	simm.s32 $0x108;
	s8 =	sld [smem:$0x3FB6]  }
0x2e: {  	s3 =	simm.s32 @!p0 $0x1082;
	s9 =	sld [smem:$0x3FB7]  }
0x2f: {  	lr =	sadd.s32 s0, s3;
	s0 =	sld [smem:$0x3FAE]  }
0x30: {  	s3 =	sld [smem:$0x3FB1]  }
0x31: {  	[smem:$0x3FBA] =	sst s10  }
0x32: {  	s10 =	sld [smem:$0x3FB8];
	_ =	sdelay $0x3  }
0x33: {  	p0 =	seq.s32 s10, $0x1;
	s10 =	sld [smem:$0x3FBA];
	_ =	sdelay $0x3  }
0x34: {  	[smem:$0x3FBA] =	sst s10  }
0x35: {  	s10 =	sld [smem:$0x3FB9];
	_ =	sdelay $0x3  }
0x36: {  	p1 =	seq.s32 s10, $0x1;
	s10 =	sld [smem:$0x3FBA];
	_ =	sdelay $0x3  }
0x37: {  	[smem:$0x3FBA] =	sst s10  }
0x38: {  	s10 =	sld [smem:$0x3FBB]  }
0x39: {  	_ = 	snop;
	(pc) =	sbr.ind lr, $3  }
0x3a: {  	_ = 	snop  }
0x3b: {  	_ = 	snop  }
0x3c: {  	p2 =	seq.s32 s10, $0x1;
	s10 =	sld [smem:$0x3FBA]  }
0x3d: {  	_ =	shalt  }
0x3e: {  	_ =	shalt  }
0x3f: {  	_ =	shalt  }
0x40: {  	_ =	shalt  }
0x41: {  	_ =	shalt  }
0x42: {  	_ =	shalt  }
0x43: {  	_ =	shalt  }
0x44: {  	_ =	shalt  }
0x45: {  	_ =	shalt  }
0x46: {  	_ =	shalt  }
0x47: {  	_ =	shalt  }
0x48: {  	_ =	shalt  }
0x49: {  	_ =	shalt  }
0x4a: {  	_ =	shalt  }
0x4b: {  	_ =	shalt  }
0x4c: {  	_ =	shalt  }
0x4d: {  	_ =	shalt  }
0x4e: {  	_ =	shalt  }
0x4f: {  	_ =	shalt  }
0x50: {  	_ =	shalt  }
0x51: {  	_ =	shalt  }
0x52: {  	_ =	shalt  }
0x53: {  	_ =	shalt  }
0x54: {  	_ =	shalt  }
0x55: {  	_ =	shalt  }
0x56: {  	_ =	shalt  }
0x57: {  	_ =	shalt  }
0x58: {  	_ =	shalt  }
0x59: {  	_ =	shalt  }
0x5a: {  	_ =	shalt  }
0x5b: {  	_ =	shalt  }
0x5c: {  	_ =	shalt  }
0x5d: {  	_ =	shalt  }
0x5e: {  	_ =	shalt  }
0x5f: {  	_ =	shalt  }
0x60: {  	_ =	shalt  }
0x61: {  	_ =	shalt  }
0x62: {  	_ =	shalt  }
0x63: {  	_ =	shalt  }
0x64: {  	_ =	shalt  }
0x65: {  	_ =	shalt  }
0x66: {  	_ =	shalt  }
0x67: {  	_ =	shalt  }
0x68: {  	_ =	shalt  }
0x69: {  	_ =	shalt  }
0x6a: {  	_ =	shalt  }
0x6b: {  	_ =	shalt  }
0x6c: {  	_ =	shalt  }
0x6d: {  	_ =	shalt  }
0x6e: {  	_ =	shalt  }
0x6f: {  	_ =	shalt  }
0x70: {  	_ =	shalt  }
0x71: {  	_ =	shalt  }
0x72: {  	_ =	shalt  }
0x73: {  	_ =	shalt  }
0x74: {  	_ =	shalt  }
0x75: {  	_ =	shalt  }
0x76: {  	_ =	shalt  }
0x77: {  	_ =	shalt  }
0x78: {  	_ =	shalt  }
0x79: {  	_ =	shalt  }
0x7a: {  	_ =	shalt  }
0x7b: {  	_ =	shalt  }
0x7c: {  	_ =	shalt  }
0x7d: {  	_ =	shalt  }
0x7e: {  	_ =	shalt  }
0x7f: {  	_ =	shalt  }
0x80: {  	_ =	shalt  }
0x81: {  	_ =	shalt  }
0x82: {  	_ =	shalt  }
0x83: {  	_ =	shalt  }
0x84: {  	_ =	shalt  }
0x85: {  	_ =	shalt  }
0x86: {  	_ =	shalt  }
0x87: {  	_ =	shalt  }
.Lfunc_end0:
.L_simem_size_0:
called_computation_lowered:
.L_overlay_start_0:
0x88: {  	s2 =	sld [smem:$0x3FD9]  }
0x89: {  	s3 =	sld [smem:$0x3FFE];
	_ =	sdelay $0x1  }
0x8a: {  	s1 =	srdreg.scid  }
0x8b: {  	s0 =	sand.u32 $0x1, s1  }
0x8c: {  	s17 =	sshll.u32 s0, $0xA;
	s2 =	sadd.s32 s3, s2  }
0x8d: {  	s2 =	sadd.s32 s2, s17  }
0x8e: {  	[smem:$0x3FC6] =	sst s2  }
0x8f: {  	_ = 	snop  }
0x90: {  	s2 =	sld [smem:$0x3FD0];
	(tm) =	ssettm $0x1  }
0x91: {  	s18 =	sld [smem:$0x3FFB];
	_ =	sdelay $0x3  }
0x92: {  	_ =	strace s18  }
0x93: {  	s3 =	sld [smem:$0x3FFC];
	_ =	sdelay $0x3  }
0x94: {  	_ =	strace s3  }
0x95: {  	s3 =	sld [smem:$0x3FFD];
	_ =	sdelay $0x3  }
0x96: {  	_ =	strace s3  }
0x97: {  	_ =	strace $0x8FFFFFFF  }
0x98: {  	s19 =	sld [smem:$0x3FDB];
	_ =	sdelay $0x1  }
0x99: {  	s4 =	simm.s32 $_scs_section_size  }
0x9a: {  	s5 =	simm.s32 $_size__tile_overlayer_lowered;
	s6 =	simm.s32 $_tile_overlayer_lowered  }
0x9b: {  	s22 =	simm.s32 $0x1BFF;
	s21 =	sshll.u32 s6, $0x1;
	s3 =	sadd.s32 s4, s19  }
0x9c: {  	s7 =	simm.s32 $0x0;
	s20 =	sshll.u32 s5, $0x1;
	s5 =	sadd.s32 s21, s3  }
0x9d: {  	[timem:s7], [sflag:s22] =	dma.local [hbm:s5], s20  }
0x9e: {  	_ =	swait.ge [sflag:s22], s20  }
0x9f: {  	s4 =	ssub.s32 $0x0, s20;
	[sflag:s22] =	ssyncset.done $0x0  }
0xa0: {  	[sflag:s22] =	ssyncadd.s32 s4;
	_ =	sdelay $0x1  }
0xa1: {  	s23 =	simm.s32 $0x1B8B  }
0xa2: {  	_ =	swait.ge [sflag:s23], $0x1  }
0xa3: {  	[sflag:s23] =	ssyncset.done $0x0  }
0xa4: {  	s25 =	simm.s32 $0x1B8E;
	s24 =	sld [smem:$0x3FFE];
	[sflag:s23] =	ssyncadd.s32 $0xFFFFFFFF  }
0xa5: {  	s26 =	simm.s32 $execute0_lowered;
	[smem:$0x3FD2] =	sst s25  }
0xa6: {  	s5 =	sshll.u32 s26, $0x1;
	_ =	strace $0x80000046;
	[dreg:$0x1] =	wrdreg $0xFFFFFFFF  }
0xa7: {  	s28 =	simm.s32 $_size_execute0_lowered;
	s3 =	sadd.s32 s3, s5;
	[dreg:$0x0] =	wrdreg $0x0  }
0xa8: {  	s5 =	sshll.u32 s28, $0x1;
	[dreg:$0x2] =	wrdreg s3  }
0xa9: {  	[dreg:$0x3] =	wrdreg s5  }
0xaa: {  	[dreg:$0x4] =	wrdreg $0xC0  }
0xab: {  	_ =	task [dreg:s7], $0x5FFFF  }
0xac: {  	[dreg:$0x1] =	wrdreg $0xFFFFFFFF  }
0xad: {  	[dreg:$0x0] =	wrdreg $0x60  }
0xae: {  	[dreg:$0x2] =	wrdreg s24  }
0xaf: {  	[dreg:$0x3] =	wrdreg s2  }
0xb0: {  	[dreg:$0x4] =	wrdreg $0x9  }
0xb1: {  	_ =	task.clear_ibuf [dreg:s7], $0x5FFFF;
	_ =	strace $0x90000046  }
0xb2: {  	s29 =	simm.s32 $0x9;
	_ =	strace $0x80000048  }
0xb3: {  	_ =	swait.ge [sflag:s29], $0x1  }
0xb4: {  	[sflag:s29] =	ssyncadd.s32 $0xFFFFFFFF  }
0xb5: {  	_ =	strace $0x90000048  }
0xb6: {  	_ =	sfence  }
0xb7: {  	s30 =	sld [smem:$0x0];
	_ =	sdelay $0x2  }
0xb8: {  	s31 =	sshll.u32 s1, $0xD;
	s1 =	sshrl.u32 s1, $0x2  }
0xb9: {  	s3 =	sand.u32 $0x4000, s31;
	s1 =	sadd.s32 s1, s30  }
0xba: {  	s0 =	sor.u32 s3, s0;
	s1 =	sshll.u32 s1, $0x11  }
0xbb: {  	s0 =	sor.u32 s1, s0  }
0xbc: {  	s0 =	sadd.s32 $0x8F2B, s0  }
0xbd: {  	[sflag:s0] =	ssyncadd.remote.s32 $0x1  }
0xbe: {  	_ =	sfence.sel $0xFFFF  }
0xbf: {  	[dreg:$0x0] =	wrdreg $0xFFFFFFFF;
	(pc) =	sbr.abs _section_cstart, $3  }
0xc0: {  	[dreg:$0x1] =	wrdreg $0xFFFFFFFF  }
0xc1: {  	_ =	task.clear_ibuf [dreg:s7], $0x2FFFF;
	_ =	strace $0x9FFFFFFF  }
0xc2: {  	(tm) =	ssettm $0x7FFFFFFF  }
0xc3: {  	_ =	shalt  }
tec
execute0_lowered:
.L_overlay_start_1:
0x0: {  	(tag) =	ssettag $0x1  }
0x1: {  	s6 =	rddreg [dreg:$0x0]  }
0x2: {  	s2 =	rddreg [dreg:$0x1]  }
0x3: {  	s0 =	rddreg [dreg:$0x2];
	s4 =	srdreg.scid  }
0x4: {  	s1 =	stileid.u32;
	s3 =	simm.s32 $0x0;
	s14 =	simm.s32 $0x3  }
0x5: {  	s15 =	simm.s32 $0x640;
	s16 =	simm.s32 $0xC80;
	s17 =	simm.s32 $0x19C80  }
0x6: {  	s18 =	simm.s32 $0x19D80;
	s19 =	simm.s32 $0x4;
	s20 =	simm.s32 $0xD480  }
0x7: {  	s21 =	simm.s32 $0x1;
	s22 =	simm.s32 $0x5;
	s23 =	simm.s32 $0x6  }
0x8: {  	s24 =	simm.s32 $0x0;
	s7 =	sand.u32 $0x1, s4;
	s30 =	sshll.u32 s1, $0x1  }
0x9: {  	[smem:$0x7FF] =	sst s3;
	s4 =	sadd.s32 $0x600, s6;
	s6 =	sadd.s32 $0xE97200, s6  }
0xa: {  	s8 =	sor.u32 s7, s30;
	_ =	strace $0x80000047;
	s7 =	ssub.s32 $0x2, s7  }
0xb: {  	s5 =	sshll.u32 s8, $0x9;
	s9 =	smul.u32 $0x3200, s8;
	s11 =	sshrl.u32 s7, $0x1  }
0xc: {  	s31 =	sshll.u32 s8, $0xB;
	s10 =	sor.u32 $0x8, s5;
	s13 =	ssub.s32 s7, s11  }
0xd: {  	s11 =	sor.u32 $0x10, s5;
	s12 =	smul.u32 $0x19, s10;
	s7 =	sadd.s32 s4, s9  }
0xe: {  	s9 =	sadd.s32 s2, s31;
	s10 =	sshll.u32 s10, $0x2;
	s13 =	smax.u32 s13, $0x1  }
0xf: {  	s10 =	sadd.s32 s2, s10;
	s8 =	sadd.s32 s4, s12;
	s12 =	sor.u32 $0x18, s5  }
.LBB2_1:
0x10: {  	[tilespmem:s3], [sflag:$0x3] =	stream.linear.gather [hbm4b:s7+s3], $0x640, $0x38;
	[tilespmem:$0x19E80] =	vst v63  }
0x11: {  	_ =	swait.ge [sflag:s14], $0x640  }
0x12: {  	[sflag:s14] =	ssyncset.done $0x0  }
0x13: {  	[sflag:s14] =	ssyncadd.s32 $0xFFFFF9C0  }
0x14: {  	[tilespmem:s16], [sflag:$0x1] =	stream.indirect.gather [hbm4b:s6+s15], $0x20, s3, s15, $0xb8;
	[tilespmem:$0x19E80] =	vst v63  }
0x15: {  	_ = 	snop  }
0x16: {  	[tilespmem:s15], [sflag:$0x4] =	stream.linear.gather [hbm4b:s8+s3], $0x640, $0x38;
	[tilespmem:$0x19E80] =	vst v63  }
0x17: {  	_ = 	snop  }
0x18: {  	[hbm4b:s9+s3] =	stream.linear.scatter [tilespmem:s17], [sflag:$0x5], $0x100, $0x38;
	[tilespmem:$0x19E80] =	vst v63  }
0x19: {  	s25 =	simm.s32 $0x0  }
0x1a: {  	[hbm4b:s10+s3] =	stream.linear.scatter [tilespmem:s18], [sflag:$0x6], $0x100, $0x38;
	[tilespmem:$0x19E80] =	vst v63  }
.LBB2_2:
0x1b: {  	_ =	swait.ge [sflag:s19], $0x640  }
0x1c: {  	s26 =	sshll.u32 s25, $0x4;
	p0 =	seq.s32 s25, $0x1F;
	[sflag:s19] =	ssyncset.done $0x0  }
0x1d: {  	s28 =	sadd.s32 @!p0 s26, s11;
	[sflag:s19] =	ssyncadd.s32 $0xFFFFF9C0  }
0x1e: {  	[tilespmem:s20], [sflag:$0x2] =	stream.indirect.gather [hbm4b:s6+s15], $0x20, s15, s15, $0xb8;
	[tilespmem:$0x19E80] =	vst v63  }
0x1f: {  	s28 =	smul.u32 @!p0 $0x19, s28;
	_ =	swait.ge [sflag:s21], $0xC800  }
0x20: {  	[sflag:s21] =	ssyncset.done $0x0  }
0x21: {  	s29 =	simm.s32 @!p0 $0x0;
	s28 =	sadd.s32 @!p0 s4, s28;
	[sflag:s21] =	ssyncadd.s32 $0xFFFF3800  }
0x22: {  	[tilespmem:s29], [sflag:$0x3] =	stream.linear.gather @!p0 [hbm4b:s28+s29], $0x640, $0x38;
	[tilespmem:$0x19E80] =	vst v63  }
0x23: {  	_ =	swait.ge [sflag:s22], $0x100  }
0x24: {  	[sflag:s22] =	ssyncset.done $0x0  }
0x25: {  	s28 =	simm.s32 $0x0;
	[sflag:s22] =	ssyncadd.s32 $0xFFFFFF00  }
0x26: {  	v0 =	vld [tilespmem:s28+$0xD40]  }
0x27: {  	v1 =	vld [tilespmem:s28+$0xD50]  }
0x28: {  	v2 =	vld [tilespmem:s28+$0xD00]  }
0x29: {  	v3 =	vld [tilespmem:s28+$0xD10]  }
0x2a: {  	v4 =	vld [tilespmem:s28+$0xCC0]  }
0x2b: {  	v5 =	vld [tilespmem:s28+$0xCD0]  }
0x2c: {  	v10 =	vld [tilespmem:s28+$0xC80]  }
0x2d: {  	v6 =	vimm.f32 $0.0e+00;
	v11 =	vld [tilespmem:s28+$0xC90]  }
0x2e: {  	v7 =	vimm.f32 $0.0e+00;
	v9 =	vimm.f32 $0.0e+00;
	v8 =	vimm.f32 $0.0e+00;
	s29 =	simm.s32 $0x400;
	v12 =	vld [tilespmem:s28+$0xCA0]  }
.LBB2_3:
0x2f: {  	p0 =	sne.s32 s29, $0x6000;
	v13 =	vld [tilespmem:s28+$0xCB0]  }
0x30: {  	v14 =	vld [tilespmem:s28+$0xCE0]  }
0x31: {  	v15 =	vld [tilespmem:s28+$0xCF0]  }
0x32: {  	v16 =	vld [tilespmem:s28+$0xD20]  }
0x33: {  	v6 =	vadd.f32 v10, v6;
	v7 =	vadd.f32 v11, v7;
	v10 =	vld [tilespmem:s28+$0xD30]  }
0x34: {  	v9 =	vadd.f32 v12, v9;
	v8 =	vadd.f32 v13, v8;
	v11 =	vld [tilespmem:s28+$0xD60]  }
0x35: {  	v4 =	vadd.f32 v4, v6;
	v5 =	vadd.f32 v5, v7;
	v12 =	vld [tilespmem:s28+$0xD70];
	s28 =	sshra.s32 s29, $0x2  }
0x36: {  	v6 =	vadd.f32 v14, v9;
	v13 =	vld [tilespmem:s28+$0xD40];
	v7 =	vadd.f32 v15, v8  }
0x37: {  	v4 =	vadd.f32 v2, v4;
	v5 =	vadd.f32 v3, v5;
	v14 =	vld [tilespmem:s28+$0xD50]  }
0x38: {  	v8 =	vadd.f32 v16, v6;
	v2 =	vld [tilespmem:s28+$0xD00];
	v10 =	vadd.f32 v10, v7  }
0x39: {  	v6 =	vadd.f32 v0, v4;
	v7 =	vadd.f32 v1, v5;
	v3 =	vld [tilespmem:s28+$0xD10]  }
.Ltmp0:
0x3a: {  	v9 =	vadd.f32 v11, v8;
	v4 =	vld [tilespmem:s28+$0xCC0];
	v8 =	vadd.f32 v12, v10;
	(pc) =	sbr.rel @p0 .LBB2_3-.Ltmp0, $4  }
0x3b: {  	v5 =	vld [tilespmem:s28+$0xCD0];
	v0 =	vmov v13  }
0x3c: {  	v10 =	vld [tilespmem:s28+$0xC80];
	v1 =	vmov v14  }
0x3d: {  	v11 =	vld [tilespmem:s28+$0xC90]  }
0x3e: {  	s29 =	sadd.s32 $0x400, s29;
	v12 =	vld [tilespmem:s28+$0xCA0]  }
0x3f: {  	v13 =	vld [tilespmem:s28+$0xCB0]  }
0x40: {  	v14 =	vld [tilespmem:s28+$0xCE0]  }
0x41: {  	v15 =	vld [tilespmem:s28+$0xCF0]  }
0x42: {  	v16 =	vld [tilespmem:s28+$0xD20]  }
0x43: {  	v6 =	vadd.f32 v10, v6;
	v10 =	vld [tilespmem:s28+$0xD30];
	v9 =	vadd.f32 v12, v9  }
0x44: {  	v7 =	vadd.f32 v11, v7;
	v11 =	vld [tilespmem:s28+$0xD60];
	v8 =	vadd.f32 v13, v8  }
0x45: {  	v4 =	vadd.f32 v4, v6;
	v6 =	vld [tilespmem:s28+$0xD70];
	v9 =	vadd.f32 v14, v9  }
0x46: {  	v5 =	vadd.f32 v5, v7;
	v7 =	vadd.f32 v15, v8  }
0x47: {  	v2 =	vadd.f32 v2, v4;
	v4 =	vadd.f32 v16, v9  }
0x48: {  	v3 =	vadd.f32 v3, v5;
	v5 =	vadd.f32 v10, v7  }
0x49: {  	v0 =	vadd.f32 v0, v2;
	v2 =	vadd.f32 v11, v4  }
0x4a: {  	v1 =	vadd.f32 v1, v3;
	v3 =	vadd.f32 v6, v5  }
0x4b: {  	v0 =	vadd.f32 v2, v0  }
0x4c: {  	v1 =	vadd.f32 v3, v1  }
0x4d: {  	v0 =	vmul.f32 $4.999999890e-03, v0  }
0x4e: {  	v1 =	vmul.f32 $4.999999890e-03, v1  }
0x4f: {  	[tilespmem:$0x19C80] =	vst v0  }
0x50: {  	s28 =	simm.s32 $0x0;
	[tilespmem:$0x19C90] =	vst v1  }
0x51: {  	v0 =	vld [tilespmem:s28+$0x2640]  }
0x52: {  	v1 =	vld [tilespmem:s28+$0x2650]  }
0x53: {  	v2 =	vld [tilespmem:s28+$0x2600]  }
0x54: {  	v3 =	vld [tilespmem:s28+$0x2610]  }
0x55: {  	v4 =	vld [tilespmem:s28+$0x25C0]  }
0x56: {  	v5 =	vld [tilespmem:s28+$0x25D0]  }
0x57: {  	v10 =	vld [tilespmem:s28+$0x2580]  }
0x58: {  	v8 =	vimm.f32 $0.0e+00;
	v11 =	vld [tilespmem:s28+$0x2590]  }
0x59: {  	s29 =	simm.s32 $0x400;
	v9 =	vimm.f32 $0.0e+00;
	v7 =	vimm.f32 $0.0e+00;
	v6 =	vimm.f32 $0.0e+00;
	v12 =	vld [tilespmem:s28+$0x25A0]  }
.LBB2_5:
0x5a: {  	p0 =	sne.s32 s29, $0x6000;
	v13 =	vld [tilespmem:s28+$0x25B0]  }
0x5b: {  	v14 =	vld [tilespmem:s28+$0x25E0]  }
0x5c: {  	v15 =	vld [tilespmem:s28+$0x25F0]  }
0x5d: {  	v16 =	vld [tilespmem:s28+$0x2620]  }
0x5e: {  	v6 =	vadd.f32 v10, v6;
	v7 =	vadd.f32 v11, v7;
	v10 =	vld [tilespmem:s28+$0x2630]  }
0x5f: {  	v9 =	vadd.f32 v12, v9;
	v8 =	vadd.f32 v13, v8;
	v11 =	vld [tilespmem:s28+$0x2660]  }
0x60: {  	v4 =	vadd.f32 v4, v6;
	v5 =	vadd.f32 v5, v7;
	v12 =	vld [tilespmem:s28+$0x2670];
	s28 =	sshra.s32 s29, $0x2  }
0x61: {  	v6 =	vadd.f32 v14, v9;
	v13 =	vld [tilespmem:s28+$0x2640];
	v7 =	vadd.f32 v15, v8  }
0x62: {  	v4 =	vadd.f32 v2, v4;
	v5 =	vadd.f32 v3, v5;
	v14 =	vld [tilespmem:s28+$0x2650]  }
0x63: {  	v8 =	vadd.f32 v16, v6;
	v2 =	vld [tilespmem:s28+$0x2600];
	v10 =	vadd.f32 v10, v7  }
0x64: {  	v6 =	vadd.f32 v0, v4;
	v7 =	vadd.f32 v1, v5;
	v3 =	vld [tilespmem:s28+$0x2610]  }
.Ltmp1:
0x65: {  	v9 =	vadd.f32 v11, v8;
	v4 =	vld [tilespmem:s28+$0x25C0];
	v8 =	vadd.f32 v12, v10;
	(pc) =	sbr.rel @p0 .LBB2_5-.Ltmp1, $4  }
0x66: {  	v5 =	vld [tilespmem:s28+$0x25D0];
	v0 =	vmov v13  }
0x67: {  	v10 =	vld [tilespmem:s28+$0x2580];
	v1 =	vmov v14  }
0x68: {  	v11 =	vld [tilespmem:s28+$0x2590]  }
0x69: {  	s29 =	sadd.s32 $0x400, s29;
	v12 =	vld [tilespmem:s28+$0x25A0]  }
0x6a: {  	v13 =	vld [tilespmem:s28+$0x25B0]  }
0x6b: {  	v14 =	vld [tilespmem:s28+$0x25E0]  }
0x6c: {  	v15 =	vld [tilespmem:s28+$0x25F0]  }
0x6d: {  	v16 =	vld [tilespmem:s28+$0x2620]  }
0x6e: {  	v6 =	vadd.f32 v10, v6;
	v10 =	vld [tilespmem:s28+$0x2630];
	v9 =	vadd.f32 v12, v9  }
0x6f: {  	v7 =	vadd.f32 v11, v7;
	v11 =	vld [tilespmem:s28+$0x2660];
	v8 =	vadd.f32 v13, v8  }
0x70: {  	v4 =	vadd.f32 v4, v6;
	v6 =	vld [tilespmem:s28+$0x2670];
	v9 =	vadd.f32 v14, v9  }
0x71: {  	v5 =	vadd.f32 v5, v7;
	v7 =	vadd.f32 v15, v8  }
0x72: {  	v2 =	vadd.f32 v2, v4;
	v4 =	vadd.f32 v16, v9  }
0x73: {  	v3 =	vadd.f32 v3, v5;
	v5 =	vadd.f32 v10, v7  }
0x74: {  	v0 =	vadd.f32 v0, v2;
	v2 =	vadd.f32 v11, v4  }
0x75: {  	v1 =	vadd.f32 v1, v3;
	v3 =	vadd.f32 v6, v5  }
0x76: {  	v0 =	vadd.f32 v2, v0  }
0x77: {  	v1 =	vadd.f32 v3, v1  }
0x78: {  	v0 =	vmul.f32 $4.999999890e-03, v0  }
0x79: {  	v1 =	vmul.f32 $4.999999890e-03, v1  }
0x7a: {  	[tilespmem:$0x19CA0] =	vst v0  }
0x7b: {  	s28 =	simm.s32 $0x0;
	[tilespmem:$0x19CB0] =	vst v1  }
0x7c: {  	v0 =	vld [tilespmem:s28+$0x3F40]  }
0x7d: {  	v1 =	vld [tilespmem:s28+$0x3F50]  }
0x7e: {  	v2 =	vld [tilespmem:s28+$0x3F00]  }
0x7f: {  	v3 =	vld [tilespmem:s28+$0x3F10]  }
0x80: {  	v4 =	vld [tilespmem:s28+$0x3EC0]  }
0x81: {  	v5 =	vld [tilespmem:s28+$0x3ED0]  }
0x82: {  	v10 =	vld [tilespmem:s28+$0x3E80]  }
0x83: {  	v8 =	vimm.f32 $0.0e+00;
	v11 =	vld [tilespmem:s28+$0x3E90]  }
0x84: {  	s29 =	simm.s32 $0x400;
	v9 =	vimm.f32 $0.0e+00;
	v7 =	vimm.f32 $0.0e+00;
	v6 =	vimm.f32 $0.0e+00;
	v12 =	vld [tilespmem:s28+$0x3EA0]  }
.LBB2_7:
0x85: {  	p0 =	sne.s32 s29, $0x6000;
	v13 =	vld [tilespmem:s28+$0x3EB0]  }
0x86: {  	v14 =	vld [tilespmem:s28+$0x3EE0]  }
0x87: {  	v15 =	vld [tilespmem:s28+$0x3EF0]  }
0x88: {  	v16 =	vld [tilespmem:s28+$0x3F20]  }
0x89: {  	v6 =	vadd.f32 v10, v6;
	v7 =	vadd.f32 v11, v7;
	v10 =	vld [tilespmem:s28+$0x3F30]  }
0x8a: {  	v9 =	vadd.f32 v12, v9;
	v8 =	vadd.f32 v13, v8;
	v11 =	vld [tilespmem:s28+$0x3F60]  }
0x8b: {  	v4 =	vadd.f32 v4, v6;
	v5 =	vadd.f32 v5, v7;
	v12 =	vld [tilespmem:s28+$0x3F70];
	s28 =	sshra.s32 s29, $0x2  }
0x8c: {  	v6 =	vadd.f32 v14, v9;
	v13 =	vld [tilespmem:s28+$0x3F40];
	v7 =	vadd.f32 v15, v8  }
0x8d: {  	v4 =	vadd.f32 v2, v4;
	v5 =	vadd.f32 v3, v5;
	v14 =	vld [tilespmem:s28+$0x3F50]  }
0x8e: {  	v8 =	vadd.f32 v16, v6;
	v2 =	vld [tilespmem:s28+$0x3F00];
	v10 =	vadd.f32 v10, v7  }
0x8f: {  	v6 =	vadd.f32 v0, v4;
	v7 =	vadd.f32 v1, v5;
	v3 =	vld [tilespmem:s28+$0x3F10]  }
.Ltmp2:
0x90: {  	v9 =	vadd.f32 v11, v8;
	v4 =	vld [tilespmem:s28+$0x3EC0];
	v8 =	vadd.f32 v12, v10;
	(pc) =	sbr.rel @p0 .LBB2_7-.Ltmp2, $4  }
0x91: {  	v5 =	vld [tilespmem:s28+$0x3ED0];
	v0 =	vmov v13  }
0x92: {  	v10 =	vld [tilespmem:s28+$0x3E80];
	v1 =	vmov v14  }
0x93: {  	v11 =	vld [tilespmem:s28+$0x3E90]  }
0x94: {  	s29 =	sadd.s32 $0x400, s29;
	v12 =	vld [tilespmem:s28+$0x3EA0]  }
0x95: {  	v13 =	vld [tilespmem:s28+$0x3EB0]  }
0x96: {  	v14 =	vld [tilespmem:s28+$0x3EE0]  }
0x97: {  	v15 =	vld [tilespmem:s28+$0x3EF0]  }
0x98: {  	v16 =	vld [tilespmem:s28+$0x3F20]  }
0x99: {  	v6 =	vadd.f32 v10, v6;
	v10 =	vld [tilespmem:s28+$0x3F30];
	v9 =	vadd.f32 v12, v9  }
0x9a: {  	v7 =	vadd.f32 v11, v7;
	v11 =	vld [tilespmem:s28+$0x3F60];
	v8 =	vadd.f32 v13, v8  }
0x9b: {  	v4 =	vadd.f32 v4, v6;
	v6 =	vld [tilespmem:s28+$0x3F70];
	v9 =	vadd.f32 v14, v9  }
0x9c: {  	v5 =	vadd.f32 v5, v7;
	v7 =	vadd.f32 v15, v8  }
0x9d: {  	v2 =	vadd.f32 v2, v4;
	v4 =	vadd.f32 v16, v9  }
0x9e: {  	v3 =	vadd.f32 v3, v5;
	v5 =	vadd.f32 v10, v7  }
0x9f: {  	v0 =	vadd.f32 v0, v2;
	v2 =	vadd.f32 v11, v4  }
0xa0: {  	v1 =	vadd.f32 v1, v3;
	v3 =	vadd.f32 v6, v5  }
0xa1: {  	v0 =	vadd.f32 v2, v0  }
0xa2: {  	v1 =	vadd.f32 v3, v1  }
0xa3: {  	v0 =	vmul.f32 $4.999999890e-03, v0  }
0xa4: {  	v1 =	vmul.f32 $4.999999890e-03, v1  }
0xa5: {  	[tilespmem:$0x19CC0] =	vst v0  }
0xa6: {  	s28 =	simm.s32 $0x0;
	[tilespmem:$0x19CD0] =	vst v1  }
0xa7: {  	v0 =	vld [tilespmem:s28+$0x5840]  }
0xa8: {  	v1 =	vld [tilespmem:s28+$0x5850]  }
0xa9: {  	v2 =	vld [tilespmem:s28+$0x5800]  }
0xaa: {  	v3 =	vld [tilespmem:s28+$0x5810]  }
0xab: {  	v4 =	vld [tilespmem:s28+$0x57C0]  }
0xac: {  	v5 =	vld [tilespmem:s28+$0x57D0]  }
0xad: {  	v10 =	vld [tilespmem:s28+$0x5780]  }
0xae: {  	v8 =	vimm.f32 $0.0e+00;
	v11 =	vld [tilespmem:s28+$0x5790]  }
0xaf: {  	s29 =	simm.s32 $0x400;
	v9 =	vimm.f32 $0.0e+00;
	v7 =	vimm.f32 $0.0e+00;
	v6 =	vimm.f32 $0.0e+00;
	v12 =	vld [tilespmem:s28+$0x57A0]  }
.LBB2_9:
0xb0: {  	p0 =	sne.s32 s29, $0x6000;
	v13 =	vld [tilespmem:s28+$0x57B0]  }
0xb1: {  	v14 =	vld [tilespmem:s28+$0x57E0]  }
0xb2: {  	v15 =	vld [tilespmem:s28+$0x57F0]  }
0xb3: {  	v16 =	vld [tilespmem:s28+$0x5820]  }
0xb4: {  	v6 =	vadd.f32 v10, v6;
	v7 =	vadd.f32 v11, v7;
	v10 =	vld [tilespmem:s28+$0x5830]  }
0xb5: {  	v9 =	vadd.f32 v12, v9;
	v8 =	vadd.f32 v13, v8;
	v11 =	vld [tilespmem:s28+$0x5860]  }
0xb6: {  	v4 =	vadd.f32 v4, v6;
	v5 =	vadd.f32 v5, v7;
	v12 =	vld [tilespmem:s28+$0x5870];
	s28 =	sshra.s32 s29, $0x2  }
0xb7: {  	v6 =	vadd.f32 v14, v9;
	v13 =	vld [tilespmem:s28+$0x5840];
	v7 =	vadd.f32 v15, v8  }
0xb8: {  	v4 =	vadd.f32 v2, v4;
	v5 =	vadd.f32 v3, v5;
	v14 =	vld [tilespmem:s28+$0x5850]  }
0xb9: {  	v8 =	vadd.f32 v16, v6;
	v2 =	vld [tilespmem:s28+$0x5800];
	v10 =	vadd.f32 v10, v7  }
0xba: {  	v6 =	vadd.f32 v0, v4;
	v7 =	vadd.f32 v1, v5;
	v3 =	vld [tilespmem:s28+$0x5810]  }
.Ltmp3:
0xbb: {  	v9 =	vadd.f32 v11, v8;
	v4 =	vld [tilespmem:s28+$0x57C0];
	v8 =	vadd.f32 v12, v10;
	(pc) =	sbr.rel @p0 .LBB2_9-.Ltmp3, $4  }
0xbc: {  	v5 =	vld [tilespmem:s28+$0x57D0];
	v0 =	vmov v13  }
0xbd: {  	v10 =	vld [tilespmem:s28+$0x5780];
	v1 =	vmov v14  }
0xbe: {  	v11 =	vld [tilespmem:s28+$0x5790]  }
0xbf: {  	s29 =	sadd.s32 $0x400, s29;
	v12 =	vld [tilespmem:s28+$0x57A0]  }
0xc0: {  	v13 =	vld [tilespmem:s28+$0x57B0]  }
0xc1: {  	v14 =	vld [tilespmem:s28+$0x57E0]  }
0xc2: {  	v15 =	vld [tilespmem:s28+$0x57F0]  }
0xc3: {  	v16 =	vld [tilespmem:s28+$0x5820]  }
0xc4: {  	v6 =	vadd.f32 v10, v6;
	v10 =	vld [tilespmem:s28+$0x5830];
	v9 =	vadd.f32 v12, v9  }
0xc5: {  	v7 =	vadd.f32 v11, v7;
	v11 =	vld [tilespmem:s28+$0x5860];
	v8 =	vadd.f32 v13, v8  }
0xc6: {  	v4 =	vadd.f32 v4, v6;
	v6 =	vld [tilespmem:s28+$0x5870];
	v9 =	vadd.f32 v14, v9  }
0xc7: {  	v5 =	vadd.f32 v5, v7;
	v7 =	vadd.f32 v15, v8  }
0xc8: {  	v2 =	vadd.f32 v2, v4;
	v4 =	vadd.f32 v16, v9  }
0xc9: {  	v3 =	vadd.f32 v3, v5;
	v5 =	vadd.f32 v10, v7  }
0xca: {  	v0 =	vadd.f32 v0, v2;
	v2 =	vadd.f32 v11, v4  }
0xcb: {  	v1 =	vadd.f32 v1, v3;
	v3 =	vadd.f32 v6, v5  }
0xcc: {  	v0 =	vadd.f32 v2, v0  }
0xcd: {  	v1 =	vadd.f32 v3, v1  }
0xce: {  	v0 =	vmul.f32 $4.999999890e-03, v0  }
0xcf: {  	v1 =	vmul.f32 $4.999999890e-03, v1  }
0xd0: {  	[tilespmem:$0x19CE0] =	vst v0  }
0xd1: {  	s28 =	simm.s32 $0x0;
	[tilespmem:$0x19CF0] =	vst v1  }
0xd2: {  	v0 =	vld [tilespmem:s28+$0x7140]  }
0xd3: {  	v1 =	vld [tilespmem:s28+$0x7150]  }
0xd4: {  	v2 =	vld [tilespmem:s28+$0x7100]  }
0xd5: {  	v3 =	vld [tilespmem:s28+$0x7110]  }
0xd6: {  	v4 =	vld [tilespmem:s28+$0x70C0]  }
0xd7: {  	v5 =	vld [tilespmem:s28+$0x70D0]  }
0xd8: {  	v10 =	vld [tilespmem:s28+$0x7080]  }
0xd9: {  	v8 =	vimm.f32 $0.0e+00;
	v11 =	vld [tilespmem:s28+$0x7090]  }
0xda: {  	s29 =	simm.s32 $0x400;
	v9 =	vimm.f32 $0.0e+00;
	v7 =	vimm.f32 $0.0e+00;
	v6 =	vimm.f32 $0.0e+00;
	v12 =	vld [tilespmem:s28+$0x70A0]  }
.LBB2_11:
0xdb: {  	p0 =	sne.s32 s29, $0x6000;
	v13 =	vld [tilespmem:s28+$0x70B0]  }
0xdc: {  	v14 =	vld [tilespmem:s28+$0x70E0]  }
0xdd: {  	v15 =	vld [tilespmem:s28+$0x70F0]  }
0xde: {  	v16 =	vld [tilespmem:s28+$0x7120]  }
0xdf: {  	v6 =	vadd.f32 v10, v6;
	v7 =	vadd.f32 v11, v7;
	v10 =	vld [tilespmem:s28+$0x7130]  }
0xe0: {  	v9 =	vadd.f32 v12, v9;
	v8 =	vadd.f32 v13, v8;
	v11 =	vld [tilespmem:s28+$0x7160]  }
0xe1: {  	v4 =	vadd.f32 v4, v6;
	v5 =	vadd.f32 v5, v7;
	v12 =	vld [tilespmem:s28+$0x7170];
	s28 =	sshra.s32 s29, $0x2  }
0xe2: {  	v6 =	vadd.f32 v14, v9;
	v13 =	vld [tilespmem:s28+$0x7140];
	v7 =	vadd.f32 v15, v8  }
0xe3: {  	v4 =	vadd.f32 v2, v4;
	v5 =	vadd.f32 v3, v5;
	v14 =	vld [tilespmem:s28+$0x7150]  }
0xe4: {  	v8 =	vadd.f32 v16, v6;
	v2 =	vld [tilespmem:s28+$0x7100];
	v10 =	vadd.f32 v10, v7  }
0xe5: {  	v6 =	vadd.f32 v0, v4;
	v7 =	vadd.f32 v1, v5;
	v3 =	vld [tilespmem:s28+$0x7110]  }
.Ltmp4:
0xe6: {  	v9 =	vadd.f32 v11, v8;
	v4 =	vld [tilespmem:s28+$0x70C0];
	v8 =	vadd.f32 v12, v10;
	(pc) =	sbr.rel @p0 .LBB2_11-.Ltmp4, $4  }
0xe7: {  	v5 =	vld [tilespmem:s28+$0x70D0];
	v0 =	vmov v13  }
0xe8: {  	v10 =	vld [tilespmem:s28+$0x7080];
	v1 =	vmov v14  }
0xe9: {  	v11 =	vld [tilespmem:s28+$0x7090]  }
0xea: {  	s29 =	sadd.s32 $0x400, s29;
	v12 =	vld [tilespmem:s28+$0x70A0]  }
0xeb: {  	v13 =	vld [tilespmem:s28+$0x70B0]  }
0xec: {  	v14 =	vld [tilespmem:s28+$0x70E0]  }
0xed: {  	v15 =	vld [tilespmem:s28+$0x70F0]  }
0xee: {  	v16 =	vld [tilespmem:s28+$0x7120]  }
0xef: {  	v6 =	vadd.f32 v10, v6;
	v10 =	vld [tilespmem:s28+$0x7130];
	v9 =	vadd.f32 v12, v9  }
0xf0: {  	v7 =	vadd.f32 v11, v7;
	v11 =	vld [tilespmem:s28+$0x7160];
	v8 =	vadd.f32 v13, v8  }
0xf1: {  	v4 =	vadd.f32 v4, v6;
	v6 =	vld [tilespmem:s28+$0x7170];
	v9 =	vadd.f32 v14, v9  }
0xf2: {  	v5 =	vadd.f32 v5, v7;
	v7 =	vadd.f32 v15, v8  }
0xf3: {  	v2 =	vadd.f32 v2, v4;
	v4 =	vadd.f32 v16, v9  }
0xf4: {  	v3 =	vadd.f32 v3, v5;
	v5 =	vadd.f32 v10, v7  }
0xf5: {  	v0 =	vadd.f32 v0, v2;
	v2 =	vadd.f32 v11, v4  }
0xf6: {  	v1 =	vadd.f32 v1, v3;
	v3 =	vadd.f32 v6, v5  }
0xf7: {  	v0 =	vadd.f32 v2, v0  }
0xf8: {  	v1 =	vadd.f32 v3, v1  }
0xf9: {  	v0 =	vmul.f32 $4.999999890e-03, v0  }
0xfa: {  	v1 =	vmul.f32 $4.999999890e-03, v1  }
0xfb: {  	[tilespmem:$0x19D00] =	vst v0  }
0xfc: {  	s28 =	simm.s32 $0x0;
	[tilespmem:$0x19D10] =	vst v1  }
0xfd: {  	v0 =	vld [tilespmem:s28+$0x8A40]  }
0xfe: {  	v1 =	vld [tilespmem:s28+$0x8A50]  }
0xff: {  	v2 =	vld [tilespmem:s28+$0x8A00]  }
0x100: {  	v3 =	vld [tilespmem:s28+$0x8A10]  }
0x101: {  	v4 =	vld [tilespmem:s28+$0x89C0]  }
0x102: {  	v5 =	vld [tilespmem:s28+$0x89D0]  }
0x103: {  	v10 =	vld [tilespmem:s28+$0x8980]  }
0x104: {  	v8 =	vimm.f32 $0.0e+00;
	v11 =	vld [tilespmem:s28+$0x8990]  }
0x105: {  	s29 =	simm.s32 $0x400;
	v9 =	vimm.f32 $0.0e+00;
	v7 =	vimm.f32 $0.0e+00;
	v6 =	vimm.f32 $0.0e+00;
	v12 =	vld [tilespmem:s28+$0x89A0]  }
.LBB2_13:
0x106: {  	p0 =	sne.s32 s29, $0x6000;
	v13 =	vld [tilespmem:s28+$0x89B0]  }
0x107: {  	v14 =	vld [tilespmem:s28+$0x89E0]  }
0x108: {  	v15 =	vld [tilespmem:s28+$0x89F0]  }
0x109: {  	v16 =	vld [tilespmem:s28+$0x8A20]  }
0x10a: {  	v6 =	vadd.f32 v10, v6;
	v7 =	vadd.f32 v11, v7;
	v10 =	vld [tilespmem:s28+$0x8A30]  }
0x10b: {  	v9 =	vadd.f32 v12, v9;
	v8 =	vadd.f32 v13, v8;
	v11 =	vld [tilespmem:s28+$0x8A60]  }
0x10c: {  	v4 =	vadd.f32 v4, v6;
	v5 =	vadd.f32 v5, v7;
	v12 =	vld [tilespmem:s28+$0x8A70];
	s28 =	sshra.s32 s29, $0x2  }
0x10d: {  	v6 =	vadd.f32 v14, v9;
	v13 =	vld [tilespmem:s28+$0x8A40];
	v7 =	vadd.f32 v15, v8  }
0x10e: {  	v4 =	vadd.f32 v2, v4;
	v5 =	vadd.f32 v3, v5;
	v14 =	vld [tilespmem:s28+$0x8A50]  }
0x10f: {  	v8 =	vadd.f32 v16, v6;
	v2 =	vld [tilespmem:s28+$0x8A00];
	v10 =	vadd.f32 v10, v7  }
0x110: {  	v6 =	vadd.f32 v0, v4;
	v7 =	vadd.f32 v1, v5;
	v3 =	vld [tilespmem:s28+$0x8A10]  }
.Ltmp5:
0x111: {  	v9 =	vadd.f32 v11, v8;
	v4 =	vld [tilespmem:s28+$0x89C0];
	v8 =	vadd.f32 v12, v10;
	(pc) =	sbr.rel @p0 .LBB2_13-.Ltmp5, $4  }
0x112: {  	v5 =	vld [tilespmem:s28+$0x89D0];
	v0 =	vmov v13  }
0x113: {  	v10 =	vld [tilespmem:s28+$0x8980];
	v1 =	vmov v14  }
0x114: {  	v11 =	vld [tilespmem:s28+$0x8990]  }
0x115: {  	s29 =	sadd.s32 $0x400, s29;
	v12 =	vld [tilespmem:s28+$0x89A0]  }
0x116: {  	v13 =	vld [tilespmem:s28+$0x89B0]  }
0x117: {  	v14 =	vld [tilespmem:s28+$0x89E0]  }
0x118: {  	v15 =	vld [tilespmem:s28+$0x89F0]  }
0x119: {  	v16 =	vld [tilespmem:s28+$0x8A20]  }
0x11a: {  	v6 =	vadd.f32 v10, v6;
	v10 =	vld [tilespmem:s28+$0x8A30];
	v9 =	vadd.f32 v12, v9  }
0x11b: {  	v7 =	vadd.f32 v11, v7;
	v11 =	vld [tilespmem:s28+$0x8A60];
	v8 =	vadd.f32 v13, v8  }
0x11c: {  	v4 =	vadd.f32 v4, v6;
	v6 =	vld [tilespmem:s28+$0x8A70];
	v9 =	vadd.f32 v14, v9  }
0x11d: {  	v5 =	vadd.f32 v5, v7;
	v7 =	vadd.f32 v15, v8  }
0x11e: {  	v2 =	vadd.f32 v2, v4;
	v4 =	vadd.f32 v16, v9  }
0x11f: {  	v3 =	vadd.f32 v3, v5;
	v5 =	vadd.f32 v10, v7  }
0x120: {  	v0 =	vadd.f32 v0, v2;
	v2 =	vadd.f32 v11, v4  }
0x121: {  	v1 =	vadd.f32 v1, v3;
	v3 =	vadd.f32 v6, v5  }
0x122: {  	v0 =	vadd.f32 v2, v0  }
0x123: {  	v1 =	vadd.f32 v3, v1  }
0x124: {  	v0 =	vmul.f32 $4.999999890e-03, v0  }
0x125: {  	v1 =	vmul.f32 $4.999999890e-03, v1  }
0x126: {  	[tilespmem:$0x19D20] =	vst v0  }
0x127: {  	s28 =	simm.s32 $0x0;
	[tilespmem:$0x19D30] =	vst v1  }
0x128: {  	v0 =	vld [tilespmem:s28+$0xA340]  }
0x129: {  	v1 =	vld [tilespmem:s28+$0xA350]  }
0x12a: {  	v2 =	vld [tilespmem:s28+$0xA300]  }
0x12b: {  	v3 =	vld [tilespmem:s28+$0xA310]  }
0x12c: {  	v4 =	vld [tilespmem:s28+$0xA2C0]  }
0x12d: {  	v5 =	vld [tilespmem:s28+$0xA2D0]  }
0x12e: {  	v10 =	vld [tilespmem:s28+$0xA280]  }
0x12f: {  	v8 =	vimm.f32 $0.0e+00;
	v11 =	vld [tilespmem:s28+$0xA290]  }
0x130: {  	s29 =	simm.s32 $0x400;
	v9 =	vimm.f32 $0.0e+00;
	v7 =	vimm.f32 $0.0e+00;
	v6 =	vimm.f32 $0.0e+00;
	v12 =	vld [tilespmem:s28+$0xA2A0]  }
.LBB2_15:
0x131: {  	p0 =	sne.s32 s29, $0x6000;
	v13 =	vld [tilespmem:s28+$0xA2B0]  }
0x132: {  	v14 =	vld [tilespmem:s28+$0xA2E0]  }
0x133: {  	v15 =	vld [tilespmem:s28+$0xA2F0]  }
0x134: {  	v16 =	vld [tilespmem:s28+$0xA320]  }
0x135: {  	v6 =	vadd.f32 v10, v6;
	v7 =	vadd.f32 v11, v7;
	v10 =	vld [tilespmem:s28+$0xA330]  }
0x136: {  	v9 =	vadd.f32 v12, v9;
	v8 =	vadd.f32 v13, v8;
	v11 =	vld [tilespmem:s28+$0xA360]  }
0x137: {  	v4 =	vadd.f32 v4, v6;
	v5 =	vadd.f32 v5, v7;
	v12 =	vld [tilespmem:s28+$0xA370];
	s28 =	sshra.s32 s29, $0x2  }
0x138: {  	v6 =	vadd.f32 v14, v9;
	v13 =	vld [tilespmem:s28+$0xA340];
	v7 =	vadd.f32 v15, v8  }
0x139: {  	v4 =	vadd.f32 v2, v4;
	v5 =	vadd.f32 v3, v5;
	v14 =	vld [tilespmem:s28+$0xA350]  }
0x13a: {  	v8 =	vadd.f32 v16, v6;
	v2 =	vld [tilespmem:s28+$0xA300];
	v10 =	vadd.f32 v10, v7  }
0x13b: {  	v6 =	vadd.f32 v0, v4;
	v7 =	vadd.f32 v1, v5;
	v3 =	vld [tilespmem:s28+$0xA310]  }
.Ltmp6:
0x13c: {  	v9 =	vadd.f32 v11, v8;
	v4 =	vld [tilespmem:s28+$0xA2C0];
	v8 =	vadd.f32 v12, v10;
	(pc) =	sbr.rel @p0 .LBB2_15-.Ltmp6, $4  }
0x13d: {  	v5 =	vld [tilespmem:s28+$0xA2D0];
	v0 =	vmov v13  }
0x13e: {  	v10 =	vld [tilespmem:s28+$0xA280];
	v1 =	vmov v14  }
0x13f: {  	v11 =	vld [tilespmem:s28+$0xA290]  }
0x140: {  	s29 =	sadd.s32 $0x400, s29;
	v12 =	vld [tilespmem:s28+$0xA2A0]  }
0x141: {  	v13 =	vld [tilespmem:s28+$0xA2B0]  }
0x142: {  	v14 =	vld [tilespmem:s28+$0xA2E0]  }
0x143: {  	v15 =	vld [tilespmem:s28+$0xA2F0]  }
0x144: {  	v16 =	vld [tilespmem:s28+$0xA320]  }
0x145: {  	v6 =	vadd.f32 v10, v6;
	v10 =	vld [tilespmem:s28+$0xA330];
	v9 =	vadd.f32 v12, v9  }
0x146: {  	v7 =	vadd.f32 v11, v7;
	v11 =	vld [tilespmem:s28+$0xA360];
	v8 =	vadd.f32 v13, v8  }
0x147: {  	v4 =	vadd.f32 v4, v6;
	v6 =	vld [tilespmem:s28+$0xA370];
	v9 =	vadd.f32 v14, v9  }
0x148: {  	v5 =	vadd.f32 v5, v7;
	v7 =	vadd.f32 v15, v8  }
0x149: {  	v2 =	vadd.f32 v2, v4;
	v4 =	vadd.f32 v16, v9  }
0x14a: {  	v3 =	vadd.f32 v3, v5;
	v5 =	vadd.f32 v10, v7  }
0x14b: {  	v0 =	vadd.f32 v0, v2;
	v2 =	vadd.f32 v11, v4  }
0x14c: {  	v1 =	vadd.f32 v1, v3;
	v3 =	vadd.f32 v6, v5  }
0x14d: {  	v0 =	vadd.f32 v2, v0  }
0x14e: {  	v1 =	vadd.f32 v3, v1  }
0x14f: {  	v0 =	vmul.f32 $4.999999890e-03, v0  }
0x150: {  	v1 =	vmul.f32 $4.999999890e-03, v1  }
0x151: {  	[tilespmem:$0x19D40] =	vst v0  }
0x152: {  	s28 =	simm.s32 $0x0;
	[tilespmem:$0x19D50] =	vst v1  }
0x153: {  	v0 =	vld [tilespmem:s28+$0xBC40]  }
0x154: {  	v1 =	vld [tilespmem:s28+$0xBC50]  }
0x155: {  	v2 =	vld [tilespmem:s28+$0xBC00]  }
0x156: {  	v3 =	vld [tilespmem:s28+$0xBC10]  }
0x157: {  	v4 =	vld [tilespmem:s28+$0xBBC0]  }
0x158: {  	v5 =	vld [tilespmem:s28+$0xBBD0]  }
0x159: {  	v10 =	vld [tilespmem:s28+$0xBB80]  }
0x15a: {  	v8 =	vimm.f32 $0.0e+00;
	v11 =	vld [tilespmem:s28+$0xBB90]  }
0x15b: {  	s29 =	simm.s32 $0x400;
	v9 =	vimm.f32 $0.0e+00;
	v7 =	vimm.f32 $0.0e+00;
	v6 =	vimm.f32 $0.0e+00;
	v12 =	vld [tilespmem:s28+$0xBBA0]  }
.LBB2_17:
0x15c: {  	p0 =	sne.s32 s29, $0x6000;
	v13 =	vld [tilespmem:s28+$0xBBB0]  }
0x15d: {  	v14 =	vld [tilespmem:s28+$0xBBE0]  }
0x15e: {  	v15 =	vld [tilespmem:s28+$0xBBF0]  }
0x15f: {  	v16 =	vld [tilespmem:s28+$0xBC20]  }
0x160: {  	v6 =	vadd.f32 v10, v6;
	v7 =	vadd.f32 v11, v7;
	v10 =	vld [tilespmem:s28+$0xBC30]  }
0x161: {  	v9 =	vadd.f32 v12, v9;
	v8 =	vadd.f32 v13, v8;
	v11 =	vld [tilespmem:s28+$0xBC60]  }
0x162: {  	v4 =	vadd.f32 v4, v6;
	v5 =	vadd.f32 v5, v7;
	v12 =	vld [tilespmem:s28+$0xBC70];
	s28 =	sshra.s32 s29, $0x2  }
0x163: {  	v6 =	vadd.f32 v14, v9;
	v13 =	vld [tilespmem:s28+$0xBC40];
	v7 =	vadd.f32 v15, v8  }
0x164: {  	v4 =	vadd.f32 v2, v4;
	v5 =	vadd.f32 v3, v5;
	v14 =	vld [tilespmem:s28+$0xBC50]  }
0x165: {  	v8 =	vadd.f32 v16, v6;
	v2 =	vld [tilespmem:s28+$0xBC00];
	v10 =	vadd.f32 v10, v7  }
0x166: {  	v6 =	vadd.f32 v0, v4;
	v7 =	vadd.f32 v1, v5;
	v3 =	vld [tilespmem:s28+$0xBC10]  }
.Ltmp7:
0x167: {  	v9 =	vadd.f32 v11, v8;
	v4 =	vld [tilespmem:s28+$0xBBC0];
	v8 =	vadd.f32 v12, v10;
	(pc) =	sbr.rel @p0 .LBB2_17-.Ltmp7, $4  }
0x168: {  	v5 =	vld [tilespmem:s28+$0xBBD0];
	v0 =	vmov v13  }
0x169: {  	v10 =	vld [tilespmem:s28+$0xBB80];
	v1 =	vmov v14  }
0x16a: {  	v11 =	vld [tilespmem:s28+$0xBB90]  }
0x16b: {  	s29 =	sadd.s32 $0x400, s29;
	v12 =	vld [tilespmem:s28+$0xBBA0]  }
0x16c: {  	v13 =	vld [tilespmem:s28+$0xBBB0]  }
0x16d: {  	v14 =	vld [tilespmem:s28+$0xBBE0]  }
0x16e: {  	v15 =	vld [tilespmem:s28+$0xBBF0]  }
0x16f: {  	v16 =	vld [tilespmem:s28+$0xBC20]  }
0x170: {  	v6 =	vadd.f32 v10, v6;
	v10 =	vld [tilespmem:s28+$0xBC30];
	v9 =	vadd.f32 v12, v9  }
0x171: {  	v7 =	vadd.f32 v11, v7;
	v11 =	vld [tilespmem:s28+$0xBC60];
	v8 =	vadd.f32 v13, v8  }
0x172: {  	v4 =	vadd.f32 v4, v6;
	v6 =	vld [tilespmem:s28+$0xBC70];
	v9 =	vadd.f32 v14, v9  }
0x173: {  	v5 =	vadd.f32 v5, v7;
	v7 =	vadd.f32 v15, v8  }
0x174: {  	v2 =	vadd.f32 v2, v4;
	v4 =	vadd.f32 v16, v9  }
0x175: {  	v3 =	vadd.f32 v3, v5;
	v5 =	vadd.f32 v10, v7  }
0x176: {  	v0 =	vadd.f32 v0, v2;
	v2 =	vadd.f32 v11, v4  }
0x177: {  	v1 =	vadd.f32 v1, v3;
	v3 =	vadd.f32 v6, v5  }
0x178: {  	v0 =	vadd.f32 v2, v0  }
0x179: {  	v1 =	vadd.f32 v3, v1  }
0x17a: {  	v0 =	vmul.f32 $4.999999890e-03, v0  }
0x17b: {  	v1 =	vmul.f32 $4.999999890e-03, v1  }
0x17c: {  	s28 =	sshll.u32 s25, $0x6;
	[tilespmem:$0x19D60] =	vst v0  }
0x17d: {  	p0 =	sne.s32 s25, $0x1F;
	s28 =	sadd.s32 s28, s9;
	[tilespmem:$0x19D70] =	vst v1  }
0x17e: {  	[hbm4b:s28+s3] =	stream.linear.scatter [tilespmem:s17], [sflag:$0x5], $0x100, $0x38;
	[tilespmem:$0x19E80] =	vst v63  }
0x17f: {  	s28 =	simm.s32 @p0 $0x3  }
0x180: {  	_ =	swait.ge @p0 [sflag:s28], $0x640  }
0x181: {  	s29 =	simm.s32 @p0 $0x0;
	[sflag:s28] =	ssyncset.done @p0 $0x0  }
0x182: {  	s30 =	simm.s32 @p0 $0xC80;
	[sflag:s28] =	ssyncadd.s32 @p0 $0xFFFFF9C0;
	s28 =	simm.s32 @p0 $0x640  }
0x183: {  	[tilespmem:s30], [sflag:$0x1] =	stream.indirect.gather @p0 [hbm4b:s6+s28], $0x20, s29, s28, $0xb8;
	[tilespmem:$0x19E80] =	vst v63  }
0x184: {  	s31 =	sadd.s32 @p0 s26, s12;
	s30 =	simm.s32 @p0 $0x2  }
0x185: {  	s31 =	smul.u32 @p0 $0x19, s31;
	_ =	swait.ge @p0 [sflag:s30], $0xC800  }
0x186: {  	[sflag:s30] =	ssyncset.done @p0 $0x0  }
0x187: {  	[sflag:s30] =	ssyncadd.s32 @p0 $0xFFFF3800;
	s30 =	sadd.s32 @p0 s4, s31  }
0x188: {  	[tilespmem:s28], [sflag:$0x4] =	stream.linear.gather @p0 [hbm4b:s30+s29], $0x640, $0x38;
	[tilespmem:$0x19E80] =	vst v63  }
0x189: {  	s28 =	simm.s32 @!p0 $0x2  }
0x18a: {  	_ =	swait.ge @!p0 [sflag:s28], $0xC800  }
0x18b: {  	[sflag:s28] =	ssyncset.done @!p0 $0x0  }
0x18c: {  	[sflag:s28] =	ssyncadd.s32 @!p0 $0xFFFF3800  }
0x18d: {  	_ =	swait.ge [sflag:s23], $0x100  }
0x18e: {  	[sflag:s23] =	ssyncset.done $0x0  }
0x18f: {  	s28 =	simm.s32 $0x0;
	[sflag:s23] =	ssyncadd.s32 $0xFFFFFF00  }
0x190: {  	v0 =	vld [tilespmem:s28+$0xD540]  }
0x191: {  	v1 =	vld [tilespmem:s28+$0xD550]  }
0x192: {  	v2 =	vld [tilespmem:s28+$0xD500]  }
0x193: {  	v3 =	vld [tilespmem:s28+$0xD510]  }
0x194: {  	v4 =	vld [tilespmem:s28+$0xD4C0]  }
0x195: {  	v5 =	vld [tilespmem:s28+$0xD4D0]  }
0x196: {  	v10 =	vld [tilespmem:s28+$0xD480]  }
0x197: {  	v8 =	vimm.f32 $0.0e+00;
	v11 =	vld [tilespmem:s28+$0xD490]  }
0x198: {  	v9 =	vimm.f32 $0.0e+00;
	v7 =	vimm.f32 $0.0e+00;
	v6 =	vimm.f32 $0.0e+00;
	s29 =	simm.s32 $0x400;
	v12 =	vld [tilespmem:s28+$0xD4A0]  }
.LBB2_19:
0x199: {  	p0 =	sne.s32 s29, $0x6000;
	v13 =	vld [tilespmem:s28+$0xD4B0]  }
0x19a: {  	v14 =	vld [tilespmem:s28+$0xD4E0]  }
0x19b: {  	v15 =	vld [tilespmem:s28+$0xD4F0]  }
0x19c: {  	v16 =	vld [tilespmem:s28+$0xD520]  }
0x19d: {  	v6 =	vadd.f32 v10, v6;
	v7 =	vadd.f32 v11, v7;
	v10 =	vld [tilespmem:s28+$0xD530]  }
0x19e: {  	v9 =	vadd.f32 v12, v9;
	v8 =	vadd.f32 v13, v8;
	v11 =	vld [tilespmem:s28+$0xD560]  }
0x19f: {  	v4 =	vadd.f32 v4, v6;
	v5 =	vadd.f32 v5, v7;
	v12 =	vld [tilespmem:s28+$0xD570];
	s28 =	sshra.s32 s29, $0x2  }
0x1a0: {  	v6 =	vadd.f32 v14, v9;
	v13 =	vld [tilespmem:s28+$0xD540];
	v7 =	vadd.f32 v15, v8  }
0x1a1: {  	v4 =	vadd.f32 v2, v4;
	v5 =	vadd.f32 v3, v5;
	v14 =	vld [tilespmem:s28+$0xD550]  }
0x1a2: {  	v8 =	vadd.f32 v16, v6;
	v2 =	vld [tilespmem:s28+$0xD500];
	v10 =	vadd.f32 v10, v7  }
0x1a3: {  	v6 =	vadd.f32 v0, v4;
	v7 =	vadd.f32 v1, v5;
	v3 =	vld [tilespmem:s28+$0xD510]  }
.Ltmp8:
0x1a4: {  	v9 =	vadd.f32 v11, v8;
	v4 =	vld [tilespmem:s28+$0xD4C0];
	v8 =	vadd.f32 v12, v10;
	(pc) =	sbr.rel @p0 .LBB2_19-.Ltmp8, $4  }
0x1a5: {  	v5 =	vld [tilespmem:s28+$0xD4D0];
	v0 =	vmov v13  }
0x1a6: {  	v10 =	vld [tilespmem:s28+$0xD480];
	v1 =	vmov v14  }
0x1a7: {  	v11 =	vld [tilespmem:s28+$0xD490]  }
0x1a8: {  	s29 =	sadd.s32 $0x400, s29;
	v12 =	vld [tilespmem:s28+$0xD4A0]  }
0x1a9: {  	v13 =	vld [tilespmem:s28+$0xD4B0]  }
0x1aa: {  	v14 =	vld [tilespmem:s28+$0xD4E0]  }
0x1ab: {  	v15 =	vld [tilespmem:s28+$0xD4F0]  }
0x1ac: {  	v16 =	vld [tilespmem:s28+$0xD520]  }
0x1ad: {  	v6 =	vadd.f32 v10, v6;
	v10 =	vld [tilespmem:s28+$0xD530];
	v9 =	vadd.f32 v12, v9  }
0x1ae: {  	v7 =	vadd.f32 v11, v7;
	v11 =	vld [tilespmem:s28+$0xD560];
	v8 =	vadd.f32 v13, v8  }
0x1af: {  	v4 =	vadd.f32 v4, v6;
	v6 =	vld [tilespmem:s28+$0xD570];
	v9 =	vadd.f32 v14, v9  }
0x1b0: {  	v5 =	vadd.f32 v5, v7;
	v7 =	vadd.f32 v15, v8  }
0x1b1: {  	v2 =	vadd.f32 v2, v4;
	v4 =	vadd.f32 v16, v9  }
0x1b2: {  	v3 =	vadd.f32 v3, v5;
	v5 =	vadd.f32 v10, v7  }
0x1b3: {  	v0 =	vadd.f32 v0, v2;
	v2 =	vadd.f32 v11, v4  }
0x1b4: {  	v1 =	vadd.f32 v1, v3;
	v3 =	vadd.f32 v6, v5  }
0x1b5: {  	v0 =	vadd.f32 v2, v0  }
0x1b6: {  	v1 =	vadd.f32 v3, v1  }
0x1b7: {  	v0 =	vmul.f32 $4.999999890e-03, v0  }
0x1b8: {  	v1 =	vmul.f32 $4.999999890e-03, v1  }
0x1b9: {  	[tilespmem:$0x19D80] =	vst v0  }
0x1ba: {  	s28 =	simm.s32 $0x0;
	[tilespmem:$0x19D90] =	vst v1  }
0x1bb: {  	v0 =	vld [tilespmem:s28+$0xEE40]  }
0x1bc: {  	v1 =	vld [tilespmem:s28+$0xEE50]  }
0x1bd: {  	v2 =	vld [tilespmem:s28+$0xEE00]  }
0x1be: {  	v3 =	vld [tilespmem:s28+$0xEE10]  }
0x1bf: {  	v4 =	vld [tilespmem:s28+$0xEDC0]  }
0x1c0: {  	v5 =	vld [tilespmem:s28+$0xEDD0]  }
0x1c1: {  	v10 =	vld [tilespmem:s28+$0xED80]  }
0x1c2: {  	v8 =	vimm.f32 $0.0e+00;
	v11 =	vld [tilespmem:s28+$0xED90]  }
0x1c3: {  	s29 =	simm.s32 $0x400;
	v9 =	vimm.f32 $0.0e+00;
	v7 =	vimm.f32 $0.0e+00;
	v6 =	vimm.f32 $0.0e+00;
	v12 =	vld [tilespmem:s28+$0xEDA0]  }
.LBB2_21:
0x1c4: {  	p0 =	sne.s32 s29, $0x6000;
	v13 =	vld [tilespmem:s28+$0xEDB0]  }
0x1c5: {  	v14 =	vld [tilespmem:s28+$0xEDE0]  }
0x1c6: {  	v15 =	vld [tilespmem:s28+$0xEDF0]  }
0x1c7: {  	v16 =	vld [tilespmem:s28+$0xEE20]  }
0x1c8: {  	v6 =	vadd.f32 v10, v6;
	v7 =	vadd.f32 v11, v7;
	v10 =	vld [tilespmem:s28+$0xEE30]  }
0x1c9: {  	v9 =	vadd.f32 v12, v9;
	v8 =	vadd.f32 v13, v8;
	v11 =	vld [tilespmem:s28+$0xEE60]  }
0x1ca: {  	v4 =	vadd.f32 v4, v6;
	v5 =	vadd.f32 v5, v7;
	v12 =	vld [tilespmem:s28+$0xEE70];
	s28 =	sshra.s32 s29, $0x2  }
0x1cb: {  	v6 =	vadd.f32 v14, v9;
	v13 =	vld [tilespmem:s28+$0xEE40];
	v7 =	vadd.f32 v15, v8  }
0x1cc: {  	v4 =	vadd.f32 v2, v4;
	v5 =	vadd.f32 v3, v5;
	v14 =	vld [tilespmem:s28+$0xEE50]  }
0x1cd: {  	v8 =	vadd.f32 v16, v6;
	v2 =	vld [tilespmem:s28+$0xEE00];
	v10 =	vadd.f32 v10, v7  }
0x1ce: {  	v6 =	vadd.f32 v0, v4;
	v7 =	vadd.f32 v1, v5;
	v3 =	vld [tilespmem:s28+$0xEE10]  }
.Ltmp9:
0x1cf: {  	v9 =	vadd.f32 v11, v8;
	v4 =	vld [tilespmem:s28+$0xEDC0];
	v8 =	vadd.f32 v12, v10;
	(pc) =	sbr.rel @p0 .LBB2_21-.Ltmp9, $4  }
0x1d0: {  	v5 =	vld [tilespmem:s28+$0xEDD0];
	v0 =	vmov v13  }
0x1d1: {  	v10 =	vld [tilespmem:s28+$0xED80];
	v1 =	vmov v14  }
0x1d2: {  	v11 =	vld [tilespmem:s28+$0xED90]  }
0x1d3: {  	s29 =	sadd.s32 $0x400, s29;
	v12 =	vld [tilespmem:s28+$0xEDA0]  }
0x1d4: {  	v13 =	vld [tilespmem:s28+$0xEDB0]  }
0x1d5: {  	v14 =	vld [tilespmem:s28+$0xEDE0]  }
0x1d6: {  	v15 =	vld [tilespmem:s28+$0xEDF0]  }
0x1d7: {  	v16 =	vld [tilespmem:s28+$0xEE20]  }
0x1d8: {  	v6 =	vadd.f32 v10, v6;
	v10 =	vld [tilespmem:s28+$0xEE30];
	v9 =	vadd.f32 v12, v9  }
0x1d9: {  	v7 =	vadd.f32 v11, v7;
	v11 =	vld [tilespmem:s28+$0xEE60];
	v8 =	vadd.f32 v13, v8  }
0x1da: {  	v4 =	vadd.f32 v4, v6;
	v6 =	vld [tilespmem:s28+$0xEE70];
	v9 =	vadd.f32 v14, v9  }
0x1db: {  	v5 =	vadd.f32 v5, v7;
	v7 =	vadd.f32 v15, v8  }
0x1dc: {  	v2 =	vadd.f32 v2, v4;
	v4 =	vadd.f32 v16, v9  }
0x1dd: {  	v3 =	vadd.f32 v3, v5;
	v5 =	vadd.f32 v10, v7  }
0x1de: {  	v0 =	vadd.f32 v0, v2;
	v2 =	vadd.f32 v11, v4  }
0x1df: {  	v1 =	vadd.f32 v1, v3;
	v3 =	vadd.f32 v6, v5  }
0x1e0: {  	v0 =	vadd.f32 v2, v0  }
0x1e1: {  	v1 =	vadd.f32 v3, v1  }
0x1e2: {  	v0 =	vmul.f32 $4.999999890e-03, v0  }
0x1e3: {  	v1 =	vmul.f32 $4.999999890e-03, v1  }
0x1e4: {  	[tilespmem:$0x19DA0] =	vst v0  }
0x1e5: {  	s28 =	simm.s32 $0x0;
	[tilespmem:$0x19DB0] =	vst v1  }
0x1e6: {  	v0 =	vld [tilespmem:s28+$0x10740]  }
0x1e7: {  	v1 =	vld [tilespmem:s28+$0x10750]  }
0x1e8: {  	v2 =	vld [tilespmem:s28+$0x10700]  }
0x1e9: {  	v3 =	vld [tilespmem:s28+$0x10710]  }
0x1ea: {  	v4 =	vld [tilespmem:s28+$0x106C0]  }
0x1eb: {  	v5 =	vld [tilespmem:s28+$0x106D0]  }
0x1ec: {  	v10 =	vld [tilespmem:s28+$0x10680]  }
0x1ed: {  	v8 =	vimm.f32 $0.0e+00;
	v11 =	vld [tilespmem:s28+$0x10690]  }
0x1ee: {  	s29 =	simm.s32 $0x400;
	v9 =	vimm.f32 $0.0e+00;
	v7 =	vimm.f32 $0.0e+00;
	v6 =	vimm.f32 $0.0e+00;
	v12 =	vld [tilespmem:s28+$0x106A0]  }
.LBB2_23:
0x1ef: {  	p0 =	sne.s32 s29, $0x6000;
	v13 =	vld [tilespmem:s28+$0x106B0]  }
0x1f0: {  	v14 =	vld [tilespmem:s28+$0x106E0]  }
0x1f1: {  	v15 =	vld [tilespmem:s28+$0x106F0]  }
0x1f2: {  	v16 =	vld [tilespmem:s28+$0x10720]  }
0x1f3: {  	v6 =	vadd.f32 v10, v6;
	v7 =	vadd.f32 v11, v7;
	v10 =	vld [tilespmem:s28+$0x10730]  }
0x1f4: {  	v9 =	vadd.f32 v12, v9;
	v8 =	vadd.f32 v13, v8;
	v11 =	vld [tilespmem:s28+$0x10760]  }
0x1f5: {  	v4 =	vadd.f32 v4, v6;
	v5 =	vadd.f32 v5, v7;
	v12 =	vld [tilespmem:s28+$0x10770];
	s28 =	sshra.s32 s29, $0x2  }
0x1f6: {  	v6 =	vadd.f32 v14, v9;
	v13 =	vld [tilespmem:s28+$0x10740];
	v7 =	vadd.f32 v15, v8  }
0x1f7: {  	v4 =	vadd.f32 v2, v4;
	v5 =	vadd.f32 v3, v5;
	v14 =	vld [tilespmem:s28+$0x10750]  }
0x1f8: {  	v8 =	vadd.f32 v16, v6;
	v2 =	vld [tilespmem:s28+$0x10700];
	v10 =	vadd.f32 v10, v7  }
0x1f9: {  	v6 =	vadd.f32 v0, v4;
	v7 =	vadd.f32 v1, v5;
	v3 =	vld [tilespmem:s28+$0x10710]  }
.Ltmp10:
0x1fa: {  	v9 =	vadd.f32 v11, v8;
	v4 =	vld [tilespmem:s28+$0x106C0];
	v8 =	vadd.f32 v12, v10;
	(pc) =	sbr.rel @p0 .LBB2_23-.Ltmp10, $4  }
0x1fb: {  	v5 =	vld [tilespmem:s28+$0x106D0];
	v0 =	vmov v13  }
0x1fc: {  	v10 =	vld [tilespmem:s28+$0x10680];
	v1 =	vmov v14  }
0x1fd: {  	v11 =	vld [tilespmem:s28+$0x10690]  }
0x1fe: {  	s29 =	sadd.s32 $0x400, s29;
	v12 =	vld [tilespmem:s28+$0x106A0]  }
0x1ff: {  	v13 =	vld [tilespmem:s28+$0x106B0]  }
0x200: {  	v14 =	vld [tilespmem:s28+$0x106E0]  }
0x201: {  	v15 =	vld [tilespmem:s28+$0x106F0]  }
0x202: {  	v16 =	vld [tilespmem:s28+$0x10720]  }
0x203: {  	v6 =	vadd.f32 v10, v6;
	v10 =	vld [tilespmem:s28+$0x10730];
	v9 =	vadd.f32 v12, v9  }
0x204: {  	v7 =	vadd.f32 v11, v7;
	v11 =	vld [tilespmem:s28+$0x10760];
	v8 =	vadd.f32 v13, v8  }
0x205: {  	v4 =	vadd.f32 v4, v6;
	v6 =	vld [tilespmem:s28+$0x10770];
	v9 =	vadd.f32 v14, v9  }
0x206: {  	v5 =	vadd.f32 v5, v7;
	v7 =	vadd.f32 v15, v8  }
0x207: {  	v2 =	vadd.f32 v2, v4;
	v4 =	vadd.f32 v16, v9  }
0x208: {  	v3 =	vadd.f32 v3, v5;
	v5 =	vadd.f32 v10, v7  }
0x209: {  	v0 =	vadd.f32 v0, v2;
	v2 =	vadd.f32 v11, v4  }
0x20a: {  	v1 =	vadd.f32 v1, v3;
	v3 =	vadd.f32 v6, v5  }
0x20b: {  	v0 =	vadd.f32 v2, v0  }
0x20c: {  	v1 =	vadd.f32 v3, v1  }
0x20d: {  	v0 =	vmul.f32 $4.999999890e-03, v0  }
0x20e: {  	v1 =	vmul.f32 $4.999999890e-03, v1  }
0x20f: {  	[tilespmem:$0x19DC0] =	vst v0  }
0x210: {  	s28 =	simm.s32 $0x0;
	[tilespmem:$0x19DD0] =	vst v1  }
0x211: {  	v0 =	vld [tilespmem:s28+$0x12040]  }
0x212: {  	v1 =	vld [tilespmem:s28+$0x12050]  }
0x213: {  	v2 =	vld [tilespmem:s28+$0x12000]  }
0x214: {  	v3 =	vld [tilespmem:s28+$0x12010]  }
0x215: {  	v4 =	vld [tilespmem:s28+$0x11FC0]  }
0x216: {  	v5 =	vld [tilespmem:s28+$0x11FD0]  }
0x217: {  	v10 =	vld [tilespmem:s28+$0x11F80]  }
0x218: {  	v8 =	vimm.f32 $0.0e+00;
	v11 =	vld [tilespmem:s28+$0x11F90]  }
0x219: {  	s29 =	simm.s32 $0x400;
	v9 =	vimm.f32 $0.0e+00;
	v7 =	vimm.f32 $0.0e+00;
	v6 =	vimm.f32 $0.0e+00;
	v12 =	vld [tilespmem:s28+$0x11FA0]  }
.LBB2_25:
0x21a: {  	p0 =	sne.s32 s29, $0x6000;
	v13 =	vld [tilespmem:s28+$0x11FB0]  }
0x21b: {  	v14 =	vld [tilespmem:s28+$0x11FE0]  }
0x21c: {  	v15 =	vld [tilespmem:s28+$0x11FF0]  }
0x21d: {  	v16 =	vld [tilespmem:s28+$0x12020]  }
0x21e: {  	v6 =	vadd.f32 v10, v6;
	v7 =	vadd.f32 v11, v7;
	v10 =	vld [tilespmem:s28+$0x12030]  }
0x21f: {  	v9 =	vadd.f32 v12, v9;
	v8 =	vadd.f32 v13, v8;
	v11 =	vld [tilespmem:s28+$0x12060]  }
0x220: {  	v4 =	vadd.f32 v4, v6;
	v5 =	vadd.f32 v5, v7;
	v12 =	vld [tilespmem:s28+$0x12070];
	s28 =	sshra.s32 s29, $0x2  }
0x221: {  	v6 =	vadd.f32 v14, v9;
	v13 =	vld [tilespmem:s28+$0x12040];
	v7 =	vadd.f32 v15, v8  }
0x222: {  	v4 =	vadd.f32 v2, v4;
	v5 =	vadd.f32 v3, v5;
	v14 =	vld [tilespmem:s28+$0x12050]  }
0x223: {  	v8 =	vadd.f32 v16, v6;
	v2 =	vld [tilespmem:s28+$0x12000];
	v10 =	vadd.f32 v10, v7  }
0x224: {  	v6 =	vadd.f32 v0, v4;
	v7 =	vadd.f32 v1, v5;
	v3 =	vld [tilespmem:s28+$0x12010]  }
.Ltmp11:
0x225: {  	v9 =	vadd.f32 v11, v8;
	v4 =	vld [tilespmem:s28+$0x11FC0];
	v8 =	vadd.f32 v12, v10;
	(pc) =	sbr.rel @p0 .LBB2_25-.Ltmp11, $4  }
0x226: {  	v5 =	vld [tilespmem:s28+$0x11FD0];
	v0 =	vmov v13  }
0x227: {  	v10 =	vld [tilespmem:s28+$0x11F80];
	v1 =	vmov v14  }
0x228: {  	v11 =	vld [tilespmem:s28+$0x11F90]  }
0x229: {  	s29 =	sadd.s32 $0x400, s29;
	v12 =	vld [tilespmem:s28+$0x11FA0]  }
0x22a: {  	v13 =	vld [tilespmem:s28+$0x11FB0]  }
0x22b: {  	v14 =	vld [tilespmem:s28+$0x11FE0]  }
0x22c: {  	v15 =	vld [tilespmem:s28+$0x11FF0]  }
0x22d: {  	v16 =	vld [tilespmem:s28+$0x12020]  }
0x22e: {  	v6 =	vadd.f32 v10, v6;
	v10 =	vld [tilespmem:s28+$0x12030];
	v9 =	vadd.f32 v12, v9  }
0x22f: {  	v7 =	vadd.f32 v11, v7;
	v11 =	vld [tilespmem:s28+$0x12060];
	v8 =	vadd.f32 v13, v8  }
0x230: {  	v4 =	vadd.f32 v4, v6;
	v6 =	vld [tilespmem:s28+$0x12070];
	v9 =	vadd.f32 v14, v9  }
0x231: {  	v5 =	vadd.f32 v5, v7;
	v7 =	vadd.f32 v15, v8  }
0x232: {  	v2 =	vadd.f32 v2, v4;
	v4 =	vadd.f32 v16, v9  }
0x233: {  	v3 =	vadd.f32 v3, v5;
	v5 =	vadd.f32 v10, v7  }
0x234: {  	v0 =	vadd.f32 v0, v2;
	v2 =	vadd.f32 v11, v4  }
0x235: {  	v1 =	vadd.f32 v1, v3;
	v3 =	vadd.f32 v6, v5  }
0x236: {  	v0 =	vadd.f32 v2, v0  }
0x237: {  	v1 =	vadd.f32 v3, v1  }
0x238: {  	v0 =	vmul.f32 $4.999999890e-03, v0  }
0x239: {  	v1 =	vmul.f32 $4.999999890e-03, v1  }
0x23a: {  	[tilespmem:$0x19DE0] =	vst v0  }
0x23b: {  	s28 =	simm.s32 $0x0;
	[tilespmem:$0x19DF0] =	vst v1  }
0x23c: {  	v0 =	vld [tilespmem:s28+$0x13940]  }
0x23d: {  	v1 =	vld [tilespmem:s28+$0x13950]  }
0x23e: {  	v2 =	vld [tilespmem:s28+$0x13900]  }
0x23f: {  	v3 =	vld [tilespmem:s28+$0x13910]  }
0x240: {  	v4 =	vld [tilespmem:s28+$0x138C0]  }
0x241: {  	v5 =	vld [tilespmem:s28+$0x138D0]  }
0x242: {  	v10 =	vld [tilespmem:s28+$0x13880]  }
0x243: {  	v8 =	vimm.f32 $0.0e+00;
	v11 =	vld [tilespmem:s28+$0x13890]  }
0x244: {  	s29 =	simm.s32 $0x400;
	v9 =	vimm.f32 $0.0e+00;
	v7 =	vimm.f32 $0.0e+00;
	v6 =	vimm.f32 $0.0e+00;
	v12 =	vld [tilespmem:s28+$0x138A0]  }
.LBB2_27:
0x245: {  	p0 =	sne.s32 s29, $0x6000;
	v13 =	vld [tilespmem:s28+$0x138B0]  }
0x246: {  	v14 =	vld [tilespmem:s28+$0x138E0]  }
0x247: {  	v15 =	vld [tilespmem:s28+$0x138F0]  }
0x248: {  	v16 =	vld [tilespmem:s28+$0x13920]  }
0x249: {  	v6 =	vadd.f32 v10, v6;
	v7 =	vadd.f32 v11, v7;
	v10 =	vld [tilespmem:s28+$0x13930]  }
0x24a: {  	v9 =	vadd.f32 v12, v9;
	v8 =	vadd.f32 v13, v8;
	v11 =	vld [tilespmem:s28+$0x13960]  }
0x24b: {  	v4 =	vadd.f32 v4, v6;
	v5 =	vadd.f32 v5, v7;
	v12 =	vld [tilespmem:s28+$0x13970];
	s28 =	sshra.s32 s29, $0x2  }
0x24c: {  	v6 =	vadd.f32 v14, v9;
	v13 =	vld [tilespmem:s28+$0x13940];
	v7 =	vadd.f32 v15, v8  }
0x24d: {  	v4 =	vadd.f32 v2, v4;
	v5 =	vadd.f32 v3, v5;
	v14 =	vld [tilespmem:s28+$0x13950]  }
0x24e: {  	v8 =	vadd.f32 v16, v6;
	v2 =	vld [tilespmem:s28+$0x13900];
	v10 =	vadd.f32 v10, v7  }
0x24f: {  	v6 =	vadd.f32 v0, v4;
	v7 =	vadd.f32 v1, v5;
	v3 =	vld [tilespmem:s28+$0x13910]  }
.Ltmp12:
0x250: {  	v9 =	vadd.f32 v11, v8;
	v4 =	vld [tilespmem:s28+$0x138C0];
	v8 =	vadd.f32 v12, v10;
	(pc) =	sbr.rel @p0 .LBB2_27-.Ltmp12, $4  }
0x251: {  	v5 =	vld [tilespmem:s28+$0x138D0];
	v0 =	vmov v13  }
0x252: {  	v10 =	vld [tilespmem:s28+$0x13880];
	v1 =	vmov v14  }
0x253: {  	v11 =	vld [tilespmem:s28+$0x13890]  }
0x254: {  	s29 =	sadd.s32 $0x400, s29;
	v12 =	vld [tilespmem:s28+$0x138A0]  }
0x255: {  	v13 =	vld [tilespmem:s28+$0x138B0]  }
0x256: {  	v14 =	vld [tilespmem:s28+$0x138E0]  }
0x257: {  	v15 =	vld [tilespmem:s28+$0x138F0]  }
0x258: {  	v16 =	vld [tilespmem:s28+$0x13920]  }
0x259: {  	v6 =	vadd.f32 v10, v6;
	v10 =	vld [tilespmem:s28+$0x13930];
	v9 =	vadd.f32 v12, v9  }
0x25a: {  	v7 =	vadd.f32 v11, v7;
	v11 =	vld [tilespmem:s28+$0x13960];
	v8 =	vadd.f32 v13, v8  }
0x25b: {  	v4 =	vadd.f32 v4, v6;
	v6 =	vld [tilespmem:s28+$0x13970];
	v9 =	vadd.f32 v14, v9  }
0x25c: {  	v5 =	vadd.f32 v5, v7;
	v7 =	vadd.f32 v15, v8  }
0x25d: {  	v2 =	vadd.f32 v2, v4;
	v4 =	vadd.f32 v16, v9  }
0x25e: {  	v3 =	vadd.f32 v3, v5;
	v5 =	vadd.f32 v10, v7  }
0x25f: {  	v0 =	vadd.f32 v0, v2;
	v2 =	vadd.f32 v11, v4  }
0x260: {  	v1 =	vadd.f32 v1, v3;
	v3 =	vadd.f32 v6, v5  }
0x261: {  	v0 =	vadd.f32 v2, v0  }
0x262: {  	v1 =	vadd.f32 v3, v1  }
0x263: {  	v0 =	vmul.f32 $4.999999890e-03, v0  }
0x264: {  	v1 =	vmul.f32 $4.999999890e-03, v1  }
0x265: {  	[tilespmem:$0x19E00] =	vst v0  }
0x266: {  	s28 =	simm.s32 $0x0;
	[tilespmem:$0x19E10] =	vst v1  }
0x267: {  	v0 =	vld [tilespmem:s28+$0x15240]  }
0x268: {  	v1 =	vld [tilespmem:s28+$0x15250]  }
0x269: {  	v2 =	vld [tilespmem:s28+$0x15200]  }
0x26a: {  	v3 =	vld [tilespmem:s28+$0x15210]  }
0x26b: {  	v4 =	vld [tilespmem:s28+$0x151C0]  }
0x26c: {  	v5 =	vld [tilespmem:s28+$0x151D0]  }
0x26d: {  	v10 =	vld [tilespmem:s28+$0x15180]  }
0x26e: {  	v8 =	vimm.f32 $0.0e+00;
	v11 =	vld [tilespmem:s28+$0x15190]  }
0x26f: {  	s29 =	simm.s32 $0x400;
	v9 =	vimm.f32 $0.0e+00;
	v7 =	vimm.f32 $0.0e+00;
	v6 =	vimm.f32 $0.0e+00;
	v12 =	vld [tilespmem:s28+$0x151A0]  }
.LBB2_29:
0x270: {  	p0 =	sne.s32 s29, $0x6000;
	v13 =	vld [tilespmem:s28+$0x151B0]  }
0x271: {  	v14 =	vld [tilespmem:s28+$0x151E0]  }
0x272: {  	v15 =	vld [tilespmem:s28+$0x151F0]  }
0x273: {  	v16 =	vld [tilespmem:s28+$0x15220]  }
0x274: {  	v6 =	vadd.f32 v10, v6;
	v7 =	vadd.f32 v11, v7;
	v10 =	vld [tilespmem:s28+$0x15230]  }
0x275: {  	v9 =	vadd.f32 v12, v9;
	v8 =	vadd.f32 v13, v8;
	v11 =	vld [tilespmem:s28+$0x15260]  }
0x276: {  	v4 =	vadd.f32 v4, v6;
	v5 =	vadd.f32 v5, v7;
	v12 =	vld [tilespmem:s28+$0x15270];
	s28 =	sshra.s32 s29, $0x2  }
0x277: {  	v6 =	vadd.f32 v14, v9;
	v13 =	vld [tilespmem:s28+$0x15240];
	v7 =	vadd.f32 v15, v8  }
0x278: {  	v4 =	vadd.f32 v2, v4;
	v5 =	vadd.f32 v3, v5;
	v14 =	vld [tilespmem:s28+$0x15250]  }
0x279: {  	v8 =	vadd.f32 v16, v6;
	v2 =	vld [tilespmem:s28+$0x15200];
	v10 =	vadd.f32 v10, v7  }
0x27a: {  	v6 =	vadd.f32 v0, v4;
	v7 =	vadd.f32 v1, v5;
	v3 =	vld [tilespmem:s28+$0x15210]  }
.Ltmp13:
0x27b: {  	v9 =	vadd.f32 v11, v8;
	v4 =	vld [tilespmem:s28+$0x151C0];
	v8 =	vadd.f32 v12, v10;
	(pc) =	sbr.rel @p0 .LBB2_29-.Ltmp13, $4  }
0x27c: {  	v5 =	vld [tilespmem:s28+$0x151D0];
	v0 =	vmov v13  }
0x27d: {  	v10 =	vld [tilespmem:s28+$0x15180];
	v1 =	vmov v14  }
0x27e: {  	v11 =	vld [tilespmem:s28+$0x15190]  }
0x27f: {  	s29 =	sadd.s32 $0x400, s29;
	v12 =	vld [tilespmem:s28+$0x151A0]  }
0x280: {  	v13 =	vld [tilespmem:s28+$0x151B0]  }
0x281: {  	v14 =	vld [tilespmem:s28+$0x151E0]  }
0x282: {  	v15 =	vld [tilespmem:s28+$0x151F0]  }
0x283: {  	v16 =	vld [tilespmem:s28+$0x15220]  }
0x284: {  	v6 =	vadd.f32 v10, v6;
	v10 =	vld [tilespmem:s28+$0x15230];
	v9 =	vadd.f32 v12, v9  }
0x285: {  	v7 =	vadd.f32 v11, v7;
	v11 =	vld [tilespmem:s28+$0x15260];
	v8 =	vadd.f32 v13, v8  }
0x286: {  	v4 =	vadd.f32 v4, v6;
	v6 =	vld [tilespmem:s28+$0x15270];
	v9 =	vadd.f32 v14, v9  }
0x287: {  	v5 =	vadd.f32 v5, v7;
	v7 =	vadd.f32 v15, v8  }
0x288: {  	v2 =	vadd.f32 v2, v4;
	v4 =	vadd.f32 v16, v9  }
0x289: {  	v3 =	vadd.f32 v3, v5;
	v5 =	vadd.f32 v10, v7  }
0x28a: {  	v0 =	vadd.f32 v0, v2;
	v2 =	vadd.f32 v11, v4  }
0x28b: {  	v1 =	vadd.f32 v1, v3;
	v3 =	vadd.f32 v6, v5  }
0x28c: {  	v0 =	vadd.f32 v2, v0  }
0x28d: {  	v1 =	vadd.f32 v3, v1  }
0x28e: {  	v0 =	vmul.f32 $4.999999890e-03, v0  }
0x28f: {  	v1 =	vmul.f32 $4.999999890e-03, v1  }
0x290: {  	[tilespmem:$0x19E20] =	vst v0  }
0x291: {  	s28 =	simm.s32 $0x0;
	[tilespmem:$0x19E30] =	vst v1  }
0x292: {  	v0 =	vld [tilespmem:s28+$0x16B40]  }
0x293: {  	v1 =	vld [tilespmem:s28+$0x16B50]  }
0x294: {  	v2 =	vld [tilespmem:s28+$0x16B00]  }
0x295: {  	v3 =	vld [tilespmem:s28+$0x16B10]  }
0x296: {  	v4 =	vld [tilespmem:s28+$0x16AC0]  }
0x297: {  	v5 =	vld [tilespmem:s28+$0x16AD0]  }
0x298: {  	v10 =	vld [tilespmem:s28+$0x16A80]  }
0x299: {  	v8 =	vimm.f32 $0.0e+00;
	v11 =	vld [tilespmem:s28+$0x16A90]  }
0x29a: {  	s29 =	simm.s32 $0x400;
	v9 =	vimm.f32 $0.0e+00;
	v7 =	vimm.f32 $0.0e+00;
	v6 =	vimm.f32 $0.0e+00;
	v12 =	vld [tilespmem:s28+$0x16AA0]  }
.LBB2_31:
0x29b: {  	p0 =	sne.s32 s29, $0x6000;
	v13 =	vld [tilespmem:s28+$0x16AB0]  }
0x29c: {  	v14 =	vld [tilespmem:s28+$0x16AE0]  }
0x29d: {  	v15 =	vld [tilespmem:s28+$0x16AF0]  }
0x29e: {  	v16 =	vld [tilespmem:s28+$0x16B20]  }
0x29f: {  	v6 =	vadd.f32 v10, v6;
	v7 =	vadd.f32 v11, v7;
	v10 =	vld [tilespmem:s28+$0x16B30]  }
0x2a0: {  	v9 =	vadd.f32 v12, v9;
	v8 =	vadd.f32 v13, v8;
	v11 =	vld [tilespmem:s28+$0x16B60]  }
0x2a1: {  	v4 =	vadd.f32 v4, v6;
	v5 =	vadd.f32 v5, v7;
	v12 =	vld [tilespmem:s28+$0x16B70];
	s28 =	sshra.s32 s29, $0x2  }
0x2a2: {  	v6 =	vadd.f32 v14, v9;
	v13 =	vld [tilespmem:s28+$0x16B40];
	v7 =	vadd.f32 v15, v8  }
0x2a3: {  	v4 =	vadd.f32 v2, v4;
	v5 =	vadd.f32 v3, v5;
	v14 =	vld [tilespmem:s28+$0x16B50]  }
0x2a4: {  	v8 =	vadd.f32 v16, v6;
	v2 =	vld [tilespmem:s28+$0x16B00];
	v10 =	vadd.f32 v10, v7  }
0x2a5: {  	v6 =	vadd.f32 v0, v4;
	v7 =	vadd.f32 v1, v5;
	v3 =	vld [tilespmem:s28+$0x16B10]  }
.Ltmp14:
0x2a6: {  	v9 =	vadd.f32 v11, v8;
	v4 =	vld [tilespmem:s28+$0x16AC0];
	v8 =	vadd.f32 v12, v10;
	(pc) =	sbr.rel @p0 .LBB2_31-.Ltmp14, $4  }
0x2a7: {  	v5 =	vld [tilespmem:s28+$0x16AD0];
	v0 =	vmov v13  }
0x2a8: {  	v10 =	vld [tilespmem:s28+$0x16A80];
	v1 =	vmov v14  }
0x2a9: {  	v11 =	vld [tilespmem:s28+$0x16A90]  }
0x2aa: {  	s29 =	sadd.s32 $0x400, s29;
	v12 =	vld [tilespmem:s28+$0x16AA0]  }
0x2ab: {  	v13 =	vld [tilespmem:s28+$0x16AB0]  }
0x2ac: {  	v14 =	vld [tilespmem:s28+$0x16AE0]  }
0x2ad: {  	v15 =	vld [tilespmem:s28+$0x16AF0]  }
0x2ae: {  	v16 =	vld [tilespmem:s28+$0x16B20]  }
0x2af: {  	v6 =	vadd.f32 v10, v6;
	v10 =	vld [tilespmem:s28+$0x16B30];
	v9 =	vadd.f32 v12, v9  }
0x2b0: {  	v7 =	vadd.f32 v11, v7;
	v11 =	vld [tilespmem:s28+$0x16B60];
	v8 =	vadd.f32 v13, v8  }
0x2b1: {  	v4 =	vadd.f32 v4, v6;
	v6 =	vld [tilespmem:s28+$0x16B70];
	v9 =	vadd.f32 v14, v9  }
0x2b2: {  	v5 =	vadd.f32 v5, v7;
	v7 =	vadd.f32 v15, v8  }
0x2b3: {  	v2 =	vadd.f32 v2, v4;
	v4 =	vadd.f32 v16, v9  }
0x2b4: {  	v3 =	vadd.f32 v3, v5;
	v5 =	vadd.f32 v10, v7  }
0x2b5: {  	v0 =	vadd.f32 v0, v2;
	v2 =	vadd.f32 v11, v4  }
0x2b6: {  	v1 =	vadd.f32 v1, v3;
	v3 =	vadd.f32 v6, v5  }
0x2b7: {  	v0 =	vadd.f32 v2, v0  }
0x2b8: {  	v1 =	vadd.f32 v3, v1  }
0x2b9: {  	v0 =	vmul.f32 $4.999999890e-03, v0  }
0x2ba: {  	v1 =	vmul.f32 $4.999999890e-03, v1  }
0x2bb: {  	[tilespmem:$0x19E40] =	vst v0  }
0x2bc: {  	s28 =	simm.s32 $0x0;
	[tilespmem:$0x19E50] =	vst v1  }
0x2bd: {  	v0 =	vld [tilespmem:s28+$0x18440]  }
0x2be: {  	v1 =	vld [tilespmem:s28+$0x18450]  }
0x2bf: {  	v2 =	vld [tilespmem:s28+$0x18400]  }
0x2c0: {  	v3 =	vld [tilespmem:s28+$0x18410]  }
0x2c1: {  	v4 =	vld [tilespmem:s28+$0x183C0]  }
0x2c2: {  	v5 =	vld [tilespmem:s28+$0x183D0]  }
0x2c3: {  	v10 =	vld [tilespmem:s28+$0x18380]  }
0x2c4: {  	v8 =	vimm.f32 $0.0e+00;
	v11 =	vld [tilespmem:s28+$0x18390]  }
0x2c5: {  	s29 =	simm.s32 $0x400;
	v9 =	vimm.f32 $0.0e+00;
	v7 =	vimm.f32 $0.0e+00;
	v6 =	vimm.f32 $0.0e+00;
	v12 =	vld [tilespmem:s28+$0x183A0]  }
.LBB2_33:
0x2c6: {  	p0 =	sne.s32 s29, $0x6000;
	v13 =	vld [tilespmem:s28+$0x183B0]  }
0x2c7: {  	v14 =	vld [tilespmem:s28+$0x183E0]  }
0x2c8: {  	v15 =	vld [tilespmem:s28+$0x183F0]  }
0x2c9: {  	v16 =	vld [tilespmem:s28+$0x18420]  }
0x2ca: {  	v6 =	vadd.f32 v10, v6;
	v7 =	vadd.f32 v11, v7;
	v10 =	vld [tilespmem:s28+$0x18430]  }
0x2cb: {  	v9 =	vadd.f32 v12, v9;
	v8 =	vadd.f32 v13, v8;
	v11 =	vld [tilespmem:s28+$0x18460]  }
0x2cc: {  	v4 =	vadd.f32 v4, v6;
	v5 =	vadd.f32 v5, v7;
	v12 =	vld [tilespmem:s28+$0x18470];
	s28 =	sshra.s32 s29, $0x2  }
0x2cd: {  	v6 =	vadd.f32 v14, v9;
	v13 =	vld [tilespmem:s28+$0x18440];
	v7 =	vadd.f32 v15, v8  }
0x2ce: {  	v4 =	vadd.f32 v2, v4;
	v5 =	vadd.f32 v3, v5;
	v14 =	vld [tilespmem:s28+$0x18450]  }
0x2cf: {  	v8 =	vadd.f32 v16, v6;
	v2 =	vld [tilespmem:s28+$0x18400];
	v10 =	vadd.f32 v10, v7  }
0x2d0: {  	v6 =	vadd.f32 v0, v4;
	v7 =	vadd.f32 v1, v5;
	v3 =	vld [tilespmem:s28+$0x18410]  }
.Ltmp15:
0x2d1: {  	v9 =	vadd.f32 v11, v8;
	v4 =	vld [tilespmem:s28+$0x183C0];
	v8 =	vadd.f32 v12, v10;
	(pc) =	sbr.rel @p0 .LBB2_33-.Ltmp15, $4  }
0x2d2: {  	v5 =	vld [tilespmem:s28+$0x183D0];
	v0 =	vmov v13  }
0x2d3: {  	v10 =	vld [tilespmem:s28+$0x18380];
	v1 =	vmov v14  }
0x2d4: {  	v11 =	vld [tilespmem:s28+$0x18390]  }
0x2d5: {  	s29 =	sadd.s32 $0x400, s29;
	v12 =	vld [tilespmem:s28+$0x183A0]  }
0x2d6: {  	v13 =	vld [tilespmem:s28+$0x183B0]  }
0x2d7: {  	v14 =	vld [tilespmem:s28+$0x183E0]  }
0x2d8: {  	v15 =	vld [tilespmem:s28+$0x183F0]  }
0x2d9: {  	v16 =	vld [tilespmem:s28+$0x18420]  }
0x2da: {  	v56 =	vld [tilespmem:s28+$0x18430];
	v6 =	vadd.f32 v10, v6;
	v9 =	vadd.f32 v12, v9  }
0x2db: {  	v57 =	vld [tilespmem:s28+$0x18460];
	v7 =	vadd.f32 v11, v7;
	v8 =	vadd.f32 v13, v8  }
0x2dc: {  	v58 =	vld [tilespmem:s28+$0x18470];
	v4 =	vadd.f32 v4, v6;
	v9 =	vadd.f32 v14, v9  }
0x2dd: {  	v5 =	vadd.f32 v5, v7;
	v59 =	vadd.f32 v15, v8  }
0x2de: {  	v2 =	vadd.f32 v2, v4;
	v60 =	vadd.f32 v16, v9  }
0x2df: {  	v3 =	vadd.f32 v3, v5;
	v61 =	vadd.f32 v56, v59  }
0x2e0: {  	v0 =	vadd.f32 v0, v2;
	v62 =	vadd.f32 v57, v60  }
0x2e1: {  	v1 =	vadd.f32 v1, v3;
	v63 =	vadd.f32 v58, v61  }
0x2e2: {  	s25 =	sadd.s32 $0x1, s25;
	v0 =	vadd.f32 v62, v0  }
0x2e3: {  	s26 =	sadd.s32 s26, s5;
	p0 =	sne.s32 s25, $0x20;
	v1 =	vadd.f32 v63, v1  }
.Ltmp16:
0x2e4: {  	s26 =	sshll.u32 s26, $0x2;
	v0 =	vmul.f32 $4.999999890e-03, v0;
	(pc) =	sbr.rel @p0 .LBB2_2-.Ltmp16, $4  }
0x2e5: {  	s26 =	sadd.s32 $0x20, s26;
	v1 =	vmul.f32 $4.999999890e-03, v1  }
0x2e6: {  	s26 =	sand.u32 $0x1FFFFFE0, s26;
	[tilespmem:$0x19E60] =	vst v0  }
0x2e7: {  	s26 =	sadd.s32 s2, s26;
	[tilespmem:$0x19E70] =	vst v1  }
0x2e8: {  	[hbm4b:s26+s3] =	stream.linear.scatter [tilespmem:s18], [sflag:$0x6], $0x100, $0x38;
	[tilespmem:$0x19E80] =	vst v63  }
0x2e9: {  	s24 =	sadd.s32 $0x1, s24  }
0x2ea: {  	_ =	swait.ge [sflag:s22], $0x100;
	p0 =	sne.s32 s24, s13  }
.Ltmp17:
0x2eb: {  	[sflag:s22] =	ssyncset.done $0x0;
	(pc) =	sbr.rel @p0 .LBB2_1-.Ltmp17, $4  }
0x2ec: {  	[sflag:s22] =	ssyncadd.s32 $0xFFFFFF00  }
0x2ed: {  	_ =	swait.ge [sflag:s23], $0x100  }
0x2ee: {  	[sflag:s23] =	ssyncset.done $0x0  }
0x2ef: {  	[sflag:s23] =	ssyncadd.s32 $0xFFFFFF00  }
0x2f0: {  	_ =	sfence.sel $0x180000  }
0x2f1: {  	[bflag:$0x0] =	sbarrier.arrive $0xFFFF  }
0x2f2: {  	p0 =	sne.s32 s1, $0x0;
	_ =	strace $0x90000047  }
0x2f3: {  	s0 =	sadd.s32 @!p0 $0x100000, s0;
	[bflag:$0x2] =	sbarrier.arrive $0xFFFF  }
0x2f4: {  	[sflag:s0] =	ssyncadd.tile.s32 @!p0 $0x1;
	_ =	shalt  }
.Lfunc_end2:
_tile_overlayer_lowered:
.L_overlay_start_2:
0x2f5: {  	(tag) =	ssettag $0x2  }
0x2f6: {  	s0 =	rddreg [dreg:$0x0];
	s2 =	stileid.u32  }
0x2f7: {  	s1 =	rddreg [dreg:$0x1];
	p0 =	sne.s32 s2, $0x0  }
0x2f8: {  	s3 =	rddreg [dreg:$0x2];
	[bflag:$0x3] =	sbarrier.arrive $0xFFFF;
	s2 =	simm.s32 @!p0 $0x1C07  }
0x2f9: {  	[timem:s3], [sflag:s2] =	dma.local @!p0 [hbm:s0], s1  }
0x2fa: {  	s0 =	simm.s32 @!p0 $0x7  }
0x2fb: {  	_ =	swait.ge @!p0 [sflag:s0], s1  }
0x2fc: {  	s1 =	ssub.s32 @!p0 $0x0, s1;
	[sflag:s0] =	ssyncset.done @!p0 $0x0  }
0x2fd: {  	[sflag:s0] =	ssyncadd.s32 @!p0 s1  }
0x2fe: {  	[bflag:$0x3] =	sbarrier.arrive $0xFFFF  }
0x2ff: {  	_ =	shalt  }

</sc_bundles>
